<compile_context>
chip_gen: v7x
topology: tpu7x:2x2x1
jax: 0.10.2.dev20260603
libtpu: 0.0.44.dev20260713+nightly
codegen_flags: <defaults>
</compile_context>

<pallas_src>
import functools

import jax
import jax.numpy as jnp
from jax import lax
from jax.experimental import pallas as pl
from jax.experimental.pallas import tpu as pltpu
from jax.experimental.pallas import tpu_sc as plsc

B = 16384
L = 50
D = 32
NC = 2
NS = 16
NW = NC * NS
SPW = B // NW
C = 16
CL = C * L
NCHUNK = SPW // C
SG = 8
IW = 32
IR = CL // IW


def _fire(tbl, idx_v, buf, sem):
    for r in range(IR):
        pltpu.async_copy(tbl.at[idx_v.at[r]],
                         buf.at[pl.ds(r * IW, IW)], sem)


def _drain(dummy_hbm, buf, sem):
    pltpu.make_async_copy(dummy_hbm.at[pl.ds(0, CL)], buf, sem).wait()


def _reduce(buf, pooled_v, col0):
    for g in range(C // SG):
        def red_body(l, accs):
            out = []
            for k in range(SG):
                r = (g * SG + k) * L + l
                out.append(accs[2 * k] + buf[r, pl.ds(0, 16)])
                out.append(accs[2 * k + 1] + buf[r, pl.ds(16, 16)])
            return tuple(out)

        zero = jnp.zeros((16,), jnp.float32)
        accs = lax.fori_loop(0, L, red_body, (zero,) * (2 * SG))
        for k in range(SG):
            pooled_v[g * SG + k, pl.ds(col0, 16)] = accs[2 * k]
            pooled_v[g * SG + k, pl.ds(col0 + 16, 16)] = accs[2 * k + 1]


def _pool_body(idx_uf, idx_mf, ut_hbm, mt_hbm, out_hbm,
               idxu_v, idxm_v, buf0, buf1, pooled_v, sem0, sem1):
    wid = lax.axis_index("s") * NC + lax.axis_index("c")
    sample_base = wid * SPW
    row_base = wid * (SPW * L // IW)

    pltpu.sync_copy(idx_uf.at[pl.ds(row_base, IR)], idxu_v)
    _fire(ut_hbm, idxu_v, buf0, sem0)

    def chunk_body(i, carry):
        r0 = row_base + i * IR
        pltpu.sync_copy(idx_mf.at[pl.ds(r0, IR)], idxm_v)
        _fire(mt_hbm, idxm_v, buf1, sem1)

        _drain(ut_hbm, buf0, sem0)
        _reduce(buf0, pooled_v, 0)

        nr0 = row_base + jnp.minimum(i + 1, NCHUNK - 1) * IR
        pltpu.sync_copy(idx_uf.at[pl.ds(nr0, IR)], idxu_v)
        _fire(ut_hbm, idxu_v, buf0, sem0)

        _drain(mt_hbm, buf1, sem1)
        _reduce(buf1, pooled_v, D)

        pltpu.sync_copy(pooled_v, out_hbm.at[pl.ds(sample_base + i * C, C)])
        return carry

    lax.fori_loop(0, NCHUNK, chunk_body, jnp.int32(0))
    _drain(ut_hbm, buf0, sem0)


_pooler = functools.partial(
    pl.kernel,
    out_type=jax.ShapeDtypeStruct((B, 2 * D), jnp.float32),
    mesh=plsc.VectorSubcoreMesh(core_axis_name="c", subcore_axis_name="s",
                                num_cores=NC, num_subcores=NS),
    compiler_params=pltpu.CompilerParams(use_tc_tiling_on_sc=False),
    scratch_types=[
        pltpu.VMEM((IR, IW), jnp.int32),
        pltpu.VMEM((IR, IW), jnp.int32),
        pltpu.VMEM((CL, D), jnp.float32),
        pltpu.VMEM((CL, D), jnp.float32),
        pltpu.VMEM((C, 2 * D), jnp.float32),
        pltpu.SemaphoreType.DMA,
        pltpu.SemaphoreType.DMA,
    ],
)(_pool_body)


def _mlp_body(x_ref, w1_ref, b1_ref, w2_ref, b2_ref, w3_ref, b3_ref, o_ref):
    hi = jax.lax.Precision.HIGHEST
    x = x_ref[...] * jnp.float32(1.0 / L)
    h = jnp.dot(x, w1_ref[...], preferred_element_type=jnp.float32, precision=hi)
    h = jnp.maximum(h + b1_ref[...], 0.0)
    h = jnp.dot(h, w2_ref[...], preferred_element_type=jnp.float32, precision=hi)
    h = jnp.maximum(h + b2_ref[...], 0.0)
    o_ref[...] = jnp.dot(h, w3_ref[...], preferred_element_type=jnp.float32,
                         precision=hi) + b3_ref[...]


MLP_BLK = 2048


def _mlp(pooled, W1, b1, W2, b2, W3, b3):
    grid = (B // MLP_BLK,)
    return pl.pallas_call(
        _mlp_body,
        grid=grid,
        in_specs=[
            pl.BlockSpec((MLP_BLK, 2 * D), lambda i: (i, 0)),
            pl.BlockSpec((2 * D, 256), lambda i: (0, 0)),
            pl.BlockSpec((1, 256), lambda i: (0, 0)),
            pl.BlockSpec((256, 64), lambda i: (0, 0)),
            pl.BlockSpec((1, 64), lambda i: (0, 0)),
            pl.BlockSpec((64, 1), lambda i: (0, 0)),
            pl.BlockSpec((1, 1), lambda i: (0, 0)),
        ],
        out_specs=pl.BlockSpec((MLP_BLK, 1), lambda i: (i, 0)),
        out_shape=jax.ShapeDtypeStruct((B, 1), jnp.float32),
    )(pooled, W1, b1.reshape(1, 256), W2, b2.reshape(1, 64),
      W3, b3.reshape(1, 1))


def kernel(kriteria_mentor_user, kriteria_mentor, user_table, mentor_table,
           W1, b1, W2, b2, W3, b3):
    idx_u = kriteria_mentor_user.reshape(B * L // IW, IW)
    idx_m = kriteria_mentor.reshape(B * L // IW, IW)
    pooled = _pooler(idx_u, idx_m, user_table, mentor_table)
    return _mlp(pooled, W1, b1, W2, b2, W3, b3)

# --- scband reference (transcript-rebuilt; emitter-appended) ---
"""Pipeline reference for scband-ranking-model-88527865905511 (READ-ONLY COPY).

The authoritative reference and input builder live on the scoring server;
editing this copy changes nothing except your own understanding.
"""

import jax, jax.numpy as jnp
import numpy as np

B = 16384
L = 50
VOCAB = 1000000
D = 32

def setup_inputs(seed: int = 0) -> dict:
    key = jax.random.key(seed)
    ks = jax.random.split(key, 12)
    kriteria_mentor_user = jax.random.randint(ks[0], (B, L), 0, VOCAB, dtype=jnp.int64 if jax.config.jax_enable_x64 else jnp.int32)
    kriteria_mentor = jax.random.randint(ks[1], (B, L), 0, VOCAB, dtype=jnp.int64 if jax.config.jax_enable_x64 else jnp.int32)
    user_table = jax.random.normal(ks[2], (VOCAB, D), dtype=jnp.float32) * 0.05
    mentor_table = jax.random.normal(ks[3], (VOCAB, D), dtype=jnp.float32) * 0.05
    W1 = jax.random.normal(ks[4], (2 * D, 256), dtype=jnp.float32) * (1.0 / np.sqrt(2 * D))
    b1 = jnp.zeros((256,), dtype=jnp.float32)
    W2 = jax.random.normal(ks[5], (256, 64), dtype=jnp.float32) * (1.0 / np.sqrt(256))
    b2 = jnp.zeros((64,), dtype=jnp.float32)
    W3 = jax.random.normal(ks[6], (64, 1), dtype=jnp.float32) * (1.0 / np.sqrt(64))
    b3 = jnp.zeros((1,), dtype=jnp.float32)
    return {"kriteria_mentor_user": kriteria_mentor_user, "kriteria_mentor": kriteria_mentor,
            "user_table": user_table, "mentor_table": mentor_table,
            "W1": W1, "b1": b1, "W2": W2, "b2": b2, "W3": W3, "b3": b3}

def reference(kriteria_mentor_user, kriteria_mentor, user_table, mentor_table, W1, b1, W2, b2, W3, b3):
    # Embedding lookup (token ids replace TextVectorization output) + GlobalAveragePooling1D
    user_emb = jnp.take(user_table, kriteria_mentor_user, axis=0)      # [B, L, D]
    mentor_emb = jnp.take(mentor_table, kriteria_mentor, axis=0)       # [B, L, D]
    user_vec = jnp.mean(user_emb, axis=1)                               # [B, D]
    mentor_vec = jnp.mean(mentor_emb, axis=1)                           # [B, D]
    h = jnp.concatenate([user_vec, mentor_vec], axis=1)                 # [B, 2D]
    h = jax.nn.relu(h @ W1 + b1)
    h = jax.nn.relu(h @ W2 + b2)
    out = h @ W3 + b3                                                   # [B, 1]
    return out

if __name__ == "__main__":
    import jax
    _d = setup_inputs()
    print(jax.jit(kernel)(*tuple(_d.values())))

</pallas_src>

<mosaic_0001>
#map = affine_map<(d0, d1) -> (0, 0)>
module attributes {stable_mosaic.version = 14 : i64} {
  func.func @_pool_body(%arg0: i32, %arg1: i32, %arg2: memref<25600x32xi32, #tpu.memory_space<hbm>>, %arg3: memref<25600x32xi32, #tpu.memory_space<hbm>>, %arg4: memref<1000000x32xf32, #tpu.memory_space<hbm>>, %arg5: memref<1000000x32xf32, #tpu.memory_space<hbm>>, %arg6: memref<16384x64xf32, #tpu.memory_space<hbm>>, %arg7: memref<25x32xi32, #tpu.memory_space<vmem>>, %arg8: memref<25x32xi32, #tpu.memory_space<vmem>>, %arg9: memref<800x32xf32, #tpu.memory_space<vmem>>, %arg10: memref<800x32xf32, #tpu.memory_space<vmem>>, %arg11: memref<16x64xf32, #tpu.memory_space<vmem>>, %arg12: memref<!tpu.dma_semaphore, #tpu.memory_space<semaphore_mem>>, %arg13: memref<!tpu.dma_semaphore, #tpu.memory_space<semaphore_mem>>) attributes {dimension_semantics = [#tpu.dimension_semantics<core_parallel>, #tpu.dimension_semantics<subcore_parallel>], iteration_bounds = array<i64: 2, 16>, scalar_prefetch = 0 : i64, scratch_operands = 7 : i64, tpu.core_type = #tpu.core_type<sc_vector_subcore>, window_params = [{transform_indices = #map}, {transform_indices = #map}, {transform_indices = #map}, {transform_indices = #map}, {transform_indices = #map}]} {
    %mul3A = arith.constant 2 : i32
    %mul3A_0 = arith.muli %arg1, %mul3A : i32
    %add3A = arith.addi %mul3A_0, %arg0 : i32
    %mul3A_1 = arith.constant 512 : i32
    %mul3A_2 = arith.muli %add3A, %mul3A_1 : i32
    %mul3A_3 = arith.constant 800 : i32
    %mul3A_4 = arith.muli %add3A, %mul3A_3 : i32
    "tpu.region"() ({
      %run_scoped3A = tpu.sem_alloc : memref<!tpu.dma_semaphore, #tpu.memory_space<semaphore_mem>>
      %dma_start3A_264 = arith.constant 0 : i32
      %dma_start3A_265 = tpu.memref_slice %arg2[%mul3A_4, %dma_start3A_264] : memref<25600x32xi32, #tpu.memory_space<hbm>> -> memref<25x32xi32, #tpu.memory_space<hbm>>
      %dma_start3A_266 = arith.constant 0 : i32
      %dma_start3A_267 = tpu.memref_slice %arg2[%mul3A_4, %dma_start3A_266] : memref<25600x32xi32, #tpu.memory_space<hbm>> -> memref<25x32xi32, #tpu.memory_space<hbm>>
      tpu.enqueue_dma source(%dma_start3A_267 : memref<25x32xi32, #tpu.memory_space<hbm>>) target(%arg7 : memref<25x32xi32, #tpu.memory_space<vmem>>) target_semaphore(%run_scoped3A : memref<!tpu.dma_semaphore, #tpu.memory_space<semaphore_mem>>)
      %dma_wait3A_268 = arith.constant 0 : i32
      %dma_wait3A_269 = tpu.memref_slice %arg2[%mul3A_4, %dma_wait3A_268] : memref<25600x32xi32, #tpu.memory_space<hbm>> -> memref<25x32xi32, #tpu.memory_space<hbm>>
      %dma_wait3A_270 = arith.constant 0 : i32
      %dma_wait3A_271 = tpu.memref_slice %arg2[%mul3A_4, %dma_wait3A_270] : memref<25600x32xi32, #tpu.memory_space<hbm>> -> memref<25x32xi32, #tpu.memory_space<hbm>>
      tpu.wait_dma2 semaphore(%run_scoped3A : memref<!tpu.dma_semaphore, #tpu.memory_space<semaphore_mem>>) src(%dma_wait3A_271 : memref<25x32xi32, #tpu.memory_space<hbm>>) dst(%arg7 : memref<25x32xi32, #tpu.memory_space<vmem>>)
      tpu.yield
    }) : () -> ()
    %dma_start3A = arith.constant 0 : i32
    %dma_start3A_5 = arith.constant 0 : i32
    %dma_start3A_6 = arith.constant 0 : i32
    %dma_start3A_7 = tpu.memref_slice %arg9[%dma_start3A_5, %dma_start3A_6] : memref<800x32xf32, #tpu.memory_space<vmem>> -> memref<32x32xf32, #tpu.memory_space<vmem>>
    %dma_start3A_8 = arith.constant 0 : i32
    %dma_start3A_9 = tpu.memref_slice %arg7[%dma_start3A, %dma_start3A_8] : memref<25x32xi32, #tpu.memory_space<vmem>> -> memref<1x32xi32, #tpu.memory_space<vmem>>
    %dma_start3A_10 = tpu.memref_squeeze %dma_start3A_9 : memref<1x32xi32, #tpu.memory_space<vmem>> -> memref<32xi32, #tpu.memory_space<vmem>>
    %dma_start3A_11 = arith.constant 0 : i32
    %dma_start3A_12 = arith.constant 0 : i32
    %dma_start3A_13 = tpu.memref_slice %arg4[%dma_start3A_11, %dma_start3A_12] : memref<1000000x32xf32, #tpu.memory_space<hbm>> -> memref<1000000x32xf32, #tpu.memory_space<hbm>>
    tpu.enqueue_indirect_dma source(%dma_start3A_13 : memref<1000000x32xf32, #tpu.memory_space<hbm>>) target(%dma_start3A_7 : memref<32x32xf32, #tpu.memory_space<vmem>>) offsets(%dma_start3A_10 : memref<32xi32, #tpu.memory_space<vmem>>) semaphore(%arg12 : memref<!tpu.dma_semaphore, #tpu.memory_space<semaphore_mem>>)
    %dma_start3A_14 = arith.constant 1 : i32
    %dma_start3A_15 = arith.constant 32 : i32
    %dma_start3A_16 = arith.constant 0 : i32
    %dma_start3A_17 = tpu.memref_slice %arg9[%dma_start3A_15, %dma_start3A_16] : memref<800x32xf32, #tpu.memory_space<vmem>> -> memref<32x32xf32, #tpu.memory_space<vmem>>
    %dma_start3A_18 = arith.constant 0 : i32
    %dma_start3A_19 = tpu.memref_slice %arg7[%dma_start3A_14, %dma_start3A_18] : memref<25x32xi32, #tpu.memory_space<vmem>> -> memref<1x32xi32, #tpu.memory_space<vmem>>
    %dma_start3A_20 = tpu.memref_squeeze %dma_start3A_19 : memref<1x32xi32, #tpu.memory_space<vmem>> -> memref<32xi32, #tpu.memory_space<vmem>>
    %dma_start3A_21 = arith.constant 0 : i32
    %dma_start3A_22 = arith.constant 0 : i32
    %dma_start3A_23 = tpu.memref_slice %arg4[%dma_start3A_21, %dma_start3A_22] : memref<1000000x32xf32, #tpu.memory_space<hbm>> -> memref<1000000x32xf32, #tpu.memory_space<hbm>>
    tpu.enqueue_indirect_dma source(%dma_start3A_23 : memref<1000000x32xf32, #tpu.memory_space<hbm>>) target(%dma_start3A_17 : memref<32x32xf32, #tpu.memory_space<vmem>>) offsets(%dma_start3A_20 : memref<32xi32, #tpu.memory_space<vmem>>) semaphore(%arg12 : memref<!tpu.dma_semaphore, #tpu.memory_space<semaphore_mem>>)
    %dma_start3A_24 = arith.constant 2 : i32
    %dma_start3A_25 = arith.constant 64 : i32
    %dma_start3A_26 = arith.constant 0 : i32
    %dma_start3A_27 = tpu.memref_slice %arg9[%dma_start3A_25, %dma_start3A_26] : memref<800x32xf32, #tpu.memory_space<vmem>> -> memref<32x32xf32, #tpu.memory_space<vmem>>
    %dma_start3A_28 = arith.constant 0 : i32
    %dma_start3A_29 = tpu.memref_slice %arg7[%dma_start3A_24, %dma_start3A_28] : memref<25x32xi32, #tpu.memory_space<vmem>> -> memref<1x32xi32, #tpu.memory_space<vmem>>
    %dma_start3A_30 = tpu.memref_squeeze %dma_start3A_29 : memref<1x32xi32, #tpu.memory_space<vmem>> -> memref<32xi32, #tpu.memory_space<vmem>>
    %dma_start3A_31 = arith.constant 0 : i32
    %dma_start3A_32 = arith.constant 0 : i32
    %dma_start3A_33 = tpu.memref_slice %arg4[%dma_start3A_31, %dma_start3A_32] : memref<1000000x32xf32, #tpu.memory_space<hbm>> -> memref<1000000x32xf32, #tpu.memory_space<hbm>>
    tpu.enqueue_indirect_dma source(%dma_start3A_33 : memref<1000000x32xf32, #tpu.memory_space<hbm>>) target(%dma_start3A_27 : memref<32x32xf32, #tpu.memory_space<vmem>>) offsets(%dma_start3A_30 : memref<32xi32, #tpu.memory_space<vmem>>) semaphore(%arg12 : memref<!tpu.dma_semaphore, #tpu.memory_space<semaphore_mem>>)
    %dma_start3A_34 = arith.constant 3 : i32
    %dma_start3A_35 = arith.constant 96 : i32
    %dma_start3A_36 = arith.constant 0 : i32
    %dma_start3A_37 = tpu.memref_slice %arg9[%dma_start3A_35, %dma_start3A_36] : memref<800x32xf32, #tpu.memory_space<vmem>> -> memref<32x32xf32, #tpu.memory_space<vmem>>
    %dma_start3A_38 = arith.constant 0 : i32
    %dma_start3A_39 = tpu.memref_slice %arg7[%dma_start3A_34, %dma_start3A_38] : memref<25x32xi32, #tpu.memory_space<vmem>> -> memref<1x32xi32, #tpu.memory_space<vmem>>
    %dma_start3A_40 = tpu.memref_squeeze %dma_start3A_39 : memref<1x32xi32, #tpu.memory_space<vmem>> -> memref<32xi32, #tpu.memory_space<vmem>>
    %dma_start3A_41 = arith.constant 0 : i32
    %dma_start3A_42 = arith.constant 0 : i32
    %dma_start3A_43 = tpu.memref_slice %arg4[%dma_start3A_41, %dma_start3A_42] : memref<1000000x32xf32, #tpu.memory_space<hbm>> -> memref<1000000x32xf32, #tpu.memory_space<hbm>>
    tpu.enqueue_indirect_dma source(%dma_start3A_43 : memref<1000000x32xf32, #tpu.memory_space<hbm>>) target(%dma_start3A_37 : memref<32x32xf32, #tpu.memory_space<vmem>>) offsets(%dma_start3A_40 : memref<32xi32, #tpu.memory_space<vmem>>) semaphore(%arg12 : memref<!tpu.dma_semaphore, #tpu.memory_space<semaphore_mem>>)
    %dma_start3A_44 = arith.constant 4 : i32
    %dma_start3A_45 = arith.constant 128 : i32
    %dma_start3A_46 = arith.constant 0 : i32
    %dma_start3A_47 = tpu.memref_slice %arg9[%dma_start3A_45, %dma_start3A_46] : memref<800x32xf32, #tpu.memory_space<vmem>> -> memref<32x32xf32, #tpu.memory_space<vmem>>
    %dma_start3A_48 = arith.constant 0 : i32
    %dma_start3A_49 = tpu.memref_slice %arg7[%dma_start3A_44, %dma_start3A_48] : memref<25x32xi32, #tpu.memory_space<vmem>> -> memref<1x32xi32, #tpu.memory_space<vmem>>
    %dma_start3A_50 = tpu.memref_squeeze %dma_start3A_49 : memref<1x32xi32, #tpu.memory_space<vmem>> -> memref<32xi32, #tpu.memory_space<vmem>>
    %dma_start3A_51 = arith.constant 0 : i32
    %dma_start3A_52 = arith.constant 0 : i32
    %dma_start3A_53 = tpu.memref_slice %arg4[%dma_start3A_51, %dma_start3A_52] : memref<1000000x32xf32, #tpu.memory_space<hbm>> -> memref<1000000x32xf32, #tpu.memory_space<hbm>>
    tpu.enqueue_indirect_dma source(%dma_start3A_53 : memref<1000000x32xf32, #tpu.memory_space<hbm>>) target(%dma_start3A_47 : memref<32x32xf32, #tpu.memory_space<vmem>>) offsets(%dma_start3A_50 : memref<32xi32, #tpu.memory_space<vmem>>) semaphore(%arg12 : memref<!tpu.dma_semaphore, #tpu.memory_space<semaphore_mem>>)
    %dma_start3A_54 = arith.constant 5 : i32
    %dma_start3A_55 = arith.constant 160 : i32
    %dma_start3A_56 = arith.constant 0 : i32
    %dma_start3A_57 = tpu.memref_slice %arg9[%dma_start3A_55, %dma_start3A_56] : memref<800x32xf32, #tpu.memory_space<vmem>> -> memref<32x32xf32, #tpu.memory_space<vmem>>
    %dma_start3A_58 = arith.constant 0 : i32
    %dma_start3A_59 = tpu.memref_slice %arg7[%dma_start3A_54, %dma_start3A_58] : memref<25x32xi32, #tpu.memory_space<vmem>> -> memref<1x32xi32, #tpu.memory_space<vmem>>
    %dma_start3A_60 = tpu.memref_squeeze %dma_start3A_59 : memref<1x32xi32, #tpu.memory_space<vmem>> -> memref<32xi32, #tpu.memory_space<vmem>>
    %dma_start3A_61 = arith.constant 0 : i32
    %dma_start3A_62 = arith.constant 0 : i32
    %dma_start3A_63 = tpu.memref_slice %arg4[%dma_start3A_61, %dma_start3A_62] : memref<1000000x32xf32, #tpu.memory_space<hbm>> -> memref<1000000x32xf32, #tpu.memory_space<hbm>>
    tpu.enqueue_indirect_dma source(%dma_start3A_63 : memref<1000000x32xf32, #tpu.memory_space<hbm>>) target(%dma_start3A_57 : memref<32x32xf32, #tpu.memory_space<vmem>>) offsets(%dma_start3A_60 : memref<32xi32, #tpu.memory_space<vmem>>) semaphore(%arg12 : memref<!tpu.dma_semaphore, #tpu.memory_space<semaphore_mem>>)
    %dma_start3A_64 = arith.constant 6 : i32
    %dma_start3A_65 = arith.constant 192 : i32
    %dma_start3A_66 = arith.constant 0 : i32
    %dma_start3A_67 = tpu.memref_slice %arg9[%dma_start3A_65, %dma_start3A_66] : memref<800x32xf32, #tpu.memory_space<vmem>> -> memref<32x32xf32, #tpu.memory_space<vmem>>
    %dma_start3A_68 = arith.constant 0 : i32
    %dma_start3A_69 = tpu.memref_slice %arg7[%dma_start3A_64, %dma_start3A_68] : memref<25x32xi32, #tpu.memory_space<vmem>> -> memref<1x32xi32, #tpu.memory_space<vmem>>
    %dma_start3A_70 = tpu.memref_squeeze %dma_start3A_69 : memref<1x32xi32, #tpu.memory_space<vmem>> -> memref<32xi32, #tpu.memory_space<vmem>>
    %dma_start3A_71 = arith.constant 0 : i32
    %dma_start3A_72 = arith.constant 0 : i32
    %dma_start3A_73 = tpu.memref_slice %arg4[%dma_start3A_71, %dma_start3A_72] : memref<1000000x32xf32, #tpu.memory_space<hbm>> -> memref<1000000x32xf32, #tpu.memory_space<hbm>>
    tpu.enqueue_indirect_dma source(%dma_start3A_73 : memref<1000000x32xf32, #tpu.memory_space<hbm>>) target(%dma_start3A_67 : memref<32x32xf32, #tpu.memory_space<vmem>>) offsets(%dma_start3A_70 : memref<32xi32, #tpu.memory_space<vmem>>) semaphore(%arg12 : memref<!tpu.dma_semaphore, #tpu.memory_space<semaphore_mem>>)
    %dma_start3A_74 = arith.constant 7 : i32
    %dma_start3A_75 = arith.constant 224 : i32
    %dma_start3A_76 = arith.constant 0 : i32
    %dma_start3A_77 = tpu.memref_slice %arg9[%dma_start3A_75, %dma_start3A_76] : memref<800x32xf32, #tpu.memory_space<vmem>> -> memref<32x32xf32, #tpu.memory_space<vmem>>
    %dma_start3A_78 = arith.constant 0 : i32
    %dma_start3A_79 = tpu.memref_slice %arg7[%dma_start3A_74, %dma_start3A_78] : memref<25x32xi32, #tpu.memory_space<vmem>> -> memref<1x32xi32, #tpu.memory_space<vmem>>
    %dma_start3A_80 = tpu.memref_squeeze %dma_start3A_79 : memref<1x32xi32, #tpu.memory_space<vmem>> -> memref<32xi32, #tpu.memory_space<vmem>>
    %dma_start3A_81 = arith.constant 0 : i32
    %dma_start3A_82 = arith.constant 0 : i32
    %dma_start3A_83 = tpu.memref_slice %arg4[%dma_start3A_81, %dma_start3A_82] : memref<1000000x32xf32, #tpu.memory_space<hbm>> -> memref<1000000x32xf32, #tpu.memory_space<hbm>>
    tpu.enqueue_indirect_dma source(%dma_start3A_83 : memref<1000000x32xf32, #tpu.memory_space<hbm>>) target(%dma_start3A_77 : memref<32x32xf32, #tpu.memory_space<vmem>>) offsets(%dma_start3A_80 : memref<32xi32, #tpu.memory_space<vmem>>) semaphore(%arg12 : memref<!tpu.dma_semaphore, #tpu.memory_space<semaphore_mem>>)
    %dma_start3A_84 = arith.constant 8 : i32
    %dma_start3A_85 = arith.constant 256 : i32
    %dma_start3A_86 = arith.constant 0 : i32
    %dma_start3A_87 = tpu.memref_slice %arg9[%dma_start3A_85, %dma_start3A_86] : memref<800x32xf32, #tpu.memory_space<vmem>> -> memref<32x32xf32, #tpu.memory_space<vmem>>
    %dma_start3A_88 = arith.constant 0 : i32
    %dma_start3A_89 = tpu.memref_slice %arg7[%dma_start3A_84, %dma_start3A_88] : memref<25x32xi32, #tpu.memory_space<vmem>> -> memref<1x32xi32, #tpu.memory_space<vmem>>
    %dma_start3A_90 = tpu.memref_squeeze %dma_start3A_89 : memref<1x32xi32, #tpu.memory_space<vmem>> -> memref<32xi32, #tpu.memory_space<vmem>>
    %dma_start3A_91 = arith.constant 0 : i32
    %dma_start3A_92 = arith.constant 0 : i32
    %dma_start3A_93 = tpu.memref_slice %arg4[%dma_start3A_91, %dma_start3A_92] : memref<1000000x32xf32, #tpu.memory_space<hbm>> -> memref<1000000x32xf32, #tpu.memory_space<hbm>>
    tpu.enqueue_indirect_dma source(%dma_start3A_93 : memref<1000000x32xf32, #tpu.memory_space<hbm>>) target(%dma_start3A_87 : memref<32x32xf32, #tpu.memory_space<vmem>>) offsets(%dma_start3A_90 : memref<32xi32, #tpu.memory_space<vmem>>) semaphore(%arg12 : memref<!tpu.dma_semaphore, #tpu.memory_space<semaphore_mem>>)
    %dma_start3A_94 = arith.constant 9 : i32
    %dma_start3A_95 = arith.constant 288 : i32
    %dma_start3A_96 = arith.constant 0 : i32
    %dma_start3A_97 = tpu.memref_slice %arg9[%dma_start3A_95, %dma_start3A_96] : memref<800x32xf32, #tpu.memory_space<vmem>> -> memref<32x32xf32, #tpu.memory_space<vmem>>
    %dma_start3A_98 = arith.constant 0 : i32
    %dma_start3A_99 = tpu.memref_slice %arg7[%dma_start3A_94, %dma_start3A_98] : memref<25x32xi32, #tpu.memory_space<vmem>> -> memref<1x32xi32, #tpu.memory_space<vmem>>
    %dma_start3A_100 = tpu.memref_squeeze %dma_start3A_99 : memref<1x32xi32, #tpu.memory_space<vmem>> -> memref<32xi32, #tpu.memory_space<vmem>>
    %dma_start3A_101 = arith.constant 0 : i32
    %dma_start3A_102 = arith.constant 0 : i32
    %dma_start3A_103 = tpu.memref_slice %arg4[%dma_start3A_101, %dma_start3A_102] : memref<1000000x32xf32, #tpu.memory_space<hbm>> -> memref<1000000x32xf32, #tpu.memory_space<hbm>>
    tpu.enqueue_indirect_dma source(%dma_start3A_103 : memref<1000000x32xf32, #tpu.memory_space<hbm>>) target(%dma_start3A_97 : memref<32x32xf32, #tpu.memory_space<vmem>>) offsets(%dma_start3A_100 : memref<32xi32, #tpu.memory_space<vmem>>) semaphore(%arg12 : memref<!tpu.dma_semaphore, #tpu.memory_space<semaphore_mem>>)
    %dma_start3A_104 = arith.constant 10 : i32
    %dma_start3A_105 = arith.constant 320 : i32
    %dma_start3A_106 = arith.constant 0 : i32
    %dma_start3A_107 = tpu.memref_slice %arg9[%dma_start3A_105, %dma_start3A_106] : memref<800x32xf32, #tpu.memory_space<vmem>> -> memref<32x32xf32, #tpu.memory_space<vmem>>
    %dma_start3A_108 = arith.constant 0 : i32
    %dma_start3A_109 = tpu.memref_slice %arg7[%dma_start3A_104, %dma_start3A_108] : memref<25x32xi32, #tpu.memory_space<vmem>> -> memref<1x32xi32, #tpu.memory_space<vmem>>
    %dma_start3A_110 = tpu.memref_squeeze %dma_start3A_109 : memref<1x32xi32, #tpu.memory_space<vmem>> -> memref<32xi32, #tpu.memory_space<vmem>>
    %dma_start3A_111 = arith.constant 0 : i32
    %dma_start3A_112 = arith.constant 0 : i32
    %dma_start3A_113 = tpu.memref_slice %arg4[%dma_start3A_111, %dma_start3A_112] : memref<1000000x32xf32, #tpu.memory_space<hbm>> -> memref<1000000x32xf32, #tpu.memory_space<hbm>>
    tpu.enqueue_indirect_dma source(%dma_start3A_113 : memref<1000000x32xf32, #tpu.memory_space<hbm>>) target(%dma_start3A_107 : memref<32x32xf32, #tpu.memory_space<vmem>>) offsets(%dma_start3A_110 : memref<32xi32, #tpu.memory_space<vmem>>) semaphore(%arg12 : memref<!tpu.dma_semaphore, #tpu.memory_space<semaphore_mem>>)
    %dma_start3A_114 = arith.constant 11 : i32
    %dma_start3A_115 = arith.constant 352 : i32
    %dma_start3A_116 = arith.constant 0 : i32
    %dma_start3A_117 = tpu.memref_slice %arg9[%dma_start3A_115, %dma_start3A_116] : memref<800x32xf32, #tpu.memory_space<vmem>> -> memref<32x32xf32, #tpu.memory_space<vmem>>
    %dma_start3A_118 = arith.constant 0 : i32
    %dma_start3A_119 = tpu.memref_slice %arg7[%dma_start3A_114, %dma_start3A_118] : memref<25x32xi32, #tpu.memory_space<vmem>> -> memref<1x32xi32, #tpu.memory_space<vmem>>
    %dma_start3A_120 = tpu.memref_squeeze %dma_start3A_119 : memref<1x32xi32, #tpu.memory_space<vmem>> -> memref<32xi32, #tpu.memory_space<vmem>>
    %dma_start3A_121 = arith.constant 0 : i32
    %dma_start3A_122 = arith.constant 0 : i32
    %dma_start3A_123 = tpu.memref_slice %arg4[%dma_start3A_121, %dma_start3A_122] : memref<1000000x32xf32, #tpu.memory_space<hbm>> -> memref<1000000x32xf32, #tpu.memory_space<hbm>>
    tpu.enqueue_indirect_dma source(%dma_start3A_123 : memref<1000000x32xf32, #tpu.memory_space<hbm>>) target(%dma_start3A_117 : memref<32x32xf32, #tpu.memory_space<vmem>>) offsets(%dma_start3A_120 : memref<32xi32, #tpu.memory_space<vmem>>) semaphore(%arg12 : memref<!tpu.dma_semaphore, #tpu.memory_space<semaphore_mem>>)
    %dma_start3A_124 = arith.constant 12 : i32
    %dma_start3A_125 = arith.constant 384 : i32
    %dma_start3A_126 = arith.constant 0 : i32
    %dma_start3A_127 = tpu.memref_slice %arg9[%dma_start3A_125, %dma_start3A_126] : memref<800x32xf32, #tpu.memory_space<vmem>> -> memref<32x32xf32, #tpu.memory_space<vmem>>
    %dma_start3A_128 = arith.constant 0 : i32
    %dma_start3A_129 = tpu.memref_slice %arg7[%dma_start3A_124, %dma_start3A_128] : memref<25x32xi32, #tpu.memory_space<vmem>> -> memref<1x32xi32, #tpu.memory_space<vmem>>
    %dma_start3A_130 = tpu.memref_squeeze %dma_start3A_129 : memref<1x32xi32, #tpu.memory_space<vmem>> -> memref<32xi32, #tpu.memory_space<vmem>>
    %dma_start3A_131 = arith.constant 0 : i32
    %dma_start3A_132 = arith.constant 0 : i32
    %dma_start3A_133 = tpu.memref_slice %arg4[%dma_start3A_131, %dma_start3A_132] : memref<1000000x32xf32, #tpu.memory_space<hbm>> -> memref<1000000x32xf32, #tpu.memory_space<hbm>>
    tpu.enqueue_indirect_dma source(%dma_start3A_133 : memref<1000000x32xf32, #tpu.memory_space<hbm>>) target(%dma_start3A_127 : memref<32x32xf32, #tpu.memory_space<vmem>>) offsets(%dma_start3A_130 : memref<32xi32, #tpu.memory_space<vmem>>) semaphore(%arg12 : memref<!tpu.dma_semaphore, #tpu.memory_space<semaphore_mem>>)
    %dma_start3A_134 = arith.constant 13 : i32
    %dma_start3A_135 = arith.constant 416 : i32
    %dma_start3A_136 = arith.constant 0 : i32
    %dma_start3A_137 = tpu.memref_slice %arg9[%dma_start3A_135, %dma_start3A_136] : memref<800x32xf32, #tpu.memory_space<vmem>> -> memref<32x32xf32, #tpu.memory_space<vmem>>
    %dma_start3A_138 = arith.constant 0 : i32
    %dma_start3A_139 = tpu.memref_slice %arg7[%dma_start3A_134, %dma_start3A_138] : memref<25x32xi32, #tpu.memory_space<vmem>> -> memref<1x32xi32, #tpu.memory_space<vmem>>
    %dma_start3A_140 = tpu.memref_squeeze %dma_start3A_139 : memref<1x32xi32, #tpu.memory_space<vmem>> -> memref<32xi32, #tpu.memory_space<vmem>>
    %dma_start3A_141 = arith.constant 0 : i32
    %dma_start3A_142 = arith.constant 0 : i32
    %dma_start3A_143 = tpu.memref_slice %arg4[%dma_start3A_141, %dma_start3A_142] : memref<1000000x32xf32, #tpu.memory_space<hbm>> -> memref<1000000x32xf32, #tpu.memory_space<hbm>>
    tpu.enqueue_indirect_dma source(%dma_start3A_143 : memref<1000000x32xf32, #tpu.memory_space<hbm>>) target(%dma_start3A_137 : memref<32x32xf32, #tpu.memory_space<vmem>>) offsets(%dma_start3A_140 : memref<32xi32, #tpu.memory_space<vmem>>) semaphore(%arg12 : memref<!tpu.dma_semaphore, #tpu.memory_space<semaphore_mem>>)
    %dma_start3A_144 = arith.constant 14 : i32
    %dma_start3A_145 = arith.constant 448 : i32
    %dma_start3A_146 = arith.constant 0 : i32
    %dma_start3A_147 = tpu.memref_slice %arg9[%dma_start3A_145, %dma_start3A_146] : memref<800x32xf32, #tpu.memory_space<vmem>> -> memref<32x32xf32, #tpu.memory_space<vmem>>
    %dma_start3A_148 = arith.constant 0 : i32
    %dma_start3A_149 = tpu.memref_slice %arg7[%dma_start3A_144, %dma_start3A_148] : memref<25x32xi32, #tpu.memory_space<vmem>> -> memref<1x32xi32, #tpu.memory_space<vmem>>
    %dma_start3A_150 = tpu.memref_squeeze %dma_start3A_149 : memref<1x32xi32, #tpu.memory_space<vmem>> -> memref<32xi32, #tpu.memory_space<vmem>>
    %dma_start3A_151 = arith.constant 0 : i32
    %dma_start3A_152 = arith.constant 0 : i32
    %dma_start3A_153 = tpu.memref_slice %arg4[%dma_start3A_151, %dma_start3A_152] : memref<1000000x32xf32, #tpu.memory_space<hbm>> -> memref<1000000x32xf32, #tpu.memory_space<hbm>>
    tpu.enqueue_indirect_dma source(%dma_start3A_153 : memref<1000000x32xf32, #tpu.memory_space<hbm>>) target(%dma_start3A_147 : memref<32x32xf32, #tpu.memory_space<vmem>>) offsets(%dma_start3A_150 : memref<32xi32, #tpu.memory_space<vmem>>) semaphore(%arg12 : memref<!tpu.dma_semaphore, #tpu.memory_space<semaphore_mem>>)
    %dma_start3A_154 = arith.constant 15 : i32
    %dma_start3A_155 = arith.constant 480 : i32
    %dma_start3A_156 = arith.constant 0 : i32
    %dma_start3A_157 = tpu.memref_slice %arg9[%dma_start3A_155, %dma_start3A_156] : memref<800x32xf32, #tpu.memory_space<vmem>> -> memref<32x32xf32, #tpu.memory_space<vmem>>
    %dma_start3A_158 = arith.constant 0 : i32
    %dma_start3A_159 = tpu.memref_slice %arg7[%dma_start3A_154, %dma_start3A_158] : memref<25x32xi32, #tpu.memory_space<vmem>> -> memref<1x32xi32, #tpu.memory_space<vmem>>
    %dma_start3A_160 = tpu.memref_squeeze %dma_start3A_159 : memref<1x32xi32, #tpu.memory_space<vmem>> -> memref<32xi32, #tpu.memory_space<vmem>>
    %dma_start3A_161 = arith.constant 0 : i32
    %dma_start3A_162 = arith.constant 0 : i32
    %dma_start3A_163 = tpu.memref_slice %arg4[%dma_start3A_161, %dma_start3A_162] : memref<1000000x32xf32, #tpu.memory_space<hbm>> -> memref<1000000x32xf32, #tpu.memory_space<hbm>>
    tpu.enqueue_indirect_dma source(%dma_start3A_163 : memref<1000000x32xf32, #tpu.memory_space<hbm>>) target(%dma_start3A_157 : memref<32x32xf32, #tpu.memory_space<vmem>>) offsets(%dma_start3A_160 : memref<32xi32, #tpu.memory_space<vmem>>) semaphore(%arg12 : memref<!tpu.dma_semaphore, #tpu.memory_space<semaphore_mem>>)
    %dma_start3A_164 = arith.constant 16 : i32
    %dma_start3A_165 = arith.constant 512 : i32
    %dma_start3A_166 = arith.constant 0 : i32
    %dma_start3A_167 = tpu.memref_slice %arg9[%dma_start3A_165, %dma_start3A_166] : memref<800x32xf32, #tpu.memory_space<vmem>> -> memref<32x32xf32, #tpu.memory_space<vmem>>
    %dma_start3A_168 = arith.constant 0 : i32
    %dma_start3A_169 = tpu.memref_slice %arg7[%dma_start3A_164, %dma_start3A_168] : memref<25x32xi32, #tpu.memory_space<vmem>> -> memref<1x32xi32, #tpu.memory_space<vmem>>
    %dma_start3A_170 = tpu.memref_squeeze %dma_start3A_169 : memref<1x32xi32, #tpu.memory_space<vmem>> -> memref<32xi32, #tpu.memory_space<vmem>>
    %dma_start3A_171 = arith.constant 0 : i32
    %dma_start3A_172 = arith.constant 0 : i32
    %dma_start3A_173 = tpu.memref_slice %arg4[%dma_start3A_171, %dma_start3A_172] : memref<1000000x32xf32, #tpu.memory_space<hbm>> -> memref<1000000x32xf32, #tpu.memory_space<hbm>>
    tpu.enqueue_indirect_dma source(%dma_start3A_173 : memref<1000000x32xf32, #tpu.memory_space<hbm>>) target(%dma_start3A_167 : memref<32x32xf32, #tpu.memory_space<vmem>>) offsets(%dma_start3A_170 : memref<32xi32, #tpu.memory_space<vmem>>) semaphore(%arg12 : memref<!tpu.dma_semaphore, #tpu.memory_space<semaphore_mem>>)
    %dma_start3A_174 = arith.constant 17 : i32
    %dma_start3A_175 = arith.constant 544 : i32
    %dma_start3A_176 = arith.constant 0 : i32
    %dma_start3A_177 = tpu.memref_slice %arg9[%dma_start3A_175, %dma_start3A_176] : memref<800x32xf32, #tpu.memory_space<vmem>> -> memref<32x32xf32, #tpu.memory_space<vmem>>
    %dma_start3A_178 = arith.constant 0 : i32
    %dma_start3A_179 = tpu.memref_slice %arg7[%dma_start3A_174, %dma_start3A_178] : memref<25x32xi32, #tpu.memory_space<vmem>> -> memref<1x32xi32, #tpu.memory_space<vmem>>
    %dma_start3A_180 = tpu.memref_squeeze %dma_start3A_179 : memref<1x32xi32, #tpu.memory_space<vmem>> -> memref<32xi32, #tpu.memory_space<vmem>>
    %dma_start3A_181 = arith.constant 0 : i32
    %dma_start3A_182 = arith.constant 0 : i32
    %dma_start3A_183 = tpu.memref_slice %arg4[%dma_start3A_181, %dma_start3A_182] : memref<1000000x32xf32, #tpu.memory_space<hbm>> -> memref<1000000x32xf32, #tpu.memory_space<hbm>>
    tpu.enqueue_indirect_dma source(%dma_start3A_183 : memref<1000000x32xf32, #tpu.memory_space<hbm>>) target(%dma_start3A_177 : memref<32x32xf32, #tpu.memory_space<vmem>>) offsets(%dma_start3A_180 : memref<32xi32, #tpu.memory_space<vmem>>) semaphore(%arg12 : memref<!tpu.dma_semaphore, #tpu.memory_space<semaphore_mem>>)
    %dma_start3A_184 = arith.constant 18 : i32
    %dma_start3A_185 = arith.constant 576 : i32
    %dma_start3A_186 = arith.constant 0 : i32
    %dma_start3A_187 = tpu.memref_slice %arg9[%dma_start3A_185, %dma_start3A_186] : memref<800x32xf32, #tpu.memory_space<vmem>> -> memref<32x32xf32, #tpu.memory_space<vmem>>
    %dma_start3A_188 = arith.constant 0 : i32
    %dma_start3A_189 = tpu.memref_slice %arg7[%dma_start3A_184, %dma_start3A_188] : memref<25x32xi32, #tpu.memory_space<vmem>> -> memref<1x32xi32, #tpu.memory_space<vmem>>
    %dma_start3A_190 = tpu.memref_squeeze %dma_start3A_189 : memref<1x32xi32, #tpu.memory_space<vmem>> -> memref<32xi32, #tpu.memory_space<vmem>>
    %dma_start3A_191 = arith.constant 0 : i32
    %dma_start3A_192 = arith.constant 0 : i32
    %dma_start3A_193 = tpu.memref_slice %arg4[%dma_start3A_191, %dma_start3A_192] : memref<1000000x32xf32, #tpu.memory_space<hbm>> -> memref<1000000x32xf32, #tpu.memory_space<hbm>>
    tpu.enqueue_indirect_dma source(%dma_start3A_193 : memref<1000000x32xf32, #tpu.memory_space<hbm>>) target(%dma_start3A_187 : memref<32x32xf32, #tpu.memory_space<vmem>>) offsets(%dma_start3A_190 : memref<32xi32, #tpu.memory_space<vmem>>) semaphore(%arg12 : memref<!tpu.dma_semaphore, #tpu.memory_space<semaphore_mem>>)
    %dma_start3A_194 = arith.constant 19 : i32
    %dma_start3A_195 = arith.constant 608 : i32
    %dma_start3A_196 = arith.constant 0 : i32
    %dma_start3A_197 = tpu.memref_slice %arg9[%dma_start3A_195, %dma_start3A_196] : memref<800x32xf32, #tpu.memory_space<vmem>> -> memref<32x32xf32, #tpu.memory_space<vmem>>
    %dma_start3A_198 = arith.constant 0 : i32
    %dma_start3A_199 = tpu.memref_slice %arg7[%dma_start3A_194, %dma_start3A_198] : memref<25x32xi32, #tpu.memory_space<vmem>> -> memref<1x32xi32, #tpu.memory_space<vmem>>
    %dma_start3A_200 = tpu.memref_squeeze %dma_start3A_199 : memref<1x32xi32, #tpu.memory_space<vmem>> -> memref<32xi32, #tpu.memory_space<vmem>>
    %dma_start3A_201 = arith.constant 0 : i32
    %dma_start3A_202 = arith.constant 0 : i32
    %dma_start3A_203 = tpu.memref_slice %arg4[%dma_start3A_201, %dma_start3A_202] : memref<1000000x32xf32, #tpu.memory_space<hbm>> -> memref<1000000x32xf32, #tpu.memory_space<hbm>>
    tpu.enqueue_indirect_dma source(%dma_start3A_203 : memref<1000000x32xf32, #tpu.memory_space<hbm>>) target(%dma_start3A_197 : memref<32x32xf32, #tpu.memory_space<vmem>>) offsets(%dma_start3A_200 : memref<32xi32, #tpu.memory_space<vmem>>) semaphore(%arg12 : memref<!tpu.dma_semaphore, #tpu.memory_space<semaphore_mem>>)
    %dma_start3A_204 = arith.constant 20 : i32
    %dma_start3A_205 = arith.constant 640 : i32
    %dma_start3A_206 = arith.constant 0 : i32
    %dma_start3A_207 = tpu.memref_slice %arg9[%dma_start3A_205, %dma_start3A_206] : memref<800x32xf32, #tpu.memory_space<vmem>> -> memref<32x32xf32, #tpu.memory_space<vmem>>
    %dma_start3A_208 = arith.constant 0 : i32
    %dma_start3A_209 = tpu.memref_slice %arg7[%dma_start3A_204, %dma_start3A_208] : memref<25x32xi32, #tpu.memory_space<vmem>> -> memref<1x32xi32, #tpu.memory_space<vmem>>
    %dma_start3A_210 = tpu.memref_squeeze %dma_start3A_209 : memref<1x32xi32, #tpu.memory_space<vmem>> -> memref<32xi32, #tpu.memory_space<vmem>>
    %dma_start3A_211 = arith.constant 0 : i32
    %dma_start3A_212 = arith.constant 0 : i32
    %dma_start3A_213 = tpu.memref_slice %arg4[%dma_start3A_211, %dma_start3A_212] : memref<1000000x32xf32, #tpu.memory_space<hbm>> -> memref<1000000x32xf32, #tpu.memory_space<hbm>>
    tpu.enqueue_indirect_dma source(%dma_start3A_213 : memref<1000000x32xf32, #tpu.memory_space<hbm>>) target(%dma_start3A_207 : memref<32x32xf32, #tpu.memory_space<vmem>>) offsets(%dma_start3A_210 : memref<32xi32, #tpu.memory_space<vmem>>) semaphore(%arg12 : memref<!tpu.dma_semaphore, #tpu.memory_space<semaphore_mem>>)
    %dma_start3A_214 = arith.constant 21 : i32
    %dma_start3A_215 = arith.constant 672 : i32
    %dma_start3A_216 = arith.constant 0 : i32
    %dma_start3A_217 = tpu.memref_slice %arg9[%dma_start3A_215, %dma_start3A_216] : memref<800x32xf32, #tpu.memory_space<vmem>> -> memref<32x32xf32, #tpu.memory_space<vmem>>
    %dma_start3A_218 = arith.constant 0 : i32
    %dma_start3A_219 = tpu.memref_slice %arg7[%dma_start3A_214, %dma_start3A_218] : memref<25x32xi32, #tpu.memory_space<vmem>> -> memref<1x32xi32, #tpu.memory_space<vmem>>
    %dma_start3A_220 = tpu.memref_squeeze %dma_start3A_219 : memref<1x32xi32, #tpu.memory_space<vmem>> -> memref<32xi32, #tpu.memory_space<vmem>>
    %dma_start3A_221 = arith.constant 0 : i32
    %dma_start3A_222 = arith.constant 0 : i32
    %dma_start3A_223 = tpu.memref_slice %arg4[%dma_start3A_221, %dma_start3A_222] : memref<1000000x32xf32, #tpu.memory_space<hbm>> -> memref<1000000x32xf32, #tpu.memory_space<hbm>>
    tpu.enqueue_indirect_dma source(%dma_start3A_223 : memref<1000000x32xf32, #tpu.memory_space<hbm>>) target(%dma_start3A_217 : memref<32x32xf32, #tpu.memory_space<vmem>>) offsets(%dma_start3A_220 : memref<32xi32, #tpu.memory_space<vmem>>) semaphore(%arg12 : memref<!tpu.dma_semaphore, #tpu.memory_space<semaphore_mem>>)
    %dma_start3A_224 = arith.constant 22 : i32
    %dma_start3A_225 = arith.constant 704 : i32
    %dma_start3A_226 = arith.constant 0 : i32
    %dma_start3A_227 = tpu.memref_slice %arg9[%dma_start3A_225, %dma_start3A_226] : memref<800x32xf32, #tpu.memory_space<vmem>> -> memref<32x32xf32, #tpu.memory_space<vmem>>
    %dma_start3A_228 = arith.constant 0 : i32
    %dma_start3A_229 = tpu.memref_slice %arg7[%dma_start3A_224, %dma_start3A_228] : memref<25x32xi32, #tpu.memory_space<vmem>> -> memref<1x32xi32, #tpu.memory_space<vmem>>
    %dma_start3A_230 = tpu.memref_squeeze %dma_start3A_229 : memref<1x32xi32, #tpu.memory_space<vmem>> -> memref<32xi32, #tpu.memory_space<vmem>>
    %dma_start3A_231 = arith.constant 0 : i32
    %dma_start3A_232 = arith.constant 0 : i32
    %dma_start3A_233 = tpu.memref_slice %arg4[%dma_start3A_231, %dma_start3A_232] : memref<1000000x32xf32, #tpu.memory_space<hbm>> -> memref<1000000x32xf32, #tpu.memory_space<hbm>>
    tpu.enqueue_indirect_dma source(%dma_start3A_233 : memref<1000000x32xf32, #tpu.memory_space<hbm>>) target(%dma_start3A_227 : memref<32x32xf32, #tpu.memory_space<vmem>>) offsets(%dma_start3A_230 : memref<32xi32, #tpu.memory_space<vmem>>) semaphore(%arg12 : memref<!tpu.dma_semaphore, #tpu.memory_space<semaphore_mem>>)
    %dma_start3A_234 = arith.constant 23 : i32
    %dma_start3A_235 = arith.constant 736 : i32
    %dma_start3A_236 = arith.constant 0 : i32
    %dma_start3A_237 = tpu.memref_slice %arg9[%dma_start3A_235, %dma_start3A_236] : memref<800x32xf32, #tpu.memory_space<vmem>> -> memref<32x32xf32, #tpu.memory_space<vmem>>
    %dma_start3A_238 = arith.constant 0 : i32
    %dma_start3A_239 = tpu.memref_slice %arg7[%dma_start3A_234, %dma_start3A_238] : memref<25x32xi32, #tpu.memory_space<vmem>> -> memref<1x32xi32, #tpu.memory_space<vmem>>
    %dma_start3A_240 = tpu.memref_squeeze %dma_start3A_239 : memref<1x32xi32, #tpu.memory_space<vmem>> -> memref<32xi32, #tpu.memory_space<vmem>>
    %dma_start3A_241 = arith.constant 0 : i32
    %dma_start3A_242 = arith.constant 0 : i32
    %dma_start3A_243 = tpu.memref_slice %arg4[%dma_start3A_241, %dma_start3A_242] : memref<1000000x32xf32, #tpu.memory_space<hbm>> -> memref<1000000x32xf32, #tpu.memory_space<hbm>>
    tpu.enqueue_indirect_dma source(%dma_start3A_243 : memref<1000000x32xf32, #tpu.memory_space<hbm>>) target(%dma_start3A_237 : memref<32x32xf32, #tpu.memory_space<vmem>>) offsets(%dma_start3A_240 : memref<32xi32, #tpu.memory_space<vmem>>) semaphore(%arg12 : memref<!tpu.dma_semaphore, #tpu.memory_space<semaphore_mem>>)
    %dma_start3A_244 = arith.constant 24 : i32
    %dma_start3A_245 = arith.constant 768 : i32
    %dma_start3A_246 = arith.constant 0 : i32
    %dma_start3A_247 = tpu.memref_slice %arg9[%dma_start3A_245, %dma_start3A_246] : memref<800x32xf32, #tpu.memory_space<vmem>> -> memref<32x32xf32, #tpu.memory_space<vmem>>
    %dma_start3A_248 = arith.constant 0 : i32
    %dma_start3A_249 = tpu.memref_slice %arg7[%dma_start3A_244, %dma_start3A_248] : memref<25x32xi32, #tpu.memory_space<vmem>> -> memref<1x32xi32, #tpu.memory_space<vmem>>
    %dma_start3A_250 = tpu.memref_squeeze %dma_start3A_249 : memref<1x32xi32, #tpu.memory_space<vmem>> -> memref<32xi32, #tpu.memory_space<vmem>>
    %dma_start3A_251 = arith.constant 0 : i32
    %dma_start3A_252 = arith.constant 0 : i32
    %dma_start3A_253 = tpu.memref_slice %arg4[%dma_start3A_251, %dma_start3A_252] : memref<1000000x32xf32, #tpu.memory_space<hbm>> -> memref<1000000x32xf32, #tpu.memory_space<hbm>>
    tpu.enqueue_indirect_dma source(%dma_start3A_253 : memref<1000000x32xf32, #tpu.memory_space<hbm>>) target(%dma_start3A_247 : memref<32x32xf32, #tpu.memory_space<vmem>>) offsets(%dma_start3A_250 : memref<32xi32, #tpu.memory_space<vmem>>) semaphore(%arg12 : memref<!tpu.dma_semaphore, #tpu.memory_space<semaphore_mem>>)
    %scan3A = arith.constant 0 : i32
    %scan3A_254 = arith.constant 0 : i32
    %scan3A_255 = arith.constant 32 : i32
    %scan3A_256 = arith.addi %scan3A_254, %scan3A_255 : i32
    %scan3A_257 = arith.constant 1 : i32
    scf.for %scan3A_264 = %scan3A_254 to %scan3A_256 step %scan3A_257  : i32 {
      %mul3A_265 = arith.constant 25 : i32
      %mul3A_266 = arith.muli %scan3A_264, %mul3A_265 : i32
      %add3A_267 = arith.addi %mul3A_4, %mul3A_266 : i32
      "tpu.region"() ({
        %run_scoped3A = tpu.sem_alloc : memref<!tpu.dma_semaphore, #tpu.memory_space<semaphore_mem>>
        %dma_start3A_1203 = arith.constant 0 : i32
        %dma_start3A_1204 = tpu.memref_slice %arg3[%add3A_267, %dma_start3A_1203] : memref<25600x32xi32, #tpu.memory_space<hbm>> -> memref<25x32xi32, #tpu.memory_space<hbm>>
        %dma_start3A_1205 = arith.constant 0 : i32
        %dma_start3A_1206 = tpu.memref_slice %arg3[%add3A_267, %dma_start3A_1205] : memref<25600x32xi32, #tpu.memory_space<hbm>> -> memref<25x32xi32, #tpu.memory_space<hbm>>
        tpu.enqueue_dma source(%dma_start3A_1206 : memref<25x32xi32, #tpu.memory_space<hbm>>) target(%arg8 : memref<25x32xi32, #tpu.memory_space<vmem>>) target_semaphore(%run_scoped3A : memref<!tpu.dma_semaphore, #tpu.memory_space<semaphore_mem>>)
        %dma_wait3A_1207 = arith.constant 0 : i32
        %dma_wait3A_1208 = tpu.memref_slice %arg3[%add3A_267, %dma_wait3A_1207] : memref<25600x32xi32, #tpu.memory_space<hbm>> -> memref<25x32xi32, #tpu.memory_space<hbm>>
        %dma_wait3A_1209 = arith.constant 0 : i32
        %dma_wait3A_1210 = tpu.memref_slice %arg3[%add3A_267, %dma_wait3A_1209] : memref<25600x32xi32, #tpu.memory_space<hbm>> -> memref<25x32xi32, #tpu.memory_space<hbm>>
        tpu.wait_dma2 semaphore(%run_scoped3A : memref<!tpu.dma_semaphore, #tpu.memory_space<semaphore_mem>>) src(%dma_wait3A_1210 : memref<25x32xi32, #tpu.memory_space<hbm>>) dst(%arg8 : memref<25x32xi32, #tpu.memory_space<vmem>>)
        tpu.yield
      }) : () -> ()
      %dma_start3A_268 = arith.constant 0 : i32
      %dma_start3A_269 = arith.constant 0 : i32
      %dma_start3A_270 = arith.constant 0 : i32
      %dma_start3A_271 = tpu.memref_slice %arg10[%dma_start3A_269, %dma_start3A_270] : memref<800x32xf32, #tpu.memory_space<vmem>> -> memref<32x32xf32, #tpu.memory_space<vmem>>
      %dma_start3A_272 = arith.constant 0 : i32
      %dma_start3A_273 = tpu.memref_slice %arg8[%dma_start3A_268, %dma_start3A_272] : memref<25x32xi32, #tpu.memory_space<vmem>> -> memref<1x32xi32, #tpu.memory_space<vmem>>
      %dma_start3A_274 = tpu.memref_squeeze %dma_start3A_273 : memref<1x32xi32, #tpu.memory_space<vmem>> -> memref<32xi32, #tpu.memory_space<vmem>>
      %dma_start3A_275 = arith.constant 0 : i32
      %dma_start3A_276 = arith.constant 0 : i32
      %dma_start3A_277 = tpu.memref_slice %arg5[%dma_start3A_275, %dma_start3A_276] : memref<1000000x32xf32, #tpu.memory_space<hbm>> -> memref<1000000x32xf32, #tpu.memory_space<hbm>>
      tpu.enqueue_indirect_dma source(%dma_start3A_277 : memref<1000000x32xf32, #tpu.memory_space<hbm>>) target(%dma_start3A_271 : memref<32x32xf32, #tpu.memory_space<vmem>>) offsets(%dma_start3A_274 : memref<32xi32, #tpu.memory_space<vmem>>) semaphore(%arg13 : memref<!tpu.dma_semaphore, #tpu.memory_space<semaphore_mem>>)
      %dma_start3A_278 = arith.constant 1 : i32
      %dma_start3A_279 = arith.constant 32 : i32
      %dma_start3A_280 = arith.constant 0 : i32
      %dma_start3A_281 = tpu.memref_slice %arg10[%dma_start3A_279, %dma_start3A_280] : memref<800x32xf32, #tpu.memory_space<vmem>> -> memref<32x32xf32, #tpu.memory_space<vmem>>
      %dma_start3A_282 = arith.constant 0 : i32
      %dma_start3A_283 = tpu.memref_slice %arg8[%dma_start3A_278, %dma_start3A_282] : memref<25x32xi32, #tpu.memory_space<vmem>> -> memref<1x32xi32, #tpu.memory_space<vmem>>
      %dma_start3A_284 = tpu.memref_squeeze %dma_start3A_283 : memref<1x32xi32, #tpu.memory_space<vmem>> -> memref<32xi32, #tpu.memory_space<vmem>>
      %dma_start3A_285 = arith.constant 0 : i32
      %dma_start3A_286 = arith.constant 0 : i32
      %dma_start3A_287 = tpu.memref_slice %arg5[%dma_start3A_285, %dma_start3A_286] : memref<1000000x32xf32, #tpu.memory_space<hbm>> -> memref<1000000x32xf32, #tpu.memory_space<hbm>>
      tpu.enqueue_indirect_dma source(%dma_start3A_287 : memref<1000000x32xf32, #tpu.memory_space<hbm>>) target(%dma_start3A_281 : memref<32x32xf32, #tpu.memory_space<vmem>>) offsets(%dma_start3A_284 : memref<32xi32, #tpu.memory_space<vmem>>) semaphore(%arg13 : memref<!tpu.dma_semaphore, #tpu.memory_space<semaphore_mem>>)
      %dma_start3A_288 = arith.constant 2 : i32
      %dma_start3A_289 = arith.constant 64 : i32
      %dma_start3A_290 = arith.constant 0 : i32
      %dma_start3A_291 = tpu.memref_slice %arg10[%dma_start3A_289, %dma_start3A_290] : memref<800x32xf32, #tpu.memory_space<vmem>> -> memref<32x32xf32, #tpu.memory_space<vmem>>
      %dma_start3A_292 = arith.constant 0 : i32
      %dma_start3A_293 = tpu.memref_slice %arg8[%dma_start3A_288, %dma_start3A_292] : memref<25x32xi32, #tpu.memory_space<vmem>> -> memref<1x32xi32, #tpu.memory_space<vmem>>
      %dma_start3A_294 = tpu.memref_squeeze %dma_start3A_293 : memref<1x32xi32, #tpu.memory_space<vmem>> -> memref<32xi32, #tpu.memory_space<vmem>>
      %dma_start3A_295 = arith.constant 0 : i32
      %dma_start3A_296 = arith.constant 0 : i32
      %dma_start3A_297 = tpu.memref_slice %arg5[%dma_start3A_295, %dma_start3A_296] : memref<1000000x32xf32, #tpu.memory_space<hbm>> -> memref<1000000x32xf32, #tpu.memory_space<hbm>>
      tpu.enqueue_indirect_dma source(%dma_start3A_297 : memref<1000000x32xf32, #tpu.memory_space<hbm>>) target(%dma_start3A_291 : memref<32x32xf32, #tpu.memory_space<vmem>>) offsets(%dma_start3A_294 : memref<32xi32, #tpu.memory_space<vmem>>) semaphore(%arg13 : memref<!tpu.dma_semaphore, #tpu.memory_space<semaphore_mem>>)
      %dma_start3A_298 = arith.constant 3 : i32
      %dma_start3A_299 = arith.constant 96 : i32
      %dma_start3A_300 = arith.constant 0 : i32
      %dma_start3A_301 = tpu.memref_slice %arg10[%dma_start3A_299, %dma_start3A_300] : memref<800x32xf32, #tpu.memory_space<vmem>> -> memref<32x32xf32, #tpu.memory_space<vmem>>
      %dma_start3A_302 = arith.constant 0 : i32
      %dma_start3A_303 = tpu.memref_slice %arg8[%dma_start3A_298, %dma_start3A_302] : memref<25x32xi32, #tpu.memory_space<vmem>> -> memref<1x32xi32, #tpu.memory_space<vmem>>
      %dma_start3A_304 = tpu.memref_squeeze %dma_start3A_303 : memref<1x32xi32, #tpu.memory_space<vmem>> -> memref<32xi32, #tpu.memory_space<vmem>>
      %dma_start3A_305 = arith.constant 0 : i32
      %dma_start3A_306 = arith.constant 0 : i32
      %dma_start3A_307 = tpu.memref_slice %arg5[%dma_start3A_305, %dma_start3A_306] : memref<1000000x32xf32, #tpu.memory_space<hbm>> -> memref<1000000x32xf32, #tpu.memory_space<hbm>>
      tpu.enqueue_indirect_dma source(%dma_start3A_307 : memref<1000000x32xf32, #tpu.memory_space<hbm>>) target(%dma_start3A_301 : memref<32x32xf32, #tpu.memory_space<vmem>>) offsets(%dma_start3A_304 : memref<32xi32, #tpu.memory_space<vmem>>) semaphore(%arg13 : memref<!tpu.dma_semaphore, #tpu.memory_space<semaphore_mem>>)
      %dma_start3A_308 = arith.constant 4 : i32
      %dma_start3A_309 = arith.constant 128 : i32
      %dma_start3A_310 = arith.constant 0 : i32
      %dma_start3A_311 = tpu.memref_slice %arg10[%dma_start3A_309, %dma_start3A_310] : memref<800x32xf32, #tpu.memory_space<vmem>> -> memref<32x32xf32, #tpu.memory_space<vmem>>
      %dma_start3A_312 = arith.constant 0 : i32
      %dma_start3A_313 = tpu.memref_slice %arg8[%dma_start3A_308, %dma_start3A_312] : memref<25x32xi32, #tpu.memory_space<vmem>> -> memref<1x32xi32, #tpu.memory_space<vmem>>
      %dma_start3A_314 = tpu.memref_squeeze %dma_start3A_313 : memref<1x32xi32, #tpu.memory_space<vmem>> -> memref<32xi32, #tpu.memory_space<vmem>>
      %dma_start3A_315 = arith.constant 0 : i32
      %dma_start3A_316 = arith.constant 0 : i32
      %dma_start3A_317 = tpu.memref_slice %arg5[%dma_start3A_315, %dma_start3A_316] : memref<1000000x32xf32, #tpu.memory_space<hbm>> -> memref<1000000x32xf32, #tpu.memory_space<hbm>>
      tpu.enqueue_indirect_dma source(%dma_start3A_317 : memref<1000000x32xf32, #tpu.memory_space<hbm>>) target(%dma_start3A_311 : memref<32x32xf32, #tpu.memory_space<vmem>>) offsets(%dma_start3A_314 : memref<32xi32, #tpu.memory_space<vmem>>) semaphore(%arg13 : memref<!tpu.dma_semaphore, #tpu.memory_space<semaphore_mem>>)
      %dma_start3A_318 = arith.constant 5 : i32
      %dma_start3A_319 = arith.constant 160 : i32
      %dma_start3A_320 = arith.constant 0 : i32
      %dma_start3A_321 = tpu.memref_slice %arg10[%dma_start3A_319, %dma_start3A_320] : memref<800x32xf32, #tpu.memory_space<vmem>> -> memref<32x32xf32, #tpu.memory_space<vmem>>
      %dma_start3A_322 = arith.constant 0 : i32
      %dma_start3A_323 = tpu.memref_slice %arg8[%dma_start3A_318, %dma_start3A_322] : memref<25x32xi32, #tpu.memory_space<vmem>> -> memref<1x32xi32, #tpu.memory_space<vmem>>
      %dma_start3A_324 = tpu.memref_squeeze %dma_start3A_323 : memref<1x32xi32, #tpu.memory_space<vmem>> -> memref<32xi32, #tpu.memory_space<vmem>>
      %dma_start3A_325 = arith.constant 0 : i32
      %dma_start3A_326 = arith.constant 0 : i32
      %dma_start3A_327 = tpu.memref_slice %arg5[%dma_start3A_325, %dma_start3A_326] : memref<1000000x32xf32, #tpu.memory_space<hbm>> -> memref<1000000x32xf32, #tpu.memory_space<hbm>>
      tpu.enqueue_indirect_dma source(%dma_start3A_327 : memref<1000000x32xf32, #tpu.memory_space<hbm>>) target(%dma_start3A_321 : memref<32x32xf32, #tpu.memory_space<vmem>>) offsets(%dma_start3A_324 : memref<32xi32, #tpu.memory_space<vmem>>) semaphore(%arg13 : memref<!tpu.dma_semaphore, #tpu.memory_space<semaphore_mem>>)
      %dma_start3A_328 = arith.constant 6 : i32
      %dma_start3A_329 = arith.constant 192 : i32
      %dma_start3A_330 = arith.constant 0 : i32
      %dma_start3A_331 = tpu.memref_slice %arg10[%dma_start3A_329, %dma_start3A_330] : memref<800x32xf32, #tpu.memory_space<vmem>> -> memref<32x32xf32, #tpu.memory_space<vmem>>
      %dma_start3A_332 = arith.constant 0 : i32
      %dma_start3A_333 = tpu.memref_slice %arg8[%dma_start3A_328, %dma_start3A_332] : memref<25x32xi32, #tpu.memory_space<vmem>> -> memref<1x32xi32, #tpu.memory_space<vmem>>
      %dma_start3A_334 = tpu.memref_squeeze %dma_start3A_333 : memref<1x32xi32, #tpu.memory_space<vmem>> -> memref<32xi32, #tpu.memory_space<vmem>>
      %dma_start3A_335 = arith.constant 0 : i32
      %dma_start3A_336 = arith.constant 0 : i32
      %dma_start3A_337 = tpu.memref_slice %arg5[%dma_start3A_335, %dma_start3A_336] : memref<1000000x32xf32, #tpu.memory_space<hbm>> -> memref<1000000x32xf32, #tpu.memory_space<hbm>>
      tpu.enqueue_indirect_dma source(%dma_start3A_337 : memref<1000000x32xf32, #tpu.memory_space<hbm>>) target(%dma_start3A_331 : memref<32x32xf32, #tpu.memory_space<vmem>>) offsets(%dma_start3A_334 : memref<32xi32, #tpu.memory_space<vmem>>) semaphore(%arg13 : memref<!tpu.dma_semaphore, #tpu.memory_space<semaphore_mem>>)
      %dma_start3A_338 = arith.constant 7 : i32
      %dma_start3A_339 = arith.constant 224 : i32
      %dma_start3A_340 = arith.constant 0 : i32
      %dma_start3A_341 = tpu.memref_slice %arg10[%dma_start3A_339, %dma_start3A_340] : memref<800x32xf32, #tpu.memory_space<vmem>> -> memref<32x32xf32, #tpu.memory_space<vmem>>
      %dma_start3A_342 = arith.constant 0 : i32
      %dma_start3A_343 = tpu.memref_slice %arg8[%dma_start3A_338, %dma_start3A_342] : memref<25x32xi32, #tpu.memory_space<vmem>> -> memref<1x32xi32, #tpu.memory_space<vmem>>
      %dma_start3A_344 = tpu.memref_squeeze %dma_start3A_343 : memref<1x32xi32, #tpu.memory_space<vmem>> -> memref<32xi32, #tpu.memory_space<vmem>>
      %dma_start3A_345 = arith.constant 0 : i32
      %dma_start3A_346 = arith.constant 0 : i32
      %dma_start3A_347 = tpu.memref_slice %arg5[%dma_start3A_345, %dma_start3A_346] : memref<1000000x32xf32, #tpu.memory_space<hbm>> -> memref<1000000x32xf32, #tpu.memory_space<hbm>>
      tpu.enqueue_indirect_dma source(%dma_start3A_347 : memref<1000000x32xf32, #tpu.memory_space<hbm>>) target(%dma_start3A_341 : memref<32x32xf32, #tpu.memory_space<vmem>>) offsets(%dma_start3A_344 : memref<32xi32, #tpu.memory_space<vmem>>) semaphore(%arg13 : memref<!tpu.dma_semaphore, #tpu.memory_space<semaphore_mem>>)
      %dma_start3A_348 = arith.constant 8 : i32
      %dma_start3A_349 = arith.constant 256 : i32
      %dma_start3A_350 = arith.constant 0 : i32
      %dma_start3A_351 = tpu.memref_slice %arg10[%dma_start3A_349, %dma_start3A_350] : memref<800x32xf32, #tpu.memory_space<vmem>> -> memref<32x32xf32, #tpu.memory_space<vmem>>
      %dma_start3A_352 = arith.constant 0 : i32
      %dma_start3A_353 = tpu.memref_slice %arg8[%dma_start3A_348, %dma_start3A_352] : memref<25x32xi32, #tpu.memory_space<vmem>> -> memref<1x32xi32, #tpu.memory_space<vmem>>
      %dma_start3A_354 = tpu.memref_squeeze %dma_start3A_353 : memref<1x32xi32, #tpu.memory_space<vmem>> -> memref<32xi32, #tpu.memory_space<vmem>>
      %dma_start3A_355 = arith.constant 0 : i32
      %dma_start3A_356 = arith.constant 0 : i32
      %dma_start3A_357 = tpu.memref_slice %arg5[%dma_start3A_355, %dma_start3A_356] : memref<1000000x32xf32, #tpu.memory_space<hbm>> -> memref<1000000x32xf32, #tpu.memory_space<hbm>>
      tpu.enqueue_indirect_dma source(%dma_start3A_357 : memref<1000000x32xf32, #tpu.memory_space<hbm>>) target(%dma_start3A_351 : memref<32x32xf32, #tpu.memory_space<vmem>>) offsets(%dma_start3A_354 : memref<32xi32, #tpu.memory_space<vmem>>) semaphore(%arg13 : memref<!tpu.dma_semaphore, #tpu.memory_space<semaphore_mem>>)
      %dma_start3A_358 = arith.constant 9 : i32
      %dma_start3A_359 = arith.constant 288 : i32
      %dma_start3A_360 = arith.constant 0 : i32
      %dma_start3A_361 = tpu.memref_slice %arg10[%dma_start3A_359, %dma_start3A_360] : memref<800x32xf32, #tpu.memory_space<vmem>> -> memref<32x32xf32, #tpu.memory_space<vmem>>
      %dma_start3A_362 = arith.constant 0 : i32
      %dma_start3A_363 = tpu.memref_slice %arg8[%dma_start3A_358, %dma_start3A_362] : memref<25x32xi32, #tpu.memory_space<vmem>> -> memref<1x32xi32, #tpu.memory_space<vmem>>
      %dma_start3A_364 = tpu.memref_squeeze %dma_start3A_363 : memref<1x32xi32, #tpu.memory_space<vmem>> -> memref<32xi32, #tpu.memory_space<vmem>>
      %dma_start3A_365 = arith.constant 0 : i32
      %dma_start3A_366 = arith.constant 0 : i32
      %dma_start3A_367 = tpu.memref_slice %arg5[%dma_start3A_365, %dma_start3A_366] : memref<1000000x32xf32, #tpu.memory_space<hbm>> -> memref<1000000x32xf32, #tpu.memory_space<hbm>>
      tpu.enqueue_indirect_dma source(%dma_start3A_367 : memref<1000000x32xf32, #tpu.memory_space<hbm>>) target(%dma_start3A_361 : memref<32x32xf32, #tpu.memory_space<vmem>>) offsets(%dma_start3A_364 : memref<32xi32, #tpu.memory_space<vmem>>) semaphore(%arg13 : memref<!tpu.dma_semaphore, #tpu.memory_space<semaphore_mem>>)
      %dma_start3A_368 = arith.constant 10 : i32
      %dma_start3A_369 = arith.constant 320 : i32
      %dma_start3A_370 = arith.constant 0 : i32
      %dma_start3A_371 = tpu.memref_slice %arg10[%dma_start3A_369, %dma_start3A_370] : memref<800x32xf32, #tpu.memory_space<vmem>> -> memref<32x32xf32, #tpu.memory_space<vmem>>
      %dma_start3A_372 = arith.constant 0 : i32
      %dma_start3A_373 = tpu.memref_slice %arg8[%dma_start3A_368, %dma_start3A_372] : memref<25x32xi32, #tpu.memory_space<vmem>> -> memref<1x32xi32, #tpu.memory_space<vmem>>
      %dma_start3A_374 = tpu.memref_squeeze %dma_start3A_373 : memref<1x32xi32, #tpu.memory_space<vmem>> -> memref<32xi32, #tpu.memory_space<vmem>>
      %dma_start3A_375 = arith.constant 0 : i32
      %dma_start3A_376 = arith.constant 0 : i32
      %dma_start3A_377 = tpu.memref_slice %arg5[%dma_start3A_375, %dma_start3A_376] : memref<1000000x32xf32, #tpu.memory_space<hbm>> -> memref<1000000x32xf32, #tpu.memory_space<hbm>>
      tpu.enqueue_indirect_dma source(%dma_start3A_377 : memref<1000000x32xf32, #tpu.memory_space<hbm>>) target(%dma_start3A_371 : memref<32x32xf32, #tpu.memory_space<vmem>>) offsets(%dma_start3A_374 : memref<32xi32, #tpu.memory_space<vmem>>) semaphore(%arg13 : memref<!tpu.dma_semaphore, #tpu.memory_space<semaphore_mem>>)
      %dma_start3A_378 = arith.constant 11 : i32
      %dma_start3A_379 = arith.constant 352 : i32
      %dma_start3A_380 = arith.constant 0 : i32
      %dma_start3A_381 = tpu.memref_slice %arg10[%dma_start3A_379, %dma_start3A_380] : memref<800x32xf32, #tpu.memory_space<vmem>> -> memref<32x32xf32, #tpu.memory_space<vmem>>
      %dma_start3A_382 = arith.constant 0 : i32
      %dma_start3A_383 = tpu.memref_slice %arg8[%dma_start3A_378, %dma_start3A_382] : memref<25x32xi32, #tpu.memory_space<vmem>> -> memref<1x32xi32, #tpu.memory_space<vmem>>
      %dma_start3A_384 = tpu.memref_squeeze %dma_start3A_383 : memref<1x32xi32, #tpu.memory_space<vmem>> -> memref<32xi32, #tpu.memory_space<vmem>>
      %dma_start3A_385 = arith.constant 0 : i32
      %dma_start3A_386 = arith.constant 0 : i32
      %dma_start3A_387 = tpu.memref_slice %arg5[%dma_start3A_385, %dma_start3A_386] : memref<1000000x32xf32, #tpu.memory_space<hbm>> -> memref<1000000x32xf32, #tpu.memory_space<hbm>>
      tpu.enqueue_indirect_dma source(%dma_start3A_387 : memref<1000000x32xf32, #tpu.memory_space<hbm>>) target(%dma_start3A_381 : memref<32x32xf32, #tpu.memory_space<vmem>>) offsets(%dma_start3A_384 : memref<32xi32, #tpu.memory_space<vmem>>) semaphore(%arg13 : memref<!tpu.dma_semaphore, #tpu.memory_space<semaphore_mem>>)
      %dma_start3A_388 = arith.constant 12 : i32
      %dma_start3A_389 = arith.constant 384 : i32
      %dma_start3A_390 = arith.constant 0 : i32
      %dma_start3A_391 = tpu.memref_slice %arg10[%dma_start3A_389, %dma_start3A_390] : memref<800x32xf32, #tpu.memory_space<vmem>> -> memref<32x32xf32, #tpu.memory_space<vmem>>
      %dma_start3A_392 = arith.constant 0 : i32
      %dma_start3A_393 = tpu.memref_slice %arg8[%dma_start3A_388, %dma_start3A_392] : memref<25x32xi32, #tpu.memory_space<vmem>> -> memref<1x32xi32, #tpu.memory_space<vmem>>
      %dma_start3A_394 = tpu.memref_squeeze %dma_start3A_393 : memref<1x32xi32, #tpu.memory_space<vmem>> -> memref<32xi32, #tpu.memory_space<vmem>>
      %dma_start3A_395 = arith.constant 0 : i32
      %dma_start3A_396 = arith.constant 0 : i32
      %dma_start3A_397 = tpu.memref_slice %arg5[%dma_start3A_395, %dma_start3A_396] : memref<1000000x32xf32, #tpu.memory_space<hbm>> -> memref<1000000x32xf32, #tpu.memory_space<hbm>>
      tpu.enqueue_indirect_dma source(%dma_start3A_397 : memref<1000000x32xf32, #tpu.memory_space<hbm>>) target(%dma_start3A_391 : memref<32x32xf32, #tpu.memory_space<vmem>>) offsets(%dma_start3A_394 : memref<32xi32, #tpu.memory_space<vmem>>) semaphore(%arg13 : memref<!tpu.dma_semaphore, #tpu.memory_space<semaphore_mem>>)
      %dma_start3A_398 = arith.constant 13 : i32
      %dma_start3A_399 = arith.constant 416 : i32
      %dma_start3A_400 = arith.constant 0 : i32
      %dma_start3A_401 = tpu.memref_slice %arg10[%dma_start3A_399, %dma_start3A_400] : memref<800x32xf32, #tpu.memory_space<vmem>> -> memref<32x32xf32, #tpu.memory_space<vmem>>
      %dma_start3A_402 = arith.constant 0 : i32
      %dma_start3A_403 = tpu.memref_slice %arg8[%dma_start3A_398, %dma_start3A_402] : memref<25x32xi32, #tpu.memory_space<vmem>> -> memref<1x32xi32, #tpu.memory_space<vmem>>
      %dma_start3A_404 = tpu.memref_squeeze %dma_start3A_403 : memref<1x32xi32, #tpu.memory_space<vmem>> -> memref<32xi32, #tpu.memory_space<vmem>>
      %dma_start3A_405 = arith.constant 0 : i32
      %dma_start3A_406 = arith.constant 0 : i32
      %dma_start3A_407 = tpu.memref_slice %arg5[%dma_start3A_405, %dma_start3A_406] : memref<1000000x32xf32, #tpu.memory_space<hbm>> -> memref<1000000x32xf32, #tpu.memory_space<hbm>>
      tpu.enqueue_indirect_dma source(%dma_start3A_407 : memref<1000000x32xf32, #tpu.memory_space<hbm>>) target(%dma_start3A_401 : memref<32x32xf32, #tpu.memory_space<vmem>>) offsets(%dma_start3A_404 : memref<32xi32, #tpu.memory_space<vmem>>) semaphore(%arg13 : memref<!tpu.dma_semaphore, #tpu.memory_space<semaphore_mem>>)
      %dma_start3A_408 = arith.constant 14 : i32
      %dma_start3A_409 = arith.constant 448 : i32
      %dma_start3A_410 = arith.constant 0 : i32
      %dma_start3A_411 = tpu.memref_slice %arg10[%dma_start3A_409, %dma_start3A_410] : memref<800x32xf32, #tpu.memory_space<vmem>> -> memref<32x32xf32, #tpu.memory_space<vmem>>
      %dma_start3A_412 = arith.constant 0 : i32
      %dma_start3A_413 = tpu.memref_slice %arg8[%dma_start3A_408, %dma_start3A_412] : memref<25x32xi32, #tpu.memory_space<vmem>> -> memref<1x32xi32, #tpu.memory_space<vmem>>
      %dma_start3A_414 = tpu.memref_squeeze %dma_start3A_413 : memref<1x32xi32, #tpu.memory_space<vmem>> -> memref<32xi32, #tpu.memory_space<vmem>>
      %dma_start3A_415 = arith.constant 0 : i32
      %dma_start3A_416 = arith.constant 0 : i32
      %dma_start3A_417 = tpu.memref_slice %arg5[%dma_start3A_415, %dma_start3A_416] : memref<1000000x32xf32, #tpu.memory_space<hbm>> -> memref<1000000x32xf32, #tpu.memory_space<hbm>>
      tpu.enqueue_indirect_dma source(%dma_start3A_417 : memref<1000000x32xf32, #tpu.memory_space<hbm>>) target(%dma_start3A_411 : memref<32x32xf32, #tpu.memory_space<vmem>>) offsets(%dma_start3A_414 : memref<32xi32, #tpu.memory_space<vmem>>) semaphore(%arg13 : memref<!tpu.dma_semaphore, #tpu.memory_space<semaphore_mem>>)
      %dma_start3A_418 = arith.constant 15 : i32
      %dma_start3A_419 = arith.constant 480 : i32
      %dma_start3A_420 = arith.constant 0 : i32
      %dma_start3A_421 = tpu.memref_slice %arg10[%dma_start3A_419, %dma_start3A_420] : memref<800x32xf32, #tpu.memory_space<vmem>> -> memref<32x32xf32, #tpu.memory_space<vmem>>
      %dma_start3A_422 = arith.constant 0 : i32
      %dma_start3A_423 = tpu.memref_slice %arg8[%dma_start3A_418, %dma_start3A_422] : memref<25x32xi32, #tpu.memory_space<vmem>> -> memref<1x32xi32, #tpu.memory_space<vmem>>
      %dma_start3A_424 = tpu.memref_squeeze %dma_start3A_423 : memref<1x32xi32, #tpu.memory_space<vmem>> -> memref<32xi32, #tpu.memory_space<vmem>>
      %dma_start3A_425 = arith.constant 0 : i32
      %dma_start3A_426 = arith.constant 0 : i32
      %dma_start3A_427 = tpu.memref_slice %arg5[%dma_start3A_425, %dma_start3A_426] : memref<1000000x32xf32, #tpu.memory_space<hbm>> -> memref<1000000x32xf32, #tpu.memory_space<hbm>>
      tpu.enqueue_indirect_dma source(%dma_start3A_427 : memref<1000000x32xf32, #tpu.memory_space<hbm>>) target(%dma_start3A_421 : memref<32x32xf32, #tpu.memory_space<vmem>>) offsets(%dma_start3A_424 : memref<32xi32, #tpu.memory_space<vmem>>) semaphore(%arg13 : memref<!tpu.dma_semaphore, #tpu.memory_space<semaphore_mem>>)
      %dma_start3A_428 = arith.constant 16 : i32
      %dma_start3A_429 = arith.constant 512 : i32
      %dma_start3A_430 = arith.constant 0 : i32
      %dma_start3A_431 = tpu.memref_slice %arg10[%dma_start3A_429, %dma_start3A_430] : memref<800x32xf32, #tpu.memory_space<vmem>> -> memref<32x32xf32, #tpu.memory_space<vmem>>
      %dma_start3A_432 = arith.constant 0 : i32
      %dma_start3A_433 = tpu.memref_slice %arg8[%dma_start3A_428, %dma_start3A_432] : memref<25x32xi32, #tpu.memory_space<vmem>> -> memref<1x32xi32, #tpu.memory_space<vmem>>
      %dma_start3A_434 = tpu.memref_squeeze %dma_start3A_433 : memref<1x32xi32, #tpu.memory_space<vmem>> -> memref<32xi32, #tpu.memory_space<vmem>>
      %dma_start3A_435 = arith.constant 0 : i32
      %dma_start3A_436 = arith.constant 0 : i32
      %dma_start3A_437 = tpu.memref_slice %arg5[%dma_start3A_435, %dma_start3A_436] : memref<1000000x32xf32, #tpu.memory_space<hbm>> -> memref<1000000x32xf32, #tpu.memory_space<hbm>>
      tpu.enqueue_indirect_dma source(%dma_start3A_437 : memref<1000000x32xf32, #tpu.memory_space<hbm>>) target(%dma_start3A_431 : memref<32x32xf32, #tpu.memory_space<vmem>>) offsets(%dma_start3A_434 : memref<32xi32, #tpu.memory_space<vmem>>) semaphore(%arg13 : memref<!tpu.dma_semaphore, #tpu.memory_space<semaphore_mem>>)
      %dma_start3A_438 = arith.constant 17 : i32
      %dma_start3A_439 = arith.constant 544 : i32
      %dma_start3A_440 = arith.constant 0 : i32
      %dma_start3A_441 = tpu.memref_slice %arg10[%dma_start3A_439, %dma_start3A_440] : memref<800x32xf32, #tpu.memory_space<vmem>> -> memref<32x32xf32, #tpu.memory_space<vmem>>
      %dma_start3A_442 = arith.constant 0 : i32
      %dma_start3A_443 = tpu.memref_slice %arg8[%dma_start3A_438, %dma_start3A_442] : memref<25x32xi32, #tpu.memory_space<vmem>> -> memref<1x32xi32, #tpu.memory_space<vmem>>
      %dma_start3A_444 = tpu.memref_squeeze %dma_start3A_443 : memref<1x32xi32, #tpu.memory_space<vmem>> -> memref<32xi32, #tpu.memory_space<vmem>>
      %dma_start3A_445 = arith.constant 0 : i32
      %dma_start3A_446 = arith.constant 0 : i32
      %dma_start3A_447 = tpu.memref_slice %arg5[%dma_start3A_445, %dma_start3A_446] : memref<1000000x32xf32, #tpu.memory_space<hbm>> -> memref<1000000x32xf32, #tpu.memory_space<hbm>>
      tpu.enqueue_indirect_dma source(%dma_start3A_447 : memref<1000000x32xf32, #tpu.memory_space<hbm>>) target(%dma_start3A_441 : memref<32x32xf32, #tpu.memory_space<vmem>>) offsets(%dma_start3A_444 : memref<32xi32, #tpu.memory_space<vmem>>) semaphore(%arg13 : memref<!tpu.dma_semaphore, #tpu.memory_space<semaphore_mem>>)
      %dma_start3A_448 = arith.constant 18 : i32
      %dma_start3A_449 = arith.constant 576 : i32
      %dma_start3A_450 = arith.constant 0 : i32
      %dma_start3A_451 = tpu.memref_slice %arg10[%dma_start3A_449, %dma_start3A_450] : memref<800x32xf32, #tpu.memory_space<vmem>> -> memref<32x32xf32, #tpu.memory_space<vmem>>
      %dma_start3A_452 = arith.constant 0 : i32
      %dma_start3A_453 = tpu.memref_slice %arg8[%dma_start3A_448, %dma_start3A_452] : memref<25x32xi32, #tpu.memory_space<vmem>> -> memref<1x32xi32, #tpu.memory_space<vmem>>
      %dma_start3A_454 = tpu.memref_squeeze %dma_start3A_453 : memref<1x32xi32, #tpu.memory_space<vmem>> -> memref<32xi32, #tpu.memory_space<vmem>>
      %dma_start3A_455 = arith.constant 0 : i32
      %dma_start3A_456 = arith.constant 0 : i32
      %dma_start3A_457 = tpu.memref_slice %arg5[%dma_start3A_455, %dma_start3A_456] : memref<1000000x32xf32, #tpu.memory_space<hbm>> -> memref<1000000x32xf32, #tpu.memory_space<hbm>>
      tpu.enqueue_indirect_dma source(%dma_start3A_457 : memref<1000000x32xf32, #tpu.memory_space<hbm>>) target(%dma_start3A_451 : memref<32x32xf32, #tpu.memory_space<vmem>>) offsets(%dma_start3A_454 : memref<32xi32, #tpu.memory_space<vmem>>) semaphore(%arg13 : memref<!tpu.dma_semaphore, #tpu.memory_space<semaphore_mem>>)
      %dma_start3A_458 = arith.constant 19 : i32
      %dma_start3A_459 = arith.constant 608 : i32
      %dma_start3A_460 = arith.constant 0 : i32
      %dma_start3A_461 = tpu.memref_slice %arg10[%dma_start3A_459, %dma_start3A_460] : memref<800x32xf32, #tpu.memory_space<vmem>> -> memref<32x32xf32, #tpu.memory_space<vmem>>
      %dma_start3A_462 = arith.constant 0 : i32
      %dma_start3A_463 = tpu.memref_slice %arg8[%dma_start3A_458, %dma_start3A_462] : memref<25x32xi32, #tpu.memory_space<vmem>> -> memref<1x32xi32, #tpu.memory_space<vmem>>
      %dma_start3A_464 = tpu.memref_squeeze %dma_start3A_463 : memref<1x32xi32, #tpu.memory_space<vmem>> -> memref<32xi32, #tpu.memory_space<vmem>>
      %dma_start3A_465 = arith.constant 0 : i32
      %dma_start3A_466 = arith.constant 0 : i32
      %dma_start3A_467 = tpu.memref_slice %arg5[%dma_start3A_465, %dma_start3A_466] : memref<1000000x32xf32, #tpu.memory_space<hbm>> -> memref<1000000x32xf32, #tpu.memory_space<hbm>>
      tpu.enqueue_indirect_dma source(%dma_start3A_467 : memref<1000000x32xf32, #tpu.memory_space<hbm>>) target(%dma_start3A_461 : memref<32x32xf32, #tpu.memory_space<vmem>>) offsets(%dma_start3A_464 : memref<32xi32, #tpu.memory_space<vmem>>) semaphore(%arg13 : memref<!tpu.dma_semaphore, #tpu.memory_space<semaphore_mem>>)
      %dma_start3A_468 = arith.constant 20 : i32
      %dma_start3A_469 = arith.constant 640 : i32
      %dma_start3A_470 = arith.constant 0 : i32
      %dma_start3A_471 = tpu.memref_slice %arg10[%dma_start3A_469, %dma_start3A_470] : memref<800x32xf32, #tpu.memory_space<vmem>> -> memref<32x32xf32, #tpu.memory_space<vmem>>
      %dma_start3A_472 = arith.constant 0 : i32
      %dma_start3A_473 = tpu.memref_slice %arg8[%dma_start3A_468, %dma_start3A_472] : memref<25x32xi32, #tpu.memory_space<vmem>> -> memref<1x32xi32, #tpu.memory_space<vmem>>
      %dma_start3A_474 = tpu.memref_squeeze %dma_start3A_473 : memref<1x32xi32, #tpu.memory_space<vmem>> -> memref<32xi32, #tpu.memory_space<vmem>>
      %dma_start3A_475 = arith.constant 0 : i32
      %dma_start3A_476 = arith.constant 0 : i32
      %dma_start3A_477 = tpu.memref_slice %arg5[%dma_start3A_475, %dma_start3A_476] : memref<1000000x32xf32, #tpu.memory_space<hbm>> -> memref<1000000x32xf32, #tpu.memory_space<hbm>>
      tpu.enqueue_indirect_dma source(%dma_start3A_477 : memref<1000000x32xf32, #tpu.memory_space<hbm>>) target(%dma_start3A_471 : memref<32x32xf32, #tpu.memory_space<vmem>>) offsets(%dma_start3A_474 : memref<32xi32, #tpu.memory_space<vmem>>) semaphore(%arg13 : memref<!tpu.dma_semaphore, #tpu.memory_space<semaphore_mem>>)
      %dma_start3A_478 = arith.constant 21 : i32
      %dma_start3A_479 = arith.constant 672 : i32
      %dma_start3A_480 = arith.constant 0 : i32
      %dma_start3A_481 = tpu.memref_slice %arg10[%dma_start3A_479, %dma_start3A_480] : memref<800x32xf32, #tpu.memory_space<vmem>> -> memref<32x32xf32, #tpu.memory_space<vmem>>
      %dma_start3A_482 = arith.constant 0 : i32
      %dma_start3A_483 = tpu.memref_slice %arg8[%dma_start3A_478, %dma_start3A_482] : memref<25x32xi32, #tpu.memory_space<vmem>> -> memref<1x32xi32, #tpu.memory_space<vmem>>
      %dma_start3A_484 = tpu.memref_squeeze %dma_start3A_483 : memref<1x32xi32, #tpu.memory_space<vmem>> -> memref<32xi32, #tpu.memory_space<vmem>>
      %dma_start3A_485 = arith.constant 0 : i32
      %dma_start3A_486 = arith.constant 0 : i32
      %dma_start3A_487 = tpu.memref_slice %arg5[%dma_start3A_485, %dma_start3A_486] : memref<1000000x32xf32, #tpu.memory_space<hbm>> -> memref<1000000x32xf32, #tpu.memory_space<hbm>>
      tpu.enqueue_indirect_dma source(%dma_start3A_487 : memref<1000000x32xf32, #tpu.memory_space<hbm>>) target(%dma_start3A_481 : memref<32x32xf32, #tpu.memory_space<vmem>>) offsets(%dma_start3A_484 : memref<32xi32, #tpu.memory_space<vmem>>) semaphore(%arg13 : memref<!tpu.dma_semaphore, #tpu.memory_space<semaphore_mem>>)
      %dma_start3A_488 = arith.constant 22 : i32
      %dma_start3A_489 = arith.constant 704 : i32
      %dma_start3A_490 = arith.constant 0 : i32
      %dma_start3A_491 = tpu.memref_slice %arg10[%dma_start3A_489, %dma_start3A_490] : memref<800x32xf32, #tpu.memory_space<vmem>> -> memref<32x32xf32, #tpu.memory_space<vmem>>
      %dma_start3A_492 = arith.constant 0 : i32
      %dma_start3A_493 = tpu.memref_slice %arg8[%dma_start3A_488, %dma_start3A_492] : memref<25x32xi32, #tpu.memory_space<vmem>> -> memref<1x32xi32, #tpu.memory_space<vmem>>
      %dma_start3A_494 = tpu.memref_squeeze %dma_start3A_493 : memref<1x32xi32, #tpu.memory_space<vmem>> -> memref<32xi32, #tpu.memory_space<vmem>>
      %dma_start3A_495 = arith.constant 0 : i32
      %dma_start3A_496 = arith.constant 0 : i32
      %dma_start3A_497 = tpu.memref_slice %arg5[%dma_start3A_495, %dma_start3A_496] : memref<1000000x32xf32, #tpu.memory_space<hbm>> -> memref<1000000x32xf32, #tpu.memory_space<hbm>>
      tpu.enqueue_indirect_dma source(%dma_start3A_497 : memref<1000000x32xf32, #tpu.memory_space<hbm>>) target(%dma_start3A_491 : memref<32x32xf32, #tpu.memory_space<vmem>>) offsets(%dma_start3A_494 : memref<32xi32, #tpu.memory_space<vmem>>) semaphore(%arg13 : memref<!tpu.dma_semaphore, #tpu.memory_space<semaphore_mem>>)
      %dma_start3A_498 = arith.constant 23 : i32
      %dma_start3A_499 = arith.constant 736 : i32
      %dma_start3A_500 = arith.constant 0 : i32
      %dma_start3A_501 = tpu.memref_slice %arg10[%dma_start3A_499, %dma_start3A_500] : memref<800x32xf32, #tpu.memory_space<vmem>> -> memref<32x32xf32, #tpu.memory_space<vmem>>
      %dma_start3A_502 = arith.constant 0 : i32
      %dma_start3A_503 = tpu.memref_slice %arg8[%dma_start3A_498, %dma_start3A_502] : memref<25x32xi32, #tpu.memory_space<vmem>> -> memref<1x32xi32, #tpu.memory_space<vmem>>
      %dma_start3A_504 = tpu.memref_squeeze %dma_start3A_503 : memref<1x32xi32, #tpu.memory_space<vmem>> -> memref<32xi32, #tpu.memory_space<vmem>>
      %dma_start3A_505 = arith.constant 0 : i32
      %dma_start3A_506 = arith.constant 0 : i32
      %dma_start3A_507 = tpu.memref_slice %arg5[%dma_start3A_505, %dma_start3A_506] : memref<1000000x32xf32, #tpu.memory_space<hbm>> -> memref<1000000x32xf32, #tpu.memory_space<hbm>>
      tpu.enqueue_indirect_dma source(%dma_start3A_507 : memref<1000000x32xf32, #tpu.memory_space<hbm>>) target(%dma_start3A_501 : memref<32x32xf32, #tpu.memory_space<vmem>>) offsets(%dma_start3A_504 : memref<32xi32, #tpu.memory_space<vmem>>) semaphore(%arg13 : memref<!tpu.dma_semaphore, #tpu.memory_space<semaphore_mem>>)
      %dma_start3A_508 = arith.constant 24 : i32
      %dma_start3A_509 = arith.constant 768 : i32
      %dma_start3A_510 = arith.constant 0 : i32
      %dma_start3A_511 = tpu.memref_slice %arg10[%dma_start3A_509, %dma_start3A_510] : memref<800x32xf32, #tpu.memory_space<vmem>> -> memref<32x32xf32, #tpu.memory_space<vmem>>
      %dma_start3A_512 = arith.constant 0 : i32
      %dma_start3A_513 = tpu.memref_slice %arg8[%dma_start3A_508, %dma_start3A_512] : memref<25x32xi32, #tpu.memory_space<vmem>> -> memref<1x32xi32, #tpu.memory_space<vmem>>
      %dma_start3A_514 = tpu.memref_squeeze %dma_start3A_513 : memref<1x32xi32, #tpu.memory_space<vmem>> -> memref<32xi32, #tpu.memory_space<vmem>>
      %dma_start3A_515 = arith.constant 0 : i32
      %dma_start3A_516 = arith.constant 0 : i32
      %dma_start3A_517 = tpu.memref_slice %arg5[%dma_start3A_515, %dma_start3A_516] : memref<1000000x32xf32, #tpu.memory_space<hbm>> -> memref<1000000x32xf32, #tpu.memory_space<hbm>>
      tpu.enqueue_indirect_dma source(%dma_start3A_517 : memref<1000000x32xf32, #tpu.memory_space<hbm>>) target(%dma_start3A_511 : memref<32x32xf32, #tpu.memory_space<vmem>>) offsets(%dma_start3A_514 : memref<32xi32, #tpu.memory_space<vmem>>) semaphore(%arg13 : memref<!tpu.dma_semaphore, #tpu.memory_space<semaphore_mem>>)
      %dma_wait3A_518 = arith.constant 0 : i32
      %dma_wait3A_519 = arith.constant 0 : i32
      %dma_wait3A_520 = tpu.memref_slice %arg4[%dma_wait3A_518, %dma_wait3A_519] : memref<1000000x32xf32, #tpu.memory_space<hbm>> -> memref<800x32xf32, #tpu.memory_space<hbm>>
      %dma_wait3A_521 = arith.constant 0 : i32
      %dma_wait3A_522 = arith.constant 0 : i32
      %dma_wait3A_523 = tpu.memref_slice %arg4[%dma_wait3A_521, %dma_wait3A_522] : memref<1000000x32xf32, #tpu.memory_space<hbm>> -> memref<800x32xf32, #tpu.memory_space<hbm>>
      tpu.wait_dma2 semaphore(%arg12 : memref<!tpu.dma_semaphore, #tpu.memory_space<semaphore_mem>>) src(%dma_wait3A_523 : memref<800x32xf32, #tpu.memory_space<hbm>>) dst(%arg9 : memref<800x32xf32, #tpu.memory_space<vmem>>)
      %broadcast_in_dim3A = arith.constant 0.000000e+00 : f32
      %broadcast_in_dim3A_524 = vector.broadcast %broadcast_in_dim3A : f32 to vector<16xf32>
      %scan3A_525 = arith.constant 0 : i32
      %scan3A_526 = arith.constant 50 : i32
      %scan3A_527 = arith.addi %scan3A_525, %scan3A_526 : i32
      %scan3A_528 = arith.constant 1 : i32
      %scan3A_529:16 = scf.for %scan3A_1203 = %scan3A_525 to %scan3A_527 step %scan3A_528 iter_args(%scan3A_1204 = %broadcast_in_dim3A_524, %scan3A_1205 = %broadcast_in_dim3A_524, %scan3A_1206 = %broadcast_in_dim3A_524, %scan3A_1207 = %broadcast_in_dim3A_524, %scan3A_1208 = %broadcast_in_dim3A_524, %scan3A_1209 = %broadcast_in_dim3A_524, %scan3A_1210 = %broadcast_in_dim3A_524, %scan3A_1211 = %broadcast_in_dim3A_524, %scan3A_1212 = %broadcast_in_dim3A_524, %scan3A_1213 = %broadcast_in_dim3A_524, %scan3A_1214 = %broadcast_in_dim3A_524, %scan3A_1215 = %broadcast_in_dim3A_524, %scan3A_1216 = %broadcast_in_dim3A_524, %scan3A_1217 = %broadcast_in_dim3A_524, %scan3A_1218 = %broadcast_in_dim3A_524, %scan3A_1219 = %broadcast_in_dim3A_524) -> (vector<16xf32>, vector<16xf32>, vector<16xf32>, vector<16xf32>, vector<16xf32>, vector<16xf32>, vector<16xf32>, vector<16xf32>, vector<16xf32>, vector<16xf32>, vector<16xf32>, vector<16xf32>, vector<16xf32>, vector<16xf32>, vector<16xf32>, vector<16xf32>)  : i32 {
        %add3A_1220 = arith.constant 0 : i32
        %add3A_1221 = arith.addi %add3A_1220, %scan3A_1203 : i32
        %get3A = arith.index_cast %add3A_1221 : i32 to index
        %get3A_1222 = arith.constant 0 : index
        %get3A_1223 = tpu.vector_load %arg9[%get3A, %get3A_1222] {strides = array<i32>} : memref<800x32xf32, #tpu.memory_space<vmem>>, vector<1x16xf32>,
        %get3A_1224 = vector.shape_cast %get3A_1223 : vector<1x16xf32> to vector<16xf32>
        %add3A_1225 = arith.addf %scan3A_1204, %get3A_1224 : vector<16xf32>
        %get3A_1226 = arith.index_cast %add3A_1221 : i32 to index
        %get3A_1227 = arith.constant 16 : index
        %get3A_1228 = tpu.vector_load %arg9[%get3A_1226, %get3A_1227] {strides = array<i32>} : memref<800x32xf32, #tpu.memory_space<vmem>>, vector<1x16xf32>,
        %get3A_1229 = vector.shape_cast %get3A_1228 : vector<1x16xf32> to vector<16xf32>
        %add3A_1230 = arith.addf %scan3A_1205, %get3A_1229 : vector<16xf32>
        %add3A_1231 = arith.constant 50 : i32
        %add3A_1232 = arith.addi %add3A_1231, %scan3A_1203 : i32
        %get3A_1233 = arith.index_cast %add3A_1232 : i32 to index
        %get3A_1234 = arith.constant 0 : index
        %get3A_1235 = tpu.vector_load %arg9[%get3A_1233, %get3A_1234] {strides = array<i32>} : memref<800x32xf32, #tpu.memory_space<vmem>>, vector<1x16xf32>,
        %get3A_1236 = vector.shape_cast %get3A_1235 : vector<1x16xf32> to vector<16xf32>
        %add3A_1237 = arith.addf %scan3A_1206, %get3A_1236 : vector<16xf32>
        %get3A_1238 = arith.index_cast %add3A_1232 : i32 to index
        %get3A_1239 = arith.constant 16 : index
        %get3A_1240 = tpu.vector_load %arg9[%get3A_1238, %get3A_1239] {strides = array<i32>} : memref<800x32xf32, #tpu.memory_space<vmem>>, vector<1x16xf32>,
        %get3A_1241 = vector.shape_cast %get3A_1240 : vector<1x16xf32> to vector<16xf32>
        %add3A_1242 = arith.addf %scan3A_1207, %get3A_1241 : vector<16xf32>
        %add3A_1243 = arith.constant 100 : i32
        %add3A_1244 = arith.addi %add3A_1243, %scan3A_1203 : i32
        %get3A_1245 = arith.index_cast %add3A_1244 : i32 to index
        %get3A_1246 = arith.constant 0 : index
        %get3A_1247 = tpu.vector_load %arg9[%get3A_1245, %get3A_1246] {strides = array<i32>} : memref<800x32xf32, #tpu.memory_space<vmem>>, vector<1x16xf32>,
        %get3A_1248 = vector.shape_cast %get3A_1247 : vector<1x16xf32> to vector<16xf32>
        %add3A_1249 = arith.addf %scan3A_1208, %get3A_1248 : vector<16xf32>
        %get3A_1250 = arith.index_cast %add3A_1244 : i32 to index
        %get3A_1251 = arith.constant 16 : index
        %get3A_1252 = tpu.vector_load %arg9[%get3A_1250, %get3A_1251] {strides = array<i32>} : memref<800x32xf32, #tpu.memory_space<vmem>>, vector<1x16xf32>,
        %get3A_1253 = vector.shape_cast %get3A_1252 : vector<1x16xf32> to vector<16xf32>
        %add3A_1254 = arith.addf %scan3A_1209, %get3A_1253 : vector<16xf32>
        %add3A_1255 = arith.constant 150 : i32
        %add3A_1256 = arith.addi %add3A_1255, %scan3A_1203 : i32
        %get3A_1257 = arith.index_cast %add3A_1256 : i32 to index
        %get3A_1258 = arith.constant 0 : index
        %get3A_1259 = tpu.vector_load %arg9[%get3A_1257, %get3A_1258] {strides = array<i32>} : memref<800x32xf32, #tpu.memory_space<vmem>>, vector<1x16xf32>,
        %get3A_1260 = vector.shape_cast %get3A_1259 : vector<1x16xf32> to vector<16xf32>
        %add3A_1261 = arith.addf %scan3A_1210, %get3A_1260 : vector<16xf32>
        %get3A_1262 = arith.index_cast %add3A_1256 : i32 to index
        %get3A_1263 = arith.constant 16 : index
        %get3A_1264 = tpu.vector_load %arg9[%get3A_1262, %get3A_1263] {strides = array<i32>} : memref<800x32xf32, #tpu.memory_space<vmem>>, vector<1x16xf32>,
        %get3A_1265 = vector.shape_cast %get3A_1264 : vector<1x16xf32> to vector<16xf32>
        %add3A_1266 = arith.addf %scan3A_1211, %get3A_1265 : vector<16xf32>
        %add3A_1267 = arith.constant 200 : i32
        %add3A_1268 = arith.addi %add3A_1267, %scan3A_1203 : i32
        %get3A_1269 = arith.index_cast %add3A_1268 : i32 to index
        %get3A_1270 = arith.constant 0 : index
        %get3A_1271 = tpu.vector_load %arg9[%get3A_1269, %get3A_1270] {strides = array<i32>} : memref<800x32xf32, #tpu.memory_space<vmem>>, vector<1x16xf32>,
        %get3A_1272 = vector.shape_cast %get3A_1271 : vector<1x16xf32> to vector<16xf32>
        %add3A_1273 = arith.addf %scan3A_1212, %get3A_1272 : vector<16xf32>
        %get3A_1274 = arith.index_cast %add3A_1268 : i32 to index
        %get3A_1275 = arith.constant 16 : index
        %get3A_1276 = tpu.vector_load %arg9[%get3A_1274, %get3A_1275] {strides = array<i32>} : memref<800x32xf32, #tpu.memory_space<vmem>>, vector<1x16xf32>,
        %get3A_1277 = vector.shape_cast %get3A_1276 : vector<1x16xf32> to vector<16xf32>
        %add3A_1278 = arith.addf %scan3A_1213, %get3A_1277 : vector<16xf32>
        %add3A_1279 = arith.constant 250 : i32
        %add3A_1280 = arith.addi %add3A_1279, %scan3A_1203 : i32
        %get3A_1281 = arith.index_cast %add3A_1280 : i32 to index
        %get3A_1282 = arith.constant 0 : index
        %get3A_1283 = tpu.vector_load %arg9[%get3A_1281, %get3A_1282] {strides = array<i32>} : memref<800x32xf32, #tpu.memory_space<vmem>>, vector<1x16xf32>,
        %get3A_1284 = vector.shape_cast %get3A_1283 : vector<1x16xf32> to vector<16xf32>
        %add3A_1285 = arith.addf %scan3A_1214, %get3A_1284 : vector<16xf32>
        %get3A_1286 = arith.index_cast %add3A_1280 : i32 to index
        %get3A_1287 = arith.constant 16 : index
        %get3A_1288 = tpu.vector_load %arg9[%get3A_1286, %get3A_1287] {strides = array<i32>} : memref<800x32xf32, #tpu.memory_space<vmem>>, vector<1x16xf32>,
        %get3A_1289 = vector.shape_cast %get3A_1288 : vector<1x16xf32> to vector<16xf32>
        %add3A_1290 = arith.addf %scan3A_1215, %get3A_1289 : vector<16xf32>
        %add3A_1291 = arith.constant 300 : i32
        %add3A_1292 = arith.addi %add3A_1291, %scan3A_1203 : i32
        %get3A_1293 = arith.index_cast %add3A_1292 : i32 to index
        %get3A_1294 = arith.constant 0 : index
        %get3A_1295 = tpu.vector_load %arg9[%get3A_1293, %get3A_1294] {strides = array<i32>} : memref<800x32xf32, #tpu.memory_space<vmem>>, vector<1x16xf32>,
        %get3A_1296 = vector.shape_cast %get3A_1295 : vector<1x16xf32> to vector<16xf32>
        %add3A_1297 = arith.addf %scan3A_1216, %get3A_1296 : vector<16xf32>
        %get3A_1298 = arith.index_cast %add3A_1292 : i32 to index
        %get3A_1299 = arith.constant 16 : index
        %get3A_1300 = tpu.vector_load %arg9[%get3A_1298, %get3A_1299] {strides = array<i32>} : memref<800x32xf32, #tpu.memory_space<vmem>>, vector<1x16xf32>,
        %get3A_1301 = vector.shape_cast %get3A_1300 : vector<1x16xf32> to vector<16xf32>
        %add3A_1302 = arith.addf %scan3A_1217, %get3A_1301 : vector<16xf32>
        %add3A_1303 = arith.constant 350 : i32
        %add3A_1304 = arith.addi %add3A_1303, %scan3A_1203 : i32
        %get3A_1305 = arith.index_cast %add3A_1304 : i32 to index
        %get3A_1306 = arith.constant 0 : index
        %get3A_1307 = tpu.vector_load %arg9[%get3A_1305, %get3A_1306] {strides = array<i32>} : memref<800x32xf32, #tpu.memory_space<vmem>>, vector<1x16xf32>,
        %get3A_1308 = vector.shape_cast %get3A_1307 : vector<1x16xf32> to vector<16xf32>
        %add3A_1309 = arith.addf %scan3A_1218, %get3A_1308 : vector<16xf32>
        %get3A_1310 = arith.index_cast %add3A_1304 : i32 to index
        %get3A_1311 = arith.constant 16 : index
        %get3A_1312 = tpu.vector_load %arg9[%get3A_1310, %get3A_1311] {strides = array<i32>} : memref<800x32xf32, #tpu.memory_space<vmem>>, vector<1x16xf32>,
        %get3A_1313 = vector.shape_cast %get3A_1312 : vector<1x16xf32> to vector<16xf32>
        %add3A_1314 = arith.addf %scan3A_1219, %get3A_1313 : vector<16xf32>
        scf.yield %add3A_1225, %add3A_1230, %add3A_1237, %add3A_1242, %add3A_1249, %add3A_1254, %add3A_1261, %add3A_1266, %add3A_1273, %add3A_1278, %add3A_1285, %add3A_1290, %add3A_1297, %add3A_1302, %add3A_1309, %add3A_1314 : vector<16xf32>, vector<16xf32>, vector<16xf32>, vector<16xf32>, vector<16xf32>, vector<16xf32>, vector<16xf32>, vector<16xf32>, vector<16xf32>, vector<16xf32>, vector<16xf32>, vector<16xf32>, vector<16xf32>, vector<16xf32>, vector<16xf32>, vector<16xf32>
      }
      %scan3A_530 = arith.constant 50 : i32
      %swap3A = arith.constant 0 : i32
      %swap3A_531 = arith.index_cast %swap3A : i32 to index
      %swap3A_532 = arith.constant 0 : index
      %swap3A_533 = tpu.vector_load %arg11[%swap3A_531, %swap3A_532] {strides = array<i32>} : memref<16x64xf32, #tpu.memory_space<vmem>>, vector<1x16xf32>,
      %swap3A_534 = vector.shape_cast %swap3A_533 : vector<1x16xf32> to vector<16xf32>
      %swap3A_535 = vector.shape_cast %scan3A_529#0 : vector<16xf32> to vector<1x16xf32>
      tpu.vector_store %arg11[%swap3A_531, %swap3A_532], %swap3A_535 {strides = array<i32>} : memref<16x64xf32, #tpu.memory_space<vmem>>, vector<1x16xf32>,
      %swap3A_536 = arith.constant 0 : i32
      %swap3A_537 = arith.index_cast %swap3A_536 : i32 to index
      %swap3A_538 = arith.constant 16 : index
      %swap3A_539 = tpu.vector_load %arg11[%swap3A_537, %swap3A_538] {strides = array<i32>} : memref<16x64xf32, #tpu.memory_space<vmem>>, vector<1x16xf32>,
      %swap3A_540 = vector.shape_cast %swap3A_539 : vector<1x16xf32> to vector<16xf32>
      %swap3A_541 = vector.shape_cast %scan3A_529#1 : vector<16xf32> to vector<1x16xf32>
      tpu.vector_store %arg11[%swap3A_537, %swap3A_538], %swap3A_541 {strides = array<i32>} : memref<16x64xf32, #tpu.memory_space<vmem>>, vector<1x16xf32>,
      %swap3A_542 = arith.constant 1 : i32
      %swap3A_543 = arith.index_cast %swap3A_542 : i32 to index
      %swap3A_544 = arith.constant 0 : index
      %swap3A_545 = tpu.vector_load %arg11[%swap3A_543, %swap3A_544] {strides = array<i32>} : memref<16x64xf32, #tpu.memory_space<vmem>>, vector<1x16xf32>,
      %swap3A_546 = vector.shape_cast %swap3A_545 : vector<1x16xf32> to vector<16xf32>
      %swap3A_547 = vector.shape_cast %scan3A_529#2 : vector<16xf32> to vector<1x16xf32>
      tpu.vector_store %arg11[%swap3A_543, %swap3A_544], %swap3A_547 {strides = array<i32>} : memref<16x64xf32, #tpu.memory_space<vmem>>, vector<1x16xf32>,
      %swap3A_548 = arith.constant 1 : i32
      %swap3A_549 = arith.index_cast %swap3A_548 : i32 to index
      %swap3A_550 = arith.constant 16 : index
      %swap3A_551 = tpu.vector_load %arg11[%swap3A_549, %swap3A_550] {strides = array<i32>} : memref<16x64xf32, #tpu.memory_space<vmem>>, vector<1x16xf32>,
      %swap3A_552 = vector.shape_cast %swap3A_551 : vector<1x16xf32> to vector<16xf32>
      %swap3A_553 = vector.shape_cast %scan3A_529#3 : vector<16xf32> to vector<1x16xf32>
      tpu.vector_store %arg11[%swap3A_549, %swap3A_550], %swap3A_553 {strides = array<i32>} : memref<16x64xf32, #tpu.memory_space<vmem>>, vector<1x16xf32>,
      %swap3A_554 = arith.constant 2 : i32
      %swap3A_555 = arith.index_cast %swap3A_554 : i32 to index
      %swap3A_556 = arith.constant 0 : index
      %swap3A_557 = tpu.vector_load %arg11[%swap3A_555, %swap3A_556] {strides = array<i32>} : memref<16x64xf32, #tpu.memory_space<vmem>>, vector<1x16xf32>,
      %swap3A_558 = vector.shape_cast %swap3A_557 : vector<1x16xf32> to vector<16xf32>
      %swap3A_559 = vector.shape_cast %scan3A_529#4 : vector<16xf32> to vector<1x16xf32>
      tpu.vector_store %arg11[%swap3A_555, %swap3A_556], %swap3A_559 {strides = array<i32>} : memref<16x64xf32, #tpu.memory_space<vmem>>, vector<1x16xf32>,
      %swap3A_560 = arith.constant 2 : i32
      %swap3A_561 = arith.index_cast %swap3A_560 : i32 to index
      %swap3A_562 = arith.constant 16 : index
      %swap3A_563 = tpu.vector_load %arg11[%swap3A_561, %swap3A_562] {strides = array<i32>} : memref<16x64xf32, #tpu.memory_space<vmem>>, vector<1x16xf32>,
      %swap3A_564 = vector.shape_cast %swap3A_563 : vector<1x16xf32> to vector<16xf32>
      %swap3A_565 = vector.shape_cast %scan3A_529#5 : vector<16xf32> to vector<1x16xf32>
      tpu.vector_store %arg11[%swap3A_561, %swap3A_562], %swap3A_565 {strides = array<i32>} : memref<16x64xf32, #tpu.memory_space<vmem>>, vector<1x16xf32>,
      %swap3A_566 = arith.constant 3 : i32
      %swap3A_567 = arith.index_cast %swap3A_566 : i32 to index
      %swap3A_568 = arith.constant 0 : index
      %swap3A_569 = tpu.vector_load %arg11[%swap3A_567, %swap3A_568] {strides = array<i32>} : memref<16x64xf32, #tpu.memory_space<vmem>>, vector<1x16xf32>,
      %swap3A_570 = vector.shape_cast %swap3A_569 : vector<1x16xf32> to vector<16xf32>
      %swap3A_571 = vector.shape_cast %scan3A_529#6 : vector<16xf32> to vector<1x16xf32>
      tpu.vector_store %arg11[%swap3A_567, %swap3A_568], %swap3A_571 {strides = array<i32>} : memref<16x64xf32, #tpu.memory_space<vmem>>, vector<1x16xf32>,
      %swap3A_572 = arith.constant 3 : i32
      %swap3A_573 = arith.index_cast %swap3A_572 : i32 to index
      %swap3A_574 = arith.constant 16 : index
      %swap3A_575 = tpu.vector_load %arg11[%swap3A_573, %swap3A_574] {strides = array<i32>} : memref<16x64xf32, #tpu.memory_space<vmem>>, vector<1x16xf32>,
      %swap3A_576 = vector.shape_cast %swap3A_575 : vector<1x16xf32> to vector<16xf32>
      %swap3A_577 = vector.shape_cast %scan3A_529#7 : vector<16xf32> to vector<1x16xf32>
      tpu.vector_store %arg11[%swap3A_573, %swap3A_574], %swap3A_577 {strides = array<i32>} : memref<16x64xf32, #tpu.memory_space<vmem>>, vector<1x16xf32>,
      %swap3A_578 = arith.constant 4 : i32
      %swap3A_579 = arith.index_cast %swap3A_578 : i32 to index
      %swap3A_580 = arith.constant 0 : index
      %swap3A_581 = tpu.vector_load %arg11[%swap3A_579, %swap3A_580] {strides = array<i32>} : memref<16x64xf32, #tpu.memory_space<vmem>>, vector<1x16xf32>,
      %swap3A_582 = vector.shape_cast %swap3A_581 : vector<1x16xf32> to vector<16xf32>
      %swap3A_583 = vector.shape_cast %scan3A_529#8 : vector<16xf32> to vector<1x16xf32>
      tpu.vector_store %arg11[%swap3A_579, %swap3A_580], %swap3A_583 {strides = array<i32>} : memref<16x64xf32, #tpu.memory_space<vmem>>, vector<1x16xf32>,
      %swap3A_584 = arith.constant 4 : i32
      %swap3A_585 = arith.index_cast %swap3A_584 : i32 to index
      %swap3A_586 = arith.constant 16 : index
      %swap3A_587 = tpu.vector_load %arg11[%swap3A_585, %swap3A_586] {strides = array<i32>} : memref<16x64xf32, #tpu.memory_space<vmem>>, vector<1x16xf32>,
      %swap3A_588 = vector.shape_cast %swap3A_587 : vector<1x16xf32> to vector<16xf32>
      %swap3A_589 = vector.shape_cast %scan3A_529#9 : vector<16xf32> to vector<1x16xf32>
      tpu.vector_store %arg11[%swap3A_585, %swap3A_586], %swap3A_589 {strides = array<i32>} : memref<16x64xf32, #tpu.memory_space<vmem>>, vector<1x16xf32>,
      %swap3A_590 = arith.constant 5 : i32
      %swap3A_591 = arith.index_cast %swap3A_590 : i32 to index
      %swap3A_592 = arith.constant 0 : index
      %swap3A_593 = tpu.vector_load %arg11[%swap3A_591, %swap3A_592] {strides = array<i32>} : memref<16x64xf32, #tpu.memory_space<vmem>>, vector<1x16xf32>,
      %swap3A_594 = vector.shape_cast %swap3A_593 : vector<1x16xf32> to vector<16xf32>
      %swap3A_595 = vector.shape_cast %scan3A_529#10 : vector<16xf32> to vector<1x16xf32>
      tpu.vector_store %arg11[%swap3A_591, %swap3A_592], %swap3A_595 {strides = array<i32>} : memref<16x64xf32, #tpu.memory_space<vmem>>, vector<1x16xf32>,
      %swap3A_596 = arith.constant 5 : i32
      %swap3A_597 = arith.index_cast %swap3A_596 : i32 to index
      %swap3A_598 = arith.constant 16 : index
      %swap3A_599 = tpu.vector_load %arg11[%swap3A_597, %swap3A_598] {strides = array<i32>} : memref<16x64xf32, #tpu.memory_space<vmem>>, vector<1x16xf32>,
      %swap3A_600 = vector.shape_cast %swap3A_599 : vector<1x16xf32> to vector<16xf32>
      %swap3A_601 = vector.shape_cast %scan3A_529#11 : vector<16xf32> to vector<1x16xf32>
      tpu.vector_store %arg11[%swap3A_597, %swap3A_598], %swap3A_601 {strides = array<i32>} : memref<16x64xf32, #tpu.memory_space<vmem>>, vector<1x16xf32>,
      %swap3A_602 = arith.constant 6 : i32
      %swap3A_603 = arith.index_cast %swap3A_602 : i32 to index
      %swap3A_604 = arith.constant 0 : index
      %swap3A_605 = tpu.vector_load %arg11[%swap3A_603, %swap3A_604] {strides = array<i32>} : memref<16x64xf32, #tpu.memory_space<vmem>>, vector<1x16xf32>,
      %swap3A_606 = vector.shape_cast %swap3A_605 : vector<1x16xf32> to vector<16xf32>
      %swap3A_607 = vector.shape_cast %scan3A_529#12 : vector<16xf32> to vector<1x16xf32>
      tpu.vector_store %arg11[%swap3A_603, %swap3A_604], %swap3A_607 {strides = array<i32>} : memref<16x64xf32, #tpu.memory_space<vmem>>, vector<1x16xf32>,
      %swap3A_608 = arith.constant 6 : i32
      %swap3A_609 = arith.index_cast %swap3A_608 : i32 to index
      %swap3A_610 = arith.constant 16 : index
      %swap3A_611 = tpu.vector_load %arg11[%swap3A_609, %swap3A_610] {strides = array<i32>} : memref<16x64xf32, #tpu.memory_space<vmem>>, vector<1x16xf32>,
      %swap3A_612 = vector.shape_cast %swap3A_611 : vector<1x16xf32> to vector<16xf32>
      %swap3A_613 = vector.shape_cast %scan3A_529#13 : vector<16xf32> to vector<1x16xf32>
      tpu.vector_store %arg11[%swap3A_609, %swap3A_610], %swap3A_613 {strides = array<i32>} : memref<16x64xf32, #tpu.memory_space<vmem>>, vector<1x16xf32>,
      %swap3A_614 = arith.constant 7 : i32
      %swap3A_615 = arith.index_cast %swap3A_614 : i32 to index
      %swap3A_616 = arith.constant 0 : index
      %swap3A_617 = tpu.vector_load %arg11[%swap3A_615, %swap3A_616] {strides = array<i32>} : memref<16x64xf32, #tpu.memory_space<vmem>>, vector<1x16xf32>,
      %swap3A_618 = vector.shape_cast %swap3A_617 : vector<1x16xf32> to vector<16xf32>
      %swap3A_619 = vector.shape_cast %scan3A_529#14 : vector<16xf32> to vector<1x16xf32>
      tpu.vector_store %arg11[%swap3A_615, %swap3A_616], %swap3A_619 {strides = array<i32>} : memref<16x64xf32, #tpu.memory_space<vmem>>, vector<1x16xf32>,
      %swap3A_620 = arith.constant 7 : i32
      %swap3A_621 = arith.index_cast %swap3A_620 : i32 to index
      %swap3A_622 = arith.constant 16 : index
      %swap3A_623 = tpu.vector_load %arg11[%swap3A_621, %swap3A_622] {strides = array<i32>} : memref<16x64xf32, #tpu.memory_space<vmem>>, vector<1x16xf32>,
      %swap3A_624 = vector.shape_cast %swap3A_623 : vector<1x16xf32> to vector<16xf32>
      %swap3A_625 = vector.shape_cast %scan3A_529#15 : vector<16xf32> to vector<1x16xf32>
      tpu.vector_store %arg11[%swap3A_621, %swap3A_622], %swap3A_625 {strides = array<i32>} : memref<16x64xf32, #tpu.memory_space<vmem>>, vector<1x16xf32>,
      %broadcast_in_dim3A_626 = arith.constant 0.000000e+00 : f32
      %broadcast_in_dim3A_627 = vector.broadcast %broadcast_in_dim3A_626 : f32 to vector<16xf32>
      %scan3A_628 = arith.constant 0 : i32
      %scan3A_629 = arith.constant 50 : i32
      %scan3A_630 = arith.addi %scan3A_628, %scan3A_629 : i32
      %scan3A_631 = arith.constant 1 : i32
      %scan3A_632:16 = scf.for %scan3A_1203 = %scan3A_628 to %scan3A_630 step %scan3A_631 iter_args(%scan3A_1204 = %broadcast_in_dim3A_627, %scan3A_1205 = %broadcast_in_dim3A_627, %scan3A_1206 = %broadcast_in_dim3A_627, %scan3A_1207 = %broadcast_in_dim3A_627, %scan3A_1208 = %broadcast_in_dim3A_627, %scan3A_1209 = %broadcast_in_dim3A_627, %scan3A_1210 = %broadcast_in_dim3A_627, %scan3A_1211 = %broadcast_in_dim3A_627, %scan3A_1212 = %broadcast_in_dim3A_627, %scan3A_1213 = %broadcast_in_dim3A_627, %scan3A_1214 = %broadcast_in_dim3A_627, %scan3A_1215 = %broadcast_in_dim3A_627, %scan3A_1216 = %broadcast_in_dim3A_627, %scan3A_1217 = %broadcast_in_dim3A_627, %scan3A_1218 = %broadcast_in_dim3A_627, %scan3A_1219 = %broadcast_in_dim3A_627) -> (vector<16xf32>, vector<16xf32>, vector<16xf32>, vector<16xf32>, vector<16xf32>, vector<16xf32>, vector<16xf32>, vector<16xf32>, vector<16xf32>, vector<16xf32>, vector<16xf32>, vector<16xf32>, vector<16xf32>, vector<16xf32>, vector<16xf32>, vector<16xf32>)  : i32 {
        %add3A_1220 = arith.constant 400 : i32
        %add3A_1221 = arith.addi %add3A_1220, %scan3A_1203 : i32
        %get3A = arith.index_cast %add3A_1221 : i32 to index
        %get3A_1222 = arith.constant 0 : index
        %get3A_1223 = tpu.vector_load %arg9[%get3A, %get3A_1222] {strides = array<i32>} : memref<800x32xf32, #tpu.memory_space<vmem>>, vector<1x16xf32>,
        %get3A_1224 = vector.shape_cast %get3A_1223 : vector<1x16xf32> to vector<16xf32>
        %add3A_1225 = arith.addf %scan3A_1204, %get3A_1224 : vector<16xf32>
        %get3A_1226 = arith.index_cast %add3A_1221 : i32 to index
        %get3A_1227 = arith.constant 16 : index
        %get3A_1228 = tpu.vector_load %arg9[%get3A_1226, %get3A_1227] {strides = array<i32>} : memref<800x32xf32, #tpu.memory_space<vmem>>, vector<1x16xf32>,
        %get3A_1229 = vector.shape_cast %get3A_1228 : vector<1x16xf32> to vector<16xf32>
        %add3A_1230 = arith.addf %scan3A_1205, %get3A_1229 : vector<16xf32>
        %add3A_1231 = arith.constant 450 : i32
        %add3A_1232 = arith.addi %add3A_1231, %scan3A_1203 : i32
        %get3A_1233 = arith.index_cast %add3A_1232 : i32 to index
        %get3A_1234 = arith.constant 0 : index
        %get3A_1235 = tpu.vector_load %arg9[%get3A_1233, %get3A_1234] {strides = array<i32>} : memref<800x32xf32, #tpu.memory_space<vmem>>, vector<1x16xf32>,
        %get3A_1236 = vector.shape_cast %get3A_1235 : vector<1x16xf32> to vector<16xf32>
        %add3A_1237 = arith.addf %scan3A_1206, %get3A_1236 : vector<16xf32>
        %get3A_1238 = arith.index_cast %add3A_1232 : i32 to index
        %get3A_1239 = arith.constant 16 : index
        %get3A_1240 = tpu.vector_load %arg9[%get3A_1238, %get3A_1239] {strides = array<i32>} : memref<800x32xf32, #tpu.memory_space<vmem>>, vector<1x16xf32>,
        %get3A_1241 = vector.shape_cast %get3A_1240 : vector<1x16xf32> to vector<16xf32>
        %add3A_1242 = arith.addf %scan3A_1207, %get3A_1241 : vector<16xf32>
        %add3A_1243 = arith.constant 500 : i32
        %add3A_1244 = arith.addi %add3A_1243, %scan3A_1203 : i32
        %get3A_1245 = arith.index_cast %add3A_1244 : i32 to index
        %get3A_1246 = arith.constant 0 : index
        %get3A_1247 = tpu.vector_load %arg9[%get3A_1245, %get3A_1246] {strides = array<i32>} : memref<800x32xf32, #tpu.memory_space<vmem>>, vector<1x16xf32>,
        %get3A_1248 = vector.shape_cast %get3A_1247 : vector<1x16xf32> to vector<16xf32>
        %add3A_1249 = arith.addf %scan3A_1208, %get3A_1248 : vector<16xf32>
        %get3A_1250 = arith.index_cast %add3A_1244 : i32 to index
        %get3A_1251 = arith.constant 16 : index
        %get3A_1252 = tpu.vector_load %arg9[%get3A_1250, %get3A_1251] {strides = array<i32>} : memref<800x32xf32, #tpu.memory_space<vmem>>, vector<1x16xf32>,
        %get3A_1253 = vector.shape_cast %get3A_1252 : vector<1x16xf32> to vector<16xf32>
        %add3A_1254 = arith.addf %scan3A_1209, %get3A_1253 : vector<16xf32>
        %add3A_1255 = arith.constant 550 : i32
        %add3A_1256 = arith.addi %add3A_1255, %scan3A_1203 : i32
        %get3A_1257 = arith.index_cast %add3A_1256 : i32 to index
        %get3A_1258 = arith.constant 0 : index
        %get3A_1259 = tpu.vector_load %arg9[%get3A_1257, %get3A_1258] {strides = array<i32>} : memref<800x32xf32, #tpu.memory_space<vmem>>, vector<1x16xf32>,
        %get3A_1260 = vector.shape_cast %get3A_1259 : vector<1x16xf32> to vector<16xf32>
        %add3A_1261 = arith.addf %scan3A_1210, %get3A_1260 : vector<16xf32>
        %get3A_1262 = arith.index_cast %add3A_1256 : i32 to index
        %get3A_1263 = arith.constant 16 : index
        %get3A_1264 = tpu.vector_load %arg9[%get3A_1262, %get3A_1263] {strides = array<i32>} : memref<800x32xf32, #tpu.memory_space<vmem>>, vector<1x16xf32>,
        %get3A_1265 = vector.shape_cast %get3A_1264 : vector<1x16xf32> to vector<16xf32>
        %add3A_1266 = arith.addf %scan3A_1211, %get3A_1265 : vector<16xf32>
        %add3A_1267 = arith.constant 600 : i32
        %add3A_1268 = arith.addi %add3A_1267, %scan3A_1203 : i32
        %get3A_1269 = arith.index_cast %add3A_1268 : i32 to index
        %get3A_1270 = arith.constant 0 : index
        %get3A_1271 = tpu.vector_load %arg9[%get3A_1269, %get3A_1270] {strides = array<i32>} : memref<800x32xf32, #tpu.memory_space<vmem>>, vector<1x16xf32>,
        %get3A_1272 = vector.shape_cast %get3A_1271 : vector<1x16xf32> to vector<16xf32>
        %add3A_1273 = arith.addf %scan3A_1212, %get3A_1272 : vector<16xf32>
        %get3A_1274 = arith.index_cast %add3A_1268 : i32 to index
        %get3A_1275 = arith.constant 16 : index
        %get3A_1276 = tpu.vector_load %arg9[%get3A_1274, %get3A_1275] {strides = array<i32>} : memref<800x32xf32, #tpu.memory_space<vmem>>, vector<1x16xf32>,
        %get3A_1277 = vector.shape_cast %get3A_1276 : vector<1x16xf32> to vector<16xf32>
        %add3A_1278 = arith.addf %scan3A_1213, %get3A_1277 : vector<16xf32>
        %add3A_1279 = arith.constant 650 : i32
        %add3A_1280 = arith.addi %add3A_1279, %scan3A_1203 : i32
        %get3A_1281 = arith.index_cast %add3A_1280 : i32 to index
        %get3A_1282 = arith.constant 0 : index
        %get3A_1283 = tpu.vector_load %arg9[%get3A_1281, %get3A_1282] {strides = array<i32>} : memref<800x32xf32, #tpu.memory_space<vmem>>, vector<1x16xf32>,
        %get3A_1284 = vector.shape_cast %get3A_1283 : vector<1x16xf32> to vector<16xf32>
        %add3A_1285 = arith.addf %scan3A_1214, %get3A_1284 : vector<16xf32>
        %get3A_1286 = arith.index_cast %add3A_1280 : i32 to index
        %get3A_1287 = arith.constant 16 : index
        %get3A_1288 = tpu.vector_load %arg9[%get3A_1286, %get3A_1287] {strides = array<i32>} : memref<800x32xf32, #tpu.memory_space<vmem>>, vector<1x16xf32>,
        %get3A_1289 = vector.shape_cast %get3A_1288 : vector<1x16xf32> to vector<16xf32>
        %add3A_1290 = arith.addf %scan3A_1215, %get3A_1289 : vector<16xf32>
        %add3A_1291 = arith.constant 700 : i32
        %add3A_1292 = arith.addi %add3A_1291, %scan3A_1203 : i32
        %get3A_1293 = arith.index_cast %add3A_1292 : i32 to index
        %get3A_1294 = arith.constant 0 : index
        %get3A_1295 = tpu.vector_load %arg9[%get3A_1293, %get3A_1294] {strides = array<i32>} : memref<800x32xf32, #tpu.memory_space<vmem>>, vector<1x16xf32>,
        %get3A_1296 = vector.shape_cast %get3A_1295 : vector<1x16xf32> to vector<16xf32>
        %add3A_1297 = arith.addf %scan3A_1216, %get3A_1296 : vector<16xf32>
        %get3A_1298 = arith.index_cast %add3A_1292 : i32 to index
        %get3A_1299 = arith.constant 16 : index
        %get3A_1300 = tpu.vector_load %arg9[%get3A_1298, %get3A_1299] {strides = array<i32>} : memref<800x32xf32, #tpu.memory_space<vmem>>, vector<1x16xf32>,
        %get3A_1301 = vector.shape_cast %get3A_1300 : vector<1x16xf32> to vector<16xf32>
        %add3A_1302 = arith.addf %scan3A_1217, %get3A_1301 : vector<16xf32>
        %add3A_1303 = arith.constant 750 : i32
        %add3A_1304 = arith.addi %add3A_1303, %scan3A_1203 : i32
        %get3A_1305 = arith.index_cast %add3A_1304 : i32 to index
        %get3A_1306 = arith.constant 0 : index
        %get3A_1307 = tpu.vector_load %arg9[%get3A_1305, %get3A_1306] {strides = array<i32>} : memref<800x32xf32, #tpu.memory_space<vmem>>, vector<1x16xf32>,
        %get3A_1308 = vector.shape_cast %get3A_1307 : vector<1x16xf32> to vector<16xf32>
        %add3A_1309 = arith.addf %scan3A_1218, %get3A_1308 : vector<16xf32>
        %get3A_1310 = arith.index_cast %add3A_1304 : i32 to index
        %get3A_1311 = arith.constant 16 : index
        %get3A_1312 = tpu.vector_load %arg9[%get3A_1310, %get3A_1311] {strides = array<i32>} : memref<800x32xf32, #tpu.memory_space<vmem>>, vector<1x16xf32>,
        %get3A_1313 = vector.shape_cast %get3A_1312 : vector<1x16xf32> to vector<16xf32>
        %add3A_1314 = arith.addf %scan3A_1219, %get3A_1313 : vector<16xf32>
        scf.yield %add3A_1225, %add3A_1230, %add3A_1237, %add3A_1242, %add3A_1249, %add3A_1254, %add3A_1261, %add3A_1266, %add3A_1273, %add3A_1278, %add3A_1285, %add3A_1290, %add3A_1297, %add3A_1302, %add3A_1309, %add3A_1314 : vector<16xf32>, vector<16xf32>, vector<16xf32>, vector<16xf32>, vector<16xf32>, vector<16xf32>, vector<16xf32>, vector<16xf32>, vector<16xf32>, vector<16xf32>, vector<16xf32>, vector<16xf32>, vector<16xf32>, vector<16xf32>, vector<16xf32>, vector<16xf32>
      }
      %scan3A_633 = arith.constant 50 : i32
      %swap3A_634 = arith.constant 8 : i32
      %swap3A_635 = arith.index_cast %swap3A_634 : i32 to index
      %swap3A_636 = arith.constant 0 : index
      %swap3A_637 = tpu.vector_load %arg11[%swap3A_635, %swap3A_636] {strides = array<i32>} : memref<16x64xf32, #tpu.memory_space<vmem>>, vector<1x16xf32>,
      %swap3A_638 = vector.shape_cast %swap3A_637 : vector<1x16xf32> to vector<16xf32>
      %swap3A_639 = vector.shape_cast %scan3A_632#0 : vector<16xf32> to vector<1x16xf32>
      tpu.vector_store %arg11[%swap3A_635, %swap3A_636], %swap3A_639 {strides = array<i32>} : memref<16x64xf32, #tpu.memory_space<vmem>>, vector<1x16xf32>,
      %swap3A_640 = arith.constant 8 : i32
      %swap3A_641 = arith.index_cast %swap3A_640 : i32 to index
      %swap3A_642 = arith.constant 16 : index
      %swap3A_643 = tpu.vector_load %arg11[%swap3A_641, %swap3A_642] {strides = array<i32>} : memref<16x64xf32, #tpu.memory_space<vmem>>, vector<1x16xf32>,
      %swap3A_644 = vector.shape_cast %swap3A_643 : vector<1x16xf32> to vector<16xf32>
      %swap3A_645 = vector.shape_cast %scan3A_632#1 : vector<16xf32> to vector<1x16xf32>
      tpu.vector_store %arg11[%swap3A_641, %swap3A_642], %swap3A_645 {strides = array<i32>} : memref<16x64xf32, #tpu.memory_space<vmem>>, vector<1x16xf32>,
      %swap3A_646 = arith.constant 9 : i32
      %swap3A_647 = arith.index_cast %swap3A_646 : i32 to index
      %swap3A_648 = arith.constant 0 : index
      %swap3A_649 = tpu.vector_load %arg11[%swap3A_647, %swap3A_648] {strides = array<i32>} : memref<16x64xf32, #tpu.memory_space<vmem>>, vector<1x16xf32>,
      %swap3A_650 = vector.shape_cast %swap3A_649 : vector<1x16xf32> to vector<16xf32>
      %swap3A_651 = vector.shape_cast %scan3A_632#2 : vector<16xf32> to vector<1x16xf32>
      tpu.vector_store %arg11[%swap3A_647, %swap3A_648], %swap3A_651 {strides = array<i32>} : memref<16x64xf32, #tpu.memory_space<vmem>>, vector<1x16xf32>,
      %swap3A_652 = arith.constant 9 : i32
      %swap3A_653 = arith.index_cast %swap3A_652 : i32 to index
      %swap3A_654 = arith.constant 16 : index
      %swap3A_655 = tpu.vector_load %arg11[%swap3A_653, %swap3A_654] {strides = array<i32>} : memref<16x64xf32, #tpu.memory_space<vmem>>, vector<1x16xf32>,
      %swap3A_656 = vector.shape_cast %swap3A_655 : vector<1x16xf32> to vector<16xf32>
      %swap3A_657 = vector.shape_cast %scan3A_632#3 : vector<16xf32> to vector<1x16xf32>
      tpu.vector_store %arg11[%swap3A_653, %swap3A_654], %swap3A_657 {strides = array<i32>} : memref<16x64xf32, #tpu.memory_space<vmem>>, vector<1x16xf32>,
      %swap3A_658 = arith.constant 10 : i32
      %swap3A_659 = arith.index_cast %swap3A_658 : i32 to index
      %swap3A_660 = arith.constant 0 : index
      %swap3A_661 = tpu.vector_load %arg11[%swap3A_659, %swap3A_660] {strides = array<i32>} : memref<16x64xf32, #tpu.memory_space<vmem>>, vector<1x16xf32>,
      %swap3A_662 = vector.shape_cast %swap3A_661 : vector<1x16xf32> to vector<16xf32>
      %swap3A_663 = vector.shape_cast %scan3A_632#4 : vector<16xf32> to vector<1x16xf32>
      tpu.vector_store %arg11[%swap3A_659, %swap3A_660], %swap3A_663 {strides = array<i32>} : memref<16x64xf32, #tpu.memory_space<vmem>>, vector<1x16xf32>,
      %swap3A_664 = arith.constant 10 : i32
      %swap3A_665 = arith.index_cast %swap3A_664 : i32 to index
      %swap3A_666 = arith.constant 16 : index
      %swap3A_667 = tpu.vector_load %arg11[%swap3A_665, %swap3A_666] {strides = array<i32>} : memref<16x64xf32, #tpu.memory_space<vmem>>, vector<1x16xf32>,
      %swap3A_668 = vector.shape_cast %swap3A_667 : vector<1x16xf32> to vector<16xf32>
      %swap3A_669 = vector.shape_cast %scan3A_632#5 : vector<16xf32> to vector<1x16xf32>
      tpu.vector_store %arg11[%swap3A_665, %swap3A_666], %swap3A_669 {strides = array<i32>} : memref<16x64xf32, #tpu.memory_space<vmem>>, vector<1x16xf32>,
      %swap3A_670 = arith.constant 11 : i32
      %swap3A_671 = arith.index_cast %swap3A_670 : i32 to index
      %swap3A_672 = arith.constant 0 : index
      %swap3A_673 = tpu.vector_load %arg11[%swap3A_671, %swap3A_672] {strides = array<i32>} : memref<16x64xf32, #tpu.memory_space<vmem>>, vector<1x16xf32>,
      %swap3A_674 = vector.shape_cast %swap3A_673 : vector<1x16xf32> to vector<16xf32>
      %swap3A_675 = vector.shape_cast %scan3A_632#6 : vector<16xf32> to vector<1x16xf32>
      tpu.vector_store %arg11[%swap3A_671, %swap3A_672], %swap3A_675 {strides = array<i32>} : memref<16x64xf32, #tpu.memory_space<vmem>>, vector<1x16xf32>,
      %swap3A_676 = arith.constant 11 : i32
      %swap3A_677 = arith.index_cast %swap3A_676 : i32 to index
      %swap3A_678 = arith.constant 16 : index
      %swap3A_679 = tpu.vector_load %arg11[%swap3A_677, %swap3A_678] {strides = array<i32>} : memref<16x64xf32, #tpu.memory_space<vmem>>, vector<1x16xf32>,
      %swap3A_680 = vector.shape_cast %swap3A_679 : vector<1x16xf32> to vector<16xf32>
      %swap3A_681 = vector.shape_cast %scan3A_632#7 : vector<16xf32> to vector<1x16xf32>
      tpu.vector_store %arg11[%swap3A_677, %swap3A_678], %swap3A_681 {strides = array<i32>} : memref<16x64xf32, #tpu.memory_space<vmem>>, vector<1x16xf32>,
      %swap3A_682 = arith.constant 12 : i32
      %swap3A_683 = arith.index_cast %swap3A_682 : i32 to index
      %swap3A_684 = arith.constant 0 : index
      %swap3A_685 = tpu.vector_load %arg11[%swap3A_683, %swap3A_684] {strides = array<i32>} : memref<16x64xf32, #tpu.memory_space<vmem>>, vector<1x16xf32>,
      %swap3A_686 = vector.shape_cast %swap3A_685 : vector<1x16xf32> to vector<16xf32>
      %swap3A_687 = vector.shape_cast %scan3A_632#8 : vector<16xf32> to vector<1x16xf32>
      tpu.vector_store %arg11[%swap3A_683, %swap3A_684], %swap3A_687 {strides = array<i32>} : memref<16x64xf32, #tpu.memory_space<vmem>>, vector<1x16xf32>,
      %swap3A_688 = arith.constant 12 : i32
      %swap3A_689 = arith.index_cast %swap3A_688 : i32 to index
      %swap3A_690 = arith.constant 16 : index
      %swap3A_691 = tpu.vector_load %arg11[%swap3A_689, %swap3A_690] {strides = array<i32>} : memref<16x64xf32, #tpu.memory_space<vmem>>, vector<1x16xf32>,
      %swap3A_692 = vector.shape_cast %swap3A_691 : vector<1x16xf32> to vector<16xf32>
      %swap3A_693 = vector.shape_cast %scan3A_632#9 : vector<16xf32> to vector<1x16xf32>
      tpu.vector_store %arg11[%swap3A_689, %swap3A_690], %swap3A_693 {strides = array<i32>} : memref<16x64xf32, #tpu.memory_space<vmem>>, vector<1x16xf32>,
      %swap3A_694 = arith.constant 13 : i32
      %swap3A_695 = arith.index_cast %swap3A_694 : i32 to index
      %swap3A_696 = arith.constant 0 : index
      %swap3A_697 = tpu.vector_load %arg11[%swap3A_695, %swap3A_696] {strides = array<i32>} : memref<16x64xf32, #tpu.memory_space<vmem>>, vector<1x16xf32>,
      %swap3A_698 = vector.shape_cast %swap3A_697 : vector<1x16xf32> to vector<16xf32>
      %swap3A_699 = vector.shape_cast %scan3A_632#10 : vector<16xf32> to vector<1x16xf32>
      tpu.vector_store %arg11[%swap3A_695, %swap3A_696], %swap3A_699 {strides = array<i32>} : memref<16x64xf32, #tpu.memory_space<vmem>>, vector<1x16xf32>,
      %swap3A_700 = arith.constant 13 : i32
      %swap3A_701 = arith.index_cast %swap3A_700 : i32 to index
      %swap3A_702 = arith.constant 16 : index
      %swap3A_703 = tpu.vector_load %arg11[%swap3A_701, %swap3A_702] {strides = array<i32>} : memref<16x64xf32, #tpu.memory_space<vmem>>, vector<1x16xf32>,
      %swap3A_704 = vector.shape_cast %swap3A_703 : vector<1x16xf32> to vector<16xf32>
      %swap3A_705 = vector.shape_cast %scan3A_632#11 : vector<16xf32> to vector<1x16xf32>
      tpu.vector_store %arg11[%swap3A_701, %swap3A_702], %swap3A_705 {strides = array<i32>} : memref<16x64xf32, #tpu.memory_space<vmem>>, vector<1x16xf32>,
      %swap3A_706 = arith.constant 14 : i32
      %swap3A_707 = arith.index_cast %swap3A_706 : i32 to index
      %swap3A_708 = arith.constant 0 : index
      %swap3A_709 = tpu.vector_load %arg11[%swap3A_707, %swap3A_708] {strides = array<i32>} : memref<16x64xf32, #tpu.memory_space<vmem>>, vector<1x16xf32>,
      %swap3A_710 = vector.shape_cast %swap3A_709 : vector<1x16xf32> to vector<16xf32>
      %swap3A_711 = vector.shape_cast %scan3A_632#12 : vector<16xf32> to vector<1x16xf32>
      tpu.vector_store %arg11[%swap3A_707, %swap3A_708], %swap3A_711 {strides = array<i32>} : memref<16x64xf32, #tpu.memory_space<vmem>>, vector<1x16xf32>,
      %swap3A_712 = arith.constant 14 : i32
      %swap3A_713 = arith.index_cast %swap3A_712 : i32 to index
      %swap3A_714 = arith.constant 16 : index
      %swap3A_715 = tpu.vector_load %arg11[%swap3A_713, %swap3A_714] {strides = array<i32>} : memref<16x64xf32, #tpu.memory_space<vmem>>, vector<1x16xf32>,
      %swap3A_716 = vector.shape_cast %swap3A_715 : vector<1x16xf32> to vector<16xf32>
      %swap3A_717 = vector.shape_cast %scan3A_632#13 : vector<16xf32> to vector<1x16xf32>
      tpu.vector_store %arg11[%swap3A_713, %swap3A_714], %swap3A_717 {strides = array<i32>} : memref<16x64xf32, #tpu.memory_space<vmem>>, vector<1x16xf32>,
      %swap3A_718 = arith.constant 15 : i32
      %swap3A_719 = arith.index_cast %swap3A_718 : i32 to index
      %swap3A_720 = arith.constant 0 : index
      %swap3A_721 = tpu.vector_load %arg11[%swap3A_719, %swap3A_720] {strides = array<i32>} : memref<16x64xf32, #tpu.memory_space<vmem>>, vector<1x16xf32>,
      %swap3A_722 = vector.shape_cast %swap3A_721 : vector<1x16xf32> to vector<16xf32>
      %swap3A_723 = vector.shape_cast %scan3A_632#14 : vector<16xf32> to vector<1x16xf32>
      tpu.vector_store %arg11[%swap3A_719, %swap3A_720], %swap3A_723 {strides = array<i32>} : memref<16x64xf32, #tpu.memory_space<vmem>>, vector<1x16xf32>,
      %swap3A_724 = arith.constant 15 : i32
      %swap3A_725 = arith.index_cast %swap3A_724 : i32 to index
      %swap3A_726 = arith.constant 16 : index
      %swap3A_727 = tpu.vector_load %arg11[%swap3A_725, %swap3A_726] {strides = array<i32>} : memref<16x64xf32, #tpu.memory_space<vmem>>, vector<1x16xf32>,
      %swap3A_728 = vector.shape_cast %swap3A_727 : vector<1x16xf32> to vector<16xf32>
      %swap3A_729 = vector.shape_cast %scan3A_632#15 : vector<16xf32> to vector<1x16xf32>
      tpu.vector_store %arg11[%swap3A_725, %swap3A_726], %swap3A_729 {strides = array<i32>} : memref<16x64xf32, #tpu.memory_space<vmem>>, vector<1x16xf32>,
      %add3A_730 = arith.constant 1 : i32
      %add3A_731 = arith.addi %scan3A_264, %add3A_730 : i32
      %min3A = arith.constant 31 : i32
      %min3A_732 = arith.minsi %add3A_731, %min3A : i32
      %mul3A_733 = arith.constant 25 : i32
      %mul3A_734 = arith.muli %min3A_732, %mul3A_733 : i32
      %add3A_735 = arith.addi %mul3A_4, %mul3A_734 : i32
      "tpu.region"() ({
        %run_scoped3A = tpu.sem_alloc : memref<!tpu.dma_semaphore, #tpu.memory_space<semaphore_mem>>
        %dma_start3A_1203 = arith.constant 0 : i32
        %dma_start3A_1204 = tpu.memref_slice %arg2[%add3A_735, %dma_start3A_1203] : memref<25600x32xi32, #tpu.memory_space<hbm>> -> memref<25x32xi32, #tpu.memory_space<hbm>>
        %dma_start3A_1205 = arith.constant 0 : i32
        %dma_start3A_1206 = tpu.memref_slice %arg2[%add3A_735, %dma_start3A_1205] : memref<25600x32xi32, #tpu.memory_space<hbm>> -> memref<25x32xi32, #tpu.memory_space<hbm>>
        tpu.enqueue_dma source(%dma_start3A_1206 : memref<25x32xi32, #tpu.memory_space<hbm>>) target(%arg7 : memref<25x32xi32, #tpu.memory_space<vmem>>) target_semaphore(%run_scoped3A : memref<!tpu.dma_semaphore, #tpu.memory_space<semaphore_mem>>)
        %dma_wait3A_1207 = arith.constant 0 : i32
        %dma_wait3A_1208 = tpu.memref_slice %arg2[%add3A_735, %dma_wait3A_1207] : memref<25600x32xi32, #tpu.memory_space<hbm>> -> memref<25x32xi32, #tpu.memory_space<hbm>>
        %dma_wait3A_1209 = arith.constant 0 : i32
        %dma_wait3A_1210 = tpu.memref_slice %arg2[%add3A_735, %dma_wait3A_1209] : memref<25600x32xi32, #tpu.memory_space<hbm>> -> memref<25x32xi32, #tpu.memory_space<hbm>>
        tpu.wait_dma2 semaphore(%run_scoped3A : memref<!tpu.dma_semaphore, #tpu.memory_space<semaphore_mem>>) src(%dma_wait3A_1210 : memref<25x32xi32, #tpu.memory_space<hbm>>) dst(%arg7 : memref<25x32xi32, #tpu.memory_space<vmem>>)
        tpu.yield
      }) : () -> ()
      %dma_start3A_736 = arith.constant 0 : i32
      %dma_start3A_737 = arith.constant 0 : i32
      %dma_start3A_738 = arith.constant 0 : i32
      %dma_start3A_739 = tpu.memref_slice %arg9[%dma_start3A_737, %dma_start3A_738] : memref<800x32xf32, #tpu.memory_space<vmem>> -> memref<32x32xf32, #tpu.memory_space<vmem>>
      %dma_start3A_740 = arith.constant 0 : i32
      %dma_start3A_741 = tpu.memref_slice %arg7[%dma_start3A_736, %dma_start3A_740] : memref<25x32xi32, #tpu.memory_space<vmem>> -> memref<1x32xi32, #tpu.memory_space<vmem>>
      %dma_start3A_742 = tpu.memref_squeeze %dma_start3A_741 : memref<1x32xi32, #tpu.memory_space<vmem>> -> memref<32xi32, #tpu.memory_space<vmem>>
      %dma_start3A_743 = arith.constant 0 : i32
      %dma_start3A_744 = arith.constant 0 : i32
      %dma_start3A_745 = tpu.memref_slice %arg4[%dma_start3A_743, %dma_start3A_744] : memref<1000000x32xf32, #tpu.memory_space<hbm>> -> memref<1000000x32xf32, #tpu.memory_space<hbm>>
      tpu.enqueue_indirect_dma source(%dma_start3A_745 : memref<1000000x32xf32, #tpu.memory_space<hbm>>) target(%dma_start3A_739 : memref<32x32xf32, #tpu.memory_space<vmem>>) offsets(%dma_start3A_742 : memref<32xi32, #tpu.memory_space<vmem>>) semaphore(%arg12 : memref<!tpu.dma_semaphore, #tpu.memory_space<semaphore_mem>>)
      %dma_start3A_746 = arith.constant 1 : i32
      %dma_start3A_747 = arith.constant 32 : i32
      %dma_start3A_748 = arith.constant 0 : i32
      %dma_start3A_749 = tpu.memref_slice %arg9[%dma_start3A_747, %dma_start3A_748] : memref<800x32xf32, #tpu.memory_space<vmem>> -> memref<32x32xf32, #tpu.memory_space<vmem>>
      %dma_start3A_750 = arith.constant 0 : i32
      %dma_start3A_751 = tpu.memref_slice %arg7[%dma_start3A_746, %dma_start3A_750] : memref<25x32xi32, #tpu.memory_space<vmem>> -> memref<1x32xi32, #tpu.memory_space<vmem>>
      %dma_start3A_752 = tpu.memref_squeeze %dma_start3A_751 : memref<1x32xi32, #tpu.memory_space<vmem>> -> memref<32xi32, #tpu.memory_space<vmem>>
      %dma_start3A_753 = arith.constant 0 : i32
      %dma_start3A_754 = arith.constant 0 : i32
      %dma_start3A_755 = tpu.memref_slice %arg4[%dma_start3A_753, %dma_start3A_754] : memref<1000000x32xf32, #tpu.memory_space<hbm>> -> memref<1000000x32xf32, #tpu.memory_space<hbm>>
      tpu.enqueue_indirect_dma source(%dma_start3A_755 : memref<1000000x32xf32, #tpu.memory_space<hbm>>) target(%dma_start3A_749 : memref<32x32xf32, #tpu.memory_space<vmem>>) offsets(%dma_start3A_752 : memref<32xi32, #tpu.memory_space<vmem>>) semaphore(%arg12 : memref<!tpu.dma_semaphore, #tpu.memory_space<semaphore_mem>>)
      %dma_start3A_756 = arith.constant 2 : i32
      %dma_start3A_757 = arith.constant 64 : i32
      %dma_start3A_758 = arith.constant 0 : i32
      %dma_start3A_759 = tpu.memref_slice %arg9[%dma_start3A_757, %dma_start3A_758] : memref<800x32xf32, #tpu.memory_space<vmem>> -> memref<32x32xf32, #tpu.memory_space<vmem>>
      %dma_start3A_760 = arith.constant 0 : i32
      %dma_start3A_761 = tpu.memref_slice %arg7[%dma_start3A_756, %dma_start3A_760] : memref<25x32xi32, #tpu.memory_space<vmem>> -> memref<1x32xi32, #tpu.memory_space<vmem>>
      %dma_start3A_762 = tpu.memref_squeeze %dma_start3A_761 : memref<1x32xi32, #tpu.memory_space<vmem>> -> memref<32xi32, #tpu.memory_space<vmem>>
      %dma_start3A_763 = arith.constant 0 : i32
      %dma_start3A_764 = arith.constant 0 : i32
      %dma_start3A_765 = tpu.memref_slice %arg4[%dma_start3A_763, %dma_start3A_764] : memref<1000000x32xf32, #tpu.memory_space<hbm>> -> memref<1000000x32xf32, #tpu.memory_space<hbm>>
      tpu.enqueue_indirect_dma source(%dma_start3A_765 : memref<1000000x32xf32, #tpu.memory_space<hbm>>) target(%dma_start3A_759 : memref<32x32xf32, #tpu.memory_space<vmem>>) offsets(%dma_start3A_762 : memref<32xi32, #tpu.memory_space<vmem>>) semaphore(%arg12 : memref<!tpu.dma_semaphore, #tpu.memory_space<semaphore_mem>>)
      %dma_start3A_766 = arith.constant 3 : i32
      %dma_start3A_767 = arith.constant 96 : i32
      %dma_start3A_768 = arith.constant 0 : i32
      %dma_start3A_769 = tpu.memref_slice %arg9[%dma_start3A_767, %dma_start3A_768] : memref<800x32xf32, #tpu.memory_space<vmem>> -> memref<32x32xf32, #tpu.memory_space<vmem>>
      %dma_start3A_770 = arith.constant 0 : i32
      %dma_start3A_771 = tpu.memref_slice %arg7[%dma_start3A_766, %dma_start3A_770] : memref<25x32xi32, #tpu.memory_space<vmem>> -> memref<1x32xi32, #tpu.memory_space<vmem>>
      %dma_start3A_772 = tpu.memref_squeeze %dma_start3A_771 : memref<1x32xi32, #tpu.memory_space<vmem>> -> memref<32xi32, #tpu.memory_space<vmem>>
      %dma_start3A_773 = arith.constant 0 : i32
      %dma_start3A_774 = arith.constant 0 : i32
      %dma_start3A_775 = tpu.memref_slice %arg4[%dma_start3A_773, %dma_start3A_774] : memref<1000000x32xf32, #tpu.memory_space<hbm>> -> memref<1000000x32xf32, #tpu.memory_space<hbm>>
      tpu.enqueue_indirect_dma source(%dma_start3A_775 : memref<1000000x32xf32, #tpu.memory_space<hbm>>) target(%dma_start3A_769 : memref<32x32xf32, #tpu.memory_space<vmem>>) offsets(%dma_start3A_772 : memref<32xi32, #tpu.memory_space<vmem>>) semaphore(%arg12 : memref<!tpu.dma_semaphore, #tpu.memory_space<semaphore_mem>>)
      %dma_start3A_776 = arith.constant 4 : i32
      %dma_start3A_777 = arith.constant 128 : i32
      %dma_start3A_778 = arith.constant 0 : i32
      %dma_start3A_779 = tpu.memref_slice %arg9[%dma_start3A_777, %dma_start3A_778] : memref<800x32xf32, #tpu.memory_space<vmem>> -> memref<32x32xf32, #tpu.memory_space<vmem>>
      %dma_start3A_780 = arith.constant 0 : i32
      %dma_start3A_781 = tpu.memref_slice %arg7[%dma_start3A_776, %dma_start3A_780] : memref<25x32xi32, #tpu.memory_space<vmem>> -> memref<1x32xi32, #tpu.memory_space<vmem>>
      %dma_start3A_782 = tpu.memref_squeeze %dma_start3A_781 : memref<1x32xi32, #tpu.memory_space<vmem>> -> memref<32xi32, #tpu.memory_space<vmem>>
      %dma_start3A_783 = arith.constant 0 : i32
      %dma_start3A_784 = arith.constant 0 : i32
      %dma_start3A_785 = tpu.memref_slice %arg4[%dma_start3A_783, %dma_start3A_784] : memref<1000000x32xf32, #tpu.memory_space<hbm>> -> memref<1000000x32xf32, #tpu.memory_space<hbm>>
      tpu.enqueue_indirect_dma source(%dma_start3A_785 : memref<1000000x32xf32, #tpu.memory_space<hbm>>) target(%dma_start3A_779 : memref<32x32xf32, #tpu.memory_space<vmem>>) offsets(%dma_start3A_782 : memref<32xi32, #tpu.memory_space<vmem>>) semaphore(%arg12 : memref<!tpu.dma_semaphore, #tpu.memory_space<semaphore_mem>>)
      %dma_start3A_786 = arith.constant 5 : i32
      %dma_start3A_787 = arith.constant 160 : i32
      %dma_start3A_788 = arith.constant 0 : i32
      %dma_start3A_789 = tpu.memref_slice %arg9[%dma_start3A_787, %dma_start3A_788] : memref<800x32xf32, #tpu.memory_space<vmem>> -> memref<32x32xf32, #tpu.memory_space<vmem>>
      %dma_start3A_790 = arith.constant 0 : i32
      %dma_start3A_791 = tpu.memref_slice %arg7[%dma_start3A_786, %dma_start3A_790] : memref<25x32xi32, #tpu.memory_space<vmem>> -> memref<1x32xi32, #tpu.memory_space<vmem>>
      %dma_start3A_792 = tpu.memref_squeeze %dma_start3A_791 : memref<1x32xi32, #tpu.memory_space<vmem>> -> memref<32xi32, #tpu.memory_space<vmem>>
      %dma_start3A_793 = arith.constant 0 : i32
      %dma_start3A_794 = arith.constant 0 : i32
      %dma_start3A_795 = tpu.memref_slice %arg4[%dma_start3A_793, %dma_start3A_794] : memref<1000000x32xf32, #tpu.memory_space<hbm>> -> memref<1000000x32xf32, #tpu.memory_space<hbm>>
      tpu.enqueue_indirect_dma source(%dma_start3A_795 : memref<1000000x32xf32, #tpu.memory_space<hbm>>) target(%dma_start3A_789 : memref<32x32xf32, #tpu.memory_space<vmem>>) offsets(%dma_start3A_792 : memref<32xi32, #tpu.memory_space<vmem>>) semaphore(%arg12 : memref<!tpu.dma_semaphore, #tpu.memory_space<semaphore_mem>>)
      %dma_start3A_796 = arith.constant 6 : i32
      %dma_start3A_797 = arith.constant 192 : i32
      %dma_start3A_798 = arith.constant 0 : i32
      %dma_start3A_799 = tpu.memref_slice %arg9[%dma_start3A_797, %dma_start3A_798] : memref<800x32xf32, #tpu.memory_space<vmem>> -> memref<32x32xf32, #tpu.memory_space<vmem>>
      %dma_start3A_800 = arith.constant 0 : i32
      %dma_start3A_801 = tpu.memref_slice %arg7[%dma_start3A_796, %dma_start3A_800] : memref<25x32xi32, #tpu.memory_space<vmem>> -> memref<1x32xi32, #tpu.memory_space<vmem>>
      %dma_start3A_802 = tpu.memref_squeeze %dma_start3A_801 : memref<1x32xi32, #tpu.memory_space<vmem>> -> memref<32xi32, #tpu.memory_space<vmem>>
      %dma_start3A_803 = arith.constant 0 : i32
      %dma_start3A_804 = arith.constant 0 : i32
      %dma_start3A_805 = tpu.memref_slice %arg4[%dma_start3A_803, %dma_start3A_804] : memref<1000000x32xf32, #tpu.memory_space<hbm>> -> memref<1000000x32xf32, #tpu.memory_space<hbm>>
      tpu.enqueue_indirect_dma source(%dma_start3A_805 : memref<1000000x32xf32, #tpu.memory_space<hbm>>) target(%dma_start3A_799 : memref<32x32xf32, #tpu.memory_space<vmem>>) offsets(%dma_start3A_802 : memref<32xi32, #tpu.memory_space<vmem>>) semaphore(%arg12 : memref<!tpu.dma_semaphore, #tpu.memory_space<semaphore_mem>>)
      %dma_start3A_806 = arith.constant 7 : i32
      %dma_start3A_807 = arith.constant 224 : i32
      %dma_start3A_808 = arith.constant 0 : i32
      %dma_start3A_809 = tpu.memref_slice %arg9[%dma_start3A_807, %dma_start3A_808] : memref<800x32xf32, #tpu.memory_space<vmem>> -> memref<32x32xf32, #tpu.memory_space<vmem>>
      %dma_start3A_810 = arith.constant 0 : i32
      %dma_start3A_811 = tpu.memref_slice %arg7[%dma_start3A_806, %dma_start3A_810] : memref<25x32xi32, #tpu.memory_space<vmem>> -> memref<1x32xi32, #tpu.memory_space<vmem>>
      %dma_start3A_812 = tpu.memref_squeeze %dma_start3A_811 : memref<1x32xi32, #tpu.memory_space<vmem>> -> memref<32xi32, #tpu.memory_space<vmem>>
      %dma_start3A_813 = arith.constant 0 : i32
      %dma_start3A_814 = arith.constant 0 : i32
      %dma_start3A_815 = tpu.memref_slice %arg4[%dma_start3A_813, %dma_start3A_814] : memref<1000000x32xf32, #tpu.memory_space<hbm>> -> memref<1000000x32xf32, #tpu.memory_space<hbm>>
      tpu.enqueue_indirect_dma source(%dma_start3A_815 : memref<1000000x32xf32, #tpu.memory_space<hbm>>) target(%dma_start3A_809 : memref<32x32xf32, #tpu.memory_space<vmem>>) offsets(%dma_start3A_812 : memref<32xi32, #tpu.memory_space<vmem>>) semaphore(%arg12 : memref<!tpu.dma_semaphore, #tpu.memory_space<semaphore_mem>>)
      %dma_start3A_816 = arith.constant 8 : i32
      %dma_start3A_817 = arith.constant 256 : i32
      %dma_start3A_818 = arith.constant 0 : i32
      %dma_start3A_819 = tpu.memref_slice %arg9[%dma_start3A_817, %dma_start3A_818] : memref<800x32xf32, #tpu.memory_space<vmem>> -> memref<32x32xf32, #tpu.memory_space<vmem>>
      %dma_start3A_820 = arith.constant 0 : i32
      %dma_start3A_821 = tpu.memref_slice %arg7[%dma_start3A_816, %dma_start3A_820] : memref<25x32xi32, #tpu.memory_space<vmem>> -> memref<1x32xi32, #tpu.memory_space<vmem>>
      %dma_start3A_822 = tpu.memref_squeeze %dma_start3A_821 : memref<1x32xi32, #tpu.memory_space<vmem>> -> memref<32xi32, #tpu.memory_space<vmem>>
      %dma_start3A_823 = arith.constant 0 : i32
      %dma_start3A_824 = arith.constant 0 : i32
      %dma_start3A_825 = tpu.memref_slice %arg4[%dma_start3A_823, %dma_start3A_824] : memref<1000000x32xf32, #tpu.memory_space<hbm>> -> memref<1000000x32xf32, #tpu.memory_space<hbm>>
      tpu.enqueue_indirect_dma source(%dma_start3A_825 : memref<1000000x32xf32, #tpu.memory_space<hbm>>) target(%dma_start3A_819 : memref<32x32xf32, #tpu.memory_space<vmem>>) offsets(%dma_start3A_822 : memref<32xi32, #tpu.memory_space<vmem>>) semaphore(%arg12 : memref<!tpu.dma_semaphore, #tpu.memory_space<semaphore_mem>>)
      %dma_start3A_826 = arith.constant 9 : i32
      %dma_start3A_827 = arith.constant 288 : i32
      %dma_start3A_828 = arith.constant 0 : i32
      %dma_start3A_829 = tpu.memref_slice %arg9[%dma_start3A_827, %dma_start3A_828] : memref<800x32xf32, #tpu.memory_space<vmem>> -> memref<32x32xf32, #tpu.memory_space<vmem>>
      %dma_start3A_830 = arith.constant 0 : i32
      %dma_start3A_831 = tpu.memref_slice %arg7[%dma_start3A_826, %dma_start3A_830] : memref<25x32xi32, #tpu.memory_space<vmem>> -> memref<1x32xi32, #tpu.memory_space<vmem>>
      %dma_start3A_832 = tpu.memref_squeeze %dma_start3A_831 : memref<1x32xi32, #tpu.memory_space<vmem>> -> memref<32xi32, #tpu.memory_space<vmem>>
      %dma_start3A_833 = arith.constant 0 : i32
      %dma_start3A_834 = arith.constant 0 : i32
      %dma_start3A_835 = tpu.memref_slice %arg4[%dma_start3A_833, %dma_start3A_834] : memref<1000000x32xf32, #tpu.memory_space<hbm>> -> memref<1000000x32xf32, #tpu.memory_space<hbm>>
      tpu.enqueue_indirect_dma source(%dma_start3A_835 : memref<1000000x32xf32, #tpu.memory_space<hbm>>) target(%dma_start3A_829 : memref<32x32xf32, #tpu.memory_space<vmem>>) offsets(%dma_start3A_832 : memref<32xi32, #tpu.memory_space<vmem>>) semaphore(%arg12 : memref<!tpu.dma_semaphore, #tpu.memory_space<semaphore_mem>>)
      %dma_start3A_836 = arith.constant 10 : i32
      %dma_start3A_837 = arith.constant 320 : i32
      %dma_start3A_838 = arith.constant 0 : i32
      %dma_start3A_839 = tpu.memref_slice %arg9[%dma_start3A_837, %dma_start3A_838] : memref<800x32xf32, #tpu.memory_space<vmem>> -> memref<32x32xf32, #tpu.memory_space<vmem>>
      %dma_start3A_840 = arith.constant 0 : i32
      %dma_start3A_841 = tpu.memref_slice %arg7[%dma_start3A_836, %dma_start3A_840] : memref<25x32xi32, #tpu.memory_space<vmem>> -> memref<1x32xi32, #tpu.memory_space<vmem>>
      %dma_start3A_842 = tpu.memref_squeeze %dma_start3A_841 : memref<1x32xi32, #tpu.memory_space<vmem>> -> memref<32xi32, #tpu.memory_space<vmem>>
      %dma_start3A_843 = arith.constant 0 : i32
      %dma_start3A_844 = arith.constant 0 : i32
      %dma_start3A_845 = tpu.memref_slice %arg4[%dma_start3A_843, %dma_start3A_844] : memref<1000000x32xf32, #tpu.memory_space<hbm>> -> memref<1000000x32xf32, #tpu.memory_space<hbm>>
      tpu.enqueue_indirect_dma source(%dma_start3A_845 : memref<1000000x32xf32, #tpu.memory_space<hbm>>) target(%dma_start3A_839 : memref<32x32xf32, #tpu.memory_space<vmem>>) offsets(%dma_start3A_842 : memref<32xi32, #tpu.memory_space<vmem>>) semaphore(%arg12 : memref<!tpu.dma_semaphore, #tpu.memory_space<semaphore_mem>>)
      %dma_start3A_846 = arith.constant 11 : i32
      %dma_start3A_847 = arith.constant 352 : i32
      %dma_start3A_848 = arith.constant 0 : i32
      %dma_start3A_849 = tpu.memref_slice %arg9[%dma_start3A_847, %dma_start3A_848] : memref<800x32xf32, #tpu.memory_space<vmem>> -> memref<32x32xf32, #tpu.memory_space<vmem>>
      %dma_start3A_850 = arith.constant 0 : i32
      %dma_start3A_851 = tpu.memref_slice %arg7[%dma_start3A_846, %dma_start3A_850] : memref<25x32xi32, #tpu.memory_space<vmem>> -> memref<1x32xi32, #tpu.memory_space<vmem>>
      %dma_start3A_852 = tpu.memref_squeeze %dma_start3A_851 : memref<1x32xi32, #tpu.memory_space<vmem>> -> memref<32xi32, #tpu.memory_space<vmem>>
      %dma_start3A_853 = arith.constant 0 : i32
      %dma_start3A_854 = arith.constant 0 : i32
      %dma_start3A_855 = tpu.memref_slice %arg4[%dma_start3A_853, %dma_start3A_854] : memref<1000000x32xf32, #tpu.memory_space<hbm>> -> memref<1000000x32xf32, #tpu.memory_space<hbm>>
      tpu.enqueue_indirect_dma source(%dma_start3A_855 : memref<1000000x32xf32, #tpu.memory_space<hbm>>) target(%dma_start3A_849 : memref<32x32xf32, #tpu.memory_space<vmem>>) offsets(%dma_start3A_852 : memref<32xi32, #tpu.memory_space<vmem>>) semaphore(%arg12 : memref<!tpu.dma_semaphore, #tpu.memory_space<semaphore_mem>>)
      %dma_start3A_856 = arith.constant 12 : i32
      %dma_start3A_857 = arith.constant 384 : i32
      %dma_start3A_858 = arith.constant 0 : i32
      %dma_start3A_859 = tpu.memref_slice %arg9[%dma_start3A_857, %dma_start3A_858] : memref<800x32xf32, #tpu.memory_space<vmem>> -> memref<32x32xf32, #tpu.memory_space<vmem>>
      %dma_start3A_860 = arith.constant 0 : i32
      %dma_start3A_861 = tpu.memref_slice %arg7[%dma_start3A_856, %dma_start3A_860] : memref<25x32xi32, #tpu.memory_space<vmem>> -> memref<1x32xi32, #tpu.memory_space<vmem>>
      %dma_start3A_862 = tpu.memref_squeeze %dma_start3A_861 : memref<1x32xi32, #tpu.memory_space<vmem>> -> memref<32xi32, #tpu.memory_space<vmem>>
      %dma_start3A_863 = arith.constant 0 : i32
      %dma_start3A_864 = arith.constant 0 : i32
      %dma_start3A_865 = tpu.memref_slice %arg4[%dma_start3A_863, %dma_start3A_864] : memref<1000000x32xf32, #tpu.memory_space<hbm>> -> memref<1000000x32xf32, #tpu.memory_space<hbm>>
      tpu.enqueue_indirect_dma source(%dma_start3A_865 : memref<1000000x32xf32, #tpu.memory_space<hbm>>) target(%dma_start3A_859 : memref<32x32xf32, #tpu.memory_space<vmem>>) offsets(%dma_start3A_862 : memref<32xi32, #tpu.memory_space<vmem>>) semaphore(%arg12 : memref<!tpu.dma_semaphore, #tpu.memory_space<semaphore_mem>>)
      %dma_start3A_866 = arith.constant 13 : i32
      %dma_start3A_867 = arith.constant 416 : i32
      %dma_start3A_868 = arith.constant 0 : i32
      %dma_start3A_869 = tpu.memref_slice %arg9[%dma_start3A_867, %dma_start3A_868] : memref<800x32xf32, #tpu.memory_space<vmem>> -> memref<32x32xf32, #tpu.memory_space<vmem>>
      %dma_start3A_870 = arith.constant 0 : i32
      %dma_start3A_871 = tpu.memref_slice %arg7[%dma_start3A_866, %dma_start3A_870] : memref<25x32xi32, #tpu.memory_space<vmem>> -> memref<1x32xi32, #tpu.memory_space<vmem>>
      %dma_start3A_872 = tpu.memref_squeeze %dma_start3A_871 : memref<1x32xi32, #tpu.memory_space<vmem>> -> memref<32xi32, #tpu.memory_space<vmem>>
      %dma_start3A_873 = arith.constant 0 : i32
      %dma_start3A_874 = arith.constant 0 : i32
      %dma_start3A_875 = tpu.memref_slice %arg4[%dma_start3A_873, %dma_start3A_874] : memref<1000000x32xf32, #tpu.memory_space<hbm>> -> memref<1000000x32xf32, #tpu.memory_space<hbm>>
      tpu.enqueue_indirect_dma source(%dma_start3A_875 : memref<1000000x32xf32, #tpu.memory_space<hbm>>) target(%dma_start3A_869 : memref<32x32xf32, #tpu.memory_space<vmem>>) offsets(%dma_start3A_872 : memref<32xi32, #tpu.memory_space<vmem>>) semaphore(%arg12 : memref<!tpu.dma_semaphore, #tpu.memory_space<semaphore_mem>>)
      %dma_start3A_876 = arith.constant 14 : i32
      %dma_start3A_877 = arith.constant 448 : i32
      %dma_start3A_878 = arith.constant 0 : i32
      %dma_start3A_879 = tpu.memref_slice %arg9[%dma_start3A_877, %dma_start3A_878] : memref<800x32xf32, #tpu.memory_space<vmem>> -> memref<32x32xf32, #tpu.memory_space<vmem>>
      %dma_start3A_880 = arith.constant 0 : i32
      %dma_start3A_881 = tpu.memref_slice %arg7[%dma_start3A_876, %dma_start3A_880] : memref<25x32xi32, #tpu.memory_space<vmem>> -> memref<1x32xi32, #tpu.memory_space<vmem>>
      %dma_start3A_882 = tpu.memref_squeeze %dma_start3A_881 : memref<1x32xi32, #tpu.memory_space<vmem>> -> memref<32xi32, #tpu.memory_space<vmem>>
      %dma_start3A_883 = arith.constant 0 : i32
      %dma_start3A_884 = arith.constant 0 : i32
      %dma_start3A_885 = tpu.memref_slice %arg4[%dma_start3A_883, %dma_start3A_884] : memref<1000000x32xf32, #tpu.memory_space<hbm>> -> memref<1000000x32xf32, #tpu.memory_space<hbm>>
      tpu.enqueue_indirect_dma source(%dma_start3A_885 : memref<1000000x32xf32, #tpu.memory_space<hbm>>) target(%dma_start3A_879 : memref<32x32xf32, #tpu.memory_space<vmem>>) offsets(%dma_start3A_882 : memref<32xi32, #tpu.memory_space<vmem>>) semaphore(%arg12 : memref<!tpu.dma_semaphore, #tpu.memory_space<semaphore_mem>>)
      %dma_start3A_886 = arith.constant 15 : i32
      %dma_start3A_887 = arith.constant 480 : i32
      %dma_start3A_888 = arith.constant 0 : i32
      %dma_start3A_889 = tpu.memref_slice %arg9[%dma_start3A_887, %dma_start3A_888] : memref<800x32xf32, #tpu.memory_space<vmem>> -> memref<32x32xf32, #tpu.memory_space<vmem>>
      %dma_start3A_890 = arith.constant 0 : i32
      %dma_start3A_891 = tpu.memref_slice %arg7[%dma_start3A_886, %dma_start3A_890] : memref<25x32xi32, #tpu.memory_space<vmem>> -> memref<1x32xi32, #tpu.memory_space<vmem>>
      %dma_start3A_892 = tpu.memref_squeeze %dma_start3A_891 : memref<1x32xi32, #tpu.memory_space<vmem>> -> memref<32xi32, #tpu.memory_space<vmem>>
      %dma_start3A_893 = arith.constant 0 : i32
      %dma_start3A_894 = arith.constant 0 : i32
      %dma_start3A_895 = tpu.memref_slice %arg4[%dma_start3A_893, %dma_start3A_894] : memref<1000000x32xf32, #tpu.memory_space<hbm>> -> memref<1000000x32xf32, #tpu.memory_space<hbm>>
      tpu.enqueue_indirect_dma source(%dma_start3A_895 : memref<1000000x32xf32, #tpu.memory_space<hbm>>) target(%dma_start3A_889 : memref<32x32xf32, #tpu.memory_space<vmem>>) offsets(%dma_start3A_892 : memref<32xi32, #tpu.memory_space<vmem>>) semaphore(%arg12 : memref<!tpu.dma_semaphore, #tpu.memory_space<semaphore_mem>>)
      %dma_start3A_896 = arith.constant 16 : i32
      %dma_start3A_897 = arith.constant 512 : i32
      %dma_start3A_898 = arith.constant 0 : i32
      %dma_start3A_899 = tpu.memref_slice %arg9[%dma_start3A_897, %dma_start3A_898] : memref<800x32xf32, #tpu.memory_space<vmem>> -> memref<32x32xf32, #tpu.memory_space<vmem>>
      %dma_start3A_900 = arith.constant 0 : i32
      %dma_start3A_901 = tpu.memref_slice %arg7[%dma_start3A_896, %dma_start3A_900] : memref<25x32xi32, #tpu.memory_space<vmem>> -> memref<1x32xi32, #tpu.memory_space<vmem>>
      %dma_start3A_902 = tpu.memref_squeeze %dma_start3A_901 : memref<1x32xi32, #tpu.memory_space<vmem>> -> memref<32xi32, #tpu.memory_space<vmem>>
      %dma_start3A_903 = arith.constant 0 : i32
      %dma_start3A_904 = arith.constant 0 : i32
      %dma_start3A_905 = tpu.memref_slice %arg4[%dma_start3A_903, %dma_start3A_904] : memref<1000000x32xf32, #tpu.memory_space<hbm>> -> memref<1000000x32xf32, #tpu.memory_space<hbm>>
      tpu.enqueue_indirect_dma source(%dma_start3A_905 : memref<1000000x32xf32, #tpu.memory_space<hbm>>) target(%dma_start3A_899 : memref<32x32xf32, #tpu.memory_space<vmem>>) offsets(%dma_start3A_902 : memref<32xi32, #tpu.memory_space<vmem>>) semaphore(%arg12 : memref<!tpu.dma_semaphore, #tpu.memory_space<semaphore_mem>>)
      %dma_start3A_906 = arith.constant 17 : i32
      %dma_start3A_907 = arith.constant 544 : i32
      %dma_start3A_908 = arith.constant 0 : i32
      %dma_start3A_909 = tpu.memref_slice %arg9[%dma_start3A_907, %dma_start3A_908] : memref<800x32xf32, #tpu.memory_space<vmem>> -> memref<32x32xf32, #tpu.memory_space<vmem>>
      %dma_start3A_910 = arith.constant 0 : i32
      %dma_start3A_911 = tpu.memref_slice %arg7[%dma_start3A_906, %dma_start3A_910] : memref<25x32xi32, #tpu.memory_space<vmem>> -> memref<1x32xi32, #tpu.memory_space<vmem>>
      %dma_start3A_912 = tpu.memref_squeeze %dma_start3A_911 : memref<1x32xi32, #tpu.memory_space<vmem>> -> memref<32xi32, #tpu.memory_space<vmem>>
      %dma_start3A_913 = arith.constant 0 : i32
      %dma_start3A_914 = arith.constant 0 : i32
      %dma_start3A_915 = tpu.memref_slice %arg4[%dma_start3A_913, %dma_start3A_914] : memref<1000000x32xf32, #tpu.memory_space<hbm>> -> memref<1000000x32xf32, #tpu.memory_space<hbm>>
      tpu.enqueue_indirect_dma source(%dma_start3A_915 : memref<1000000x32xf32, #tpu.memory_space<hbm>>) target(%dma_start3A_909 : memref<32x32xf32, #tpu.memory_space<vmem>>) offsets(%dma_start3A_912 : memref<32xi32, #tpu.memory_space<vmem>>) semaphore(%arg12 : memref<!tpu.dma_semaphore, #tpu.memory_space<semaphore_mem>>)
      %dma_start3A_916 = arith.constant 18 : i32
      %dma_start3A_917 = arith.constant 576 : i32
      %dma_start3A_918 = arith.constant 0 : i32
      %dma_start3A_919 = tpu.memref_slice %arg9[%dma_start3A_917, %dma_start3A_918] : memref<800x32xf32, #tpu.memory_space<vmem>> -> memref<32x32xf32, #tpu.memory_space<vmem>>
      %dma_start3A_920 = arith.constant 0 : i32
      %dma_start3A_921 = tpu.memref_slice %arg7[%dma_start3A_916, %dma_start3A_920] : memref<25x32xi32, #tpu.memory_space<vmem>> -> memref<1x32xi32, #tpu.memory_space<vmem>>
      %dma_start3A_922 = tpu.memref_squeeze %dma_start3A_921 : memref<1x32xi32, #tpu.memory_space<vmem>> -> memref<32xi32, #tpu.memory_space<vmem>>
      %dma_start3A_923 = arith.constant 0 : i32
      %dma_start3A_924 = arith.constant 0 : i32
      %dma_start3A_925 = tpu.memref_slice %arg4[%dma_start3A_923, %dma_start3A_924] : memref<1000000x32xf32, #tpu.memory_space<hbm>> -> memref<1000000x32xf32, #tpu.memory_space<hbm>>
      tpu.enqueue_indirect_dma source(%dma_start3A_925 : memref<1000000x32xf32, #tpu.memory_space<hbm>>) target(%dma_start3A_919 : memref<32x32xf32, #tpu.memory_space<vmem>>) offsets(%dma_start3A_922 : memref<32xi32, #tpu.memory_space<vmem>>) semaphore(%arg12 : memref<!tpu.dma_semaphore, #tpu.memory_space<semaphore_mem>>)
      %dma_start3A_926 = arith.constant 19 : i32
      %dma_start3A_927 = arith.constant 608 : i32
      %dma_start3A_928 = arith.constant 0 : i32
      %dma_start3A_929 = tpu.memref_slice %arg9[%dma_start3A_927, %dma_start3A_928] : memref<800x32xf32, #tpu.memory_space<vmem>> -> memref<32x32xf32, #tpu.memory_space<vmem>>
      %dma_start3A_930 = arith.constant 0 : i32
      %dma_start3A_931 = tpu.memref_slice %arg7[%dma_start3A_926, %dma_start3A_930] : memref<25x32xi32, #tpu.memory_space<vmem>> -> memref<1x32xi32, #tpu.memory_space<vmem>>
      %dma_start3A_932 = tpu.memref_squeeze %dma_start3A_931 : memref<1x32xi32, #tpu.memory_space<vmem>> -> memref<32xi32, #tpu.memory_space<vmem>>
      %dma_start3A_933 = arith.constant 0 : i32
      %dma_start3A_934 = arith.constant 0 : i32
      %dma_start3A_935 = tpu.memref_slice %arg4[%dma_start3A_933, %dma_start3A_934] : memref<1000000x32xf32, #tpu.memory_space<hbm>> -> memref<1000000x32xf32, #tpu.memory_space<hbm>>
      tpu.enqueue_indirect_dma source(%dma_start3A_935 : memref<1000000x32xf32, #tpu.memory_space<hbm>>) target(%dma_start3A_929 : memref<32x32xf32, #tpu.memory_space<vmem>>) offsets(%dma_start3A_932 : memref<32xi32, #tpu.memory_space<vmem>>) semaphore(%arg12 : memref<!tpu.dma_semaphore, #tpu.memory_space<semaphore_mem>>)
      %dma_start3A_936 = arith.constant 20 : i32
      %dma_start3A_937 = arith.constant 640 : i32
      %dma_start3A_938 = arith.constant 0 : i32
      %dma_start3A_939 = tpu.memref_slice %arg9[%dma_start3A_937, %dma_start3A_938] : memref<800x32xf32, #tpu.memory_space<vmem>> -> memref<32x32xf32, #tpu.memory_space<vmem>>
      %dma_start3A_940 = arith.constant 0 : i32
      %dma_start3A_941 = tpu.memref_slice %arg7[%dma_start3A_936, %dma_start3A_940] : memref<25x32xi32, #tpu.memory_space<vmem>> -> memref<1x32xi32, #tpu.memory_space<vmem>>
      %dma_start3A_942 = tpu.memref_squeeze %dma_start3A_941 : memref<1x32xi32, #tpu.memory_space<vmem>> -> memref<32xi32, #tpu.memory_space<vmem>>
      %dma_start3A_943 = arith.constant 0 : i32
      %dma_start3A_944 = arith.constant 0 : i32
      %dma_start3A_945 = tpu.memref_slice %arg4[%dma_start3A_943, %dma_start3A_944] : memref<1000000x32xf32, #tpu.memory_space<hbm>> -> memref<1000000x32xf32, #tpu.memory_space<hbm>>
      tpu.enqueue_indirect_dma source(%dma_start3A_945 : memref<1000000x32xf32, #tpu.memory_space<hbm>>) target(%dma_start3A_939 : memref<32x32xf32, #tpu.memory_space<vmem>>) offsets(%dma_start3A_942 : memref<32xi32, #tpu.memory_space<vmem>>) semaphore(%arg12 : memref<!tpu.dma_semaphore, #tpu.memory_space<semaphore_mem>>)
      %dma_start3A_946 = arith.constant 21 : i32
      %dma_start3A_947 = arith.constant 672 : i32
      %dma_start3A_948 = arith.constant 0 : i32
      %dma_start3A_949 = tpu.memref_slice %arg9[%dma_start3A_947, %dma_start3A_948] : memref<800x32xf32, #tpu.memory_space<vmem>> -> memref<32x32xf32, #tpu.memory_space<vmem>>
      %dma_start3A_950 = arith.constant 0 : i32
      %dma_start3A_951 = tpu.memref_slice %arg7[%dma_start3A_946, %dma_start3A_950] : memref<25x32xi32, #tpu.memory_space<vmem>> -> memref<1x32xi32, #tpu.memory_space<vmem>>
      %dma_start3A_952 = tpu.memref_squeeze %dma_start3A_951 : memref<1x32xi32, #tpu.memory_space<vmem>> -> memref<32xi32, #tpu.memory_space<vmem>>
      %dma_start3A_953 = arith.constant 0 : i32
      %dma_start3A_954 = arith.constant 0 : i32
      %dma_start3A_955 = tpu.memref_slice %arg4[%dma_start3A_953, %dma_start3A_954] : memref<1000000x32xf32, #tpu.memory_space<hbm>> -> memref<1000000x32xf32, #tpu.memory_space<hbm>>
      tpu.enqueue_indirect_dma source(%dma_start3A_955 : memref<1000000x32xf32, #tpu.memory_space<hbm>>) target(%dma_start3A_949 : memref<32x32xf32, #tpu.memory_space<vmem>>) offsets(%dma_start3A_952 : memref<32xi32, #tpu.memory_space<vmem>>) semaphore(%arg12 : memref<!tpu.dma_semaphore, #tpu.memory_space<semaphore_mem>>)
      %dma_start3A_956 = arith.constant 22 : i32
      %dma_start3A_957 = arith.constant 704 : i32
      %dma_start3A_958 = arith.constant 0 : i32
      %dma_start3A_959 = tpu.memref_slice %arg9[%dma_start3A_957, %dma_start3A_958] : memref<800x32xf32, #tpu.memory_space<vmem>> -> memref<32x32xf32, #tpu.memory_space<vmem>>
      %dma_start3A_960 = arith.constant 0 : i32
      %dma_start3A_961 = tpu.memref_slice %arg7[%dma_start3A_956, %dma_start3A_960] : memref<25x32xi32, #tpu.memory_space<vmem>> -> memref<1x32xi32, #tpu.memory_space<vmem>>
      %dma_start3A_962 = tpu.memref_squeeze %dma_start3A_961 : memref<1x32xi32, #tpu.memory_space<vmem>> -> memref<32xi32, #tpu.memory_space<vmem>>
      %dma_start3A_963 = arith.constant 0 : i32
      %dma_start3A_964 = arith.constant 0 : i32
      %dma_start3A_965 = tpu.memref_slice %arg4[%dma_start3A_963, %dma_start3A_964] : memref<1000000x32xf32, #tpu.memory_space<hbm>> -> memref<1000000x32xf32, #tpu.memory_space<hbm>>
      tpu.enqueue_indirect_dma source(%dma_start3A_965 : memref<1000000x32xf32, #tpu.memory_space<hbm>>) target(%dma_start3A_959 : memref<32x32xf32, #tpu.memory_space<vmem>>) offsets(%dma_start3A_962 : memref<32xi32, #tpu.memory_space<vmem>>) semaphore(%arg12 : memref<!tpu.dma_semaphore, #tpu.memory_space<semaphore_mem>>)
      %dma_start3A_966 = arith.constant 23 : i32
      %dma_start3A_967 = arith.constant 736 : i32
      %dma_start3A_968 = arith.constant 0 : i32
      %dma_start3A_969 = tpu.memref_slice %arg9[%dma_start3A_967, %dma_start3A_968] : memref<800x32xf32, #tpu.memory_space<vmem>> -> memref<32x32xf32, #tpu.memory_space<vmem>>
      %dma_start3A_970 = arith.constant 0 : i32
      %dma_start3A_971 = tpu.memref_slice %arg7[%dma_start3A_966, %dma_start3A_970] : memref<25x32xi32, #tpu.memory_space<vmem>> -> memref<1x32xi32, #tpu.memory_space<vmem>>
      %dma_start3A_972 = tpu.memref_squeeze %dma_start3A_971 : memref<1x32xi32, #tpu.memory_space<vmem>> -> memref<32xi32, #tpu.memory_space<vmem>>
      %dma_start3A_973 = arith.constant 0 : i32
      %dma_start3A_974 = arith.constant 0 : i32
      %dma_start3A_975 = tpu.memref_slice %arg4[%dma_start3A_973, %dma_start3A_974] : memref<1000000x32xf32, #tpu.memory_space<hbm>> -> memref<1000000x32xf32, #tpu.memory_space<hbm>>
      tpu.enqueue_indirect_dma source(%dma_start3A_975 : memref<1000000x32xf32, #tpu.memory_space<hbm>>) target(%dma_start3A_969 : memref<32x32xf32, #tpu.memory_space<vmem>>) offsets(%dma_start3A_972 : memref<32xi32, #tpu.memory_space<vmem>>) semaphore(%arg12 : memref<!tpu.dma_semaphore, #tpu.memory_space<semaphore_mem>>)
      %dma_start3A_976 = arith.constant 24 : i32
      %dma_start3A_977 = arith.constant 768 : i32
      %dma_start3A_978 = arith.constant 0 : i32
      %dma_start3A_979 = tpu.memref_slice %arg9[%dma_start3A_977, %dma_start3A_978] : memref<800x32xf32, #tpu.memory_space<vmem>> -> memref<32x32xf32, #tpu.memory_space<vmem>>
      %dma_start3A_980 = arith.constant 0 : i32
      %dma_start3A_981 = tpu.memref_slice %arg7[%dma_start3A_976, %dma_start3A_980] : memref<25x32xi32, #tpu.memory_space<vmem>> -> memref<1x32xi32, #tpu.memory_space<vmem>>
      %dma_start3A_982 = tpu.memref_squeeze %dma_start3A_981 : memref<1x32xi32, #tpu.memory_space<vmem>> -> memref<32xi32, #tpu.memory_space<vmem>>
      %dma_start3A_983 = arith.constant 0 : i32
      %dma_start3A_984 = arith.constant 0 : i32
      %dma_start3A_985 = tpu.memref_slice %arg4[%dma_start3A_983, %dma_start3A_984] : memref<1000000x32xf32, #tpu.memory_space<hbm>> -> memref<1000000x32xf32, #tpu.memory_space<hbm>>
      tpu.enqueue_indirect_dma source(%dma_start3A_985 : memref<1000000x32xf32, #tpu.memory_space<hbm>>) target(%dma_start3A_979 : memref<32x32xf32, #tpu.memory_space<vmem>>) offsets(%dma_start3A_982 : memref<32xi32, #tpu.memory_space<vmem>>) semaphore(%arg12 : memref<!tpu.dma_semaphore, #tpu.memory_space<semaphore_mem>>)
      %dma_wait3A_986 = arith.constant 0 : i32
      %dma_wait3A_987 = arith.constant 0 : i32
      %dma_wait3A_988 = tpu.memref_slice %arg5[%dma_wait3A_986, %dma_wait3A_987] : memref<1000000x32xf32, #tpu.memory_space<hbm>> -> memref<800x32xf32, #tpu.memory_space<hbm>>
      %dma_wait3A_989 = arith.constant 0 : i32
      %dma_wait3A_990 = arith.constant 0 : i32
      %dma_wait3A_991 = tpu.memref_slice %arg5[%dma_wait3A_989, %dma_wait3A_990] : memref<1000000x32xf32, #tpu.memory_space<hbm>> -> memref<800x32xf32, #tpu.memory_space<hbm>>
      tpu.wait_dma2 semaphore(%arg13 : memref<!tpu.dma_semaphore, #tpu.memory_space<semaphore_mem>>) src(%dma_wait3A_991 : memref<800x32xf32, #tpu.memory_space<hbm>>) dst(%arg10 : memref<800x32xf32, #tpu.memory_space<vmem>>)
      %broadcast_in_dim3A_992 = arith.constant 0.000000e+00 : f32
      %broadcast_in_dim3A_993 = vector.broadcast %broadcast_in_dim3A_992 : f32 to vector<16xf32>
      %scan3A_994 = arith.constant 0 : i32
      %scan3A_995 = arith.constant 50 : i32
      %scan3A_996 = arith.addi %scan3A_994, %scan3A_995 : i32
      %scan3A_997 = arith.constant 1 : i32
      %scan3A_998:16 = scf.for %scan3A_1203 = %scan3A_994 to %scan3A_996 step %scan3A_997 iter_args(%scan3A_1204 = %broadcast_in_dim3A_993, %scan3A_1205 = %broadcast_in_dim3A_993, %scan3A_1206 = %broadcast_in_dim3A_993, %scan3A_1207 = %broadcast_in_dim3A_993, %scan3A_1208 = %broadcast_in_dim3A_993, %scan3A_1209 = %broadcast_in_dim3A_993, %scan3A_1210 = %broadcast_in_dim3A_993, %scan3A_1211 = %broadcast_in_dim3A_993, %scan3A_1212 = %broadcast_in_dim3A_993, %scan3A_1213 = %broadcast_in_dim3A_993, %scan3A_1214 = %broadcast_in_dim3A_993, %scan3A_1215 = %broadcast_in_dim3A_993, %scan3A_1216 = %broadcast_in_dim3A_993, %scan3A_1217 = %broadcast_in_dim3A_993, %scan3A_1218 = %broadcast_in_dim3A_993, %scan3A_1219 = %broadcast_in_dim3A_993) -> (vector<16xf32>, vector<16xf32>, vector<16xf32>, vector<16xf32>, vector<16xf32>, vector<16xf32>, vector<16xf32>, vector<16xf32>, vector<16xf32>, vector<16xf32>, vector<16xf32>, vector<16xf32>, vector<16xf32>, vector<16xf32>, vector<16xf32>, vector<16xf32>)  : i32 {
        %add3A_1220 = arith.constant 0 : i32
        %add3A_1221 = arith.addi %add3A_1220, %scan3A_1203 : i32
        %get3A = arith.index_cast %add3A_1221 : i32 to index
        %get3A_1222 = arith.constant 0 : index
        %get3A_1223 = tpu.vector_load %arg10[%get3A, %get3A_1222] {strides = array<i32>} : memref<800x32xf32, #tpu.memory_space<vmem>>, vector<1x16xf32>,
        %get3A_1224 = vector.shape_cast %get3A_1223 : vector<1x16xf32> to vector<16xf32>
        %add3A_1225 = arith.addf %scan3A_1204, %get3A_1224 : vector<16xf32>
        %get3A_1226 = arith.index_cast %add3A_1221 : i32 to index
        %get3A_1227 = arith.constant 16 : index
        %get3A_1228 = tpu.vector_load %arg10[%get3A_1226, %get3A_1227] {strides = array<i32>} : memref<800x32xf32, #tpu.memory_space<vmem>>, vector<1x16xf32>,
        %get3A_1229 = vector.shape_cast %get3A_1228 : vector<1x16xf32> to vector<16xf32>
        %add3A_1230 = arith.addf %scan3A_1205, %get3A_1229 : vector<16xf32>
        %add3A_1231 = arith.constant 50 : i32
        %add3A_1232 = arith.addi %add3A_1231, %scan3A_1203 : i32
        %get3A_1233 = arith.index_cast %add3A_1232 : i32 to index
        %get3A_1234 = arith.constant 0 : index
        %get3A_1235 = tpu.vector_load %arg10[%get3A_1233, %get3A_1234] {strides = array<i32>} : memref<800x32xf32, #tpu.memory_space<vmem>>, vector<1x16xf32>,
        %get3A_1236 = vector.shape_cast %get3A_1235 : vector<1x16xf32> to vector<16xf32>
        %add3A_1237 = arith.addf %scan3A_1206, %get3A_1236 : vector<16xf32>
        %get3A_1238 = arith.index_cast %add3A_1232 : i32 to index
        %get3A_1239 = arith.constant 16 : index
        %get3A_1240 = tpu.vector_load %arg10[%get3A_1238, %get3A_1239] {strides = array<i32>} : memref<800x32xf32, #tpu.memory_space<vmem>>, vector<1x16xf32>,
        %get3A_1241 = vector.shape_cast %get3A_1240 : vector<1x16xf32> to vector<16xf32>
        %add3A_1242 = arith.addf %scan3A_1207, %get3A_1241 : vector<16xf32>
        %add3A_1243 = arith.constant 100 : i32
        %add3A_1244 = arith.addi %add3A_1243, %scan3A_1203 : i32
        %get3A_1245 = arith.index_cast %add3A_1244 : i32 to index
        %get3A_1246 = arith.constant 0 : index
        %get3A_1247 = tpu.vector_load %arg10[%get3A_1245, %get3A_1246] {strides = array<i32>} : memref<800x32xf32, #tpu.memory_space<vmem>>, vector<1x16xf32>,
        %get3A_1248 = vector.shape_cast %get3A_1247 : vector<1x16xf32> to vector<16xf32>
        %add3A_1249 = arith.addf %scan3A_1208, %get3A_1248 : vector<16xf32>
        %get3A_1250 = arith.index_cast %add3A_1244 : i32 to index
        %get3A_1251 = arith.constant 16 : index
        %get3A_1252 = tpu.vector_load %arg10[%get3A_1250, %get3A_1251] {strides = array<i32>} : memref<800x32xf32, #tpu.memory_space<vmem>>, vector<1x16xf32>,
        %get3A_1253 = vector.shape_cast %get3A_1252 : vector<1x16xf32> to vector<16xf32>
        %add3A_1254 = arith.addf %scan3A_1209, %get3A_1253 : vector<16xf32>
        %add3A_1255 = arith.constant 150 : i32
        %add3A_1256 = arith.addi %add3A_1255, %scan3A_1203 : i32
        %get3A_1257 = arith.index_cast %add3A_1256 : i32 to index
        %get3A_1258 = arith.constant 0 : index
        %get3A_1259 = tpu.vector_load %arg10[%get3A_1257, %get3A_1258] {strides = array<i32>} : memref<800x32xf32, #tpu.memory_space<vmem>>, vector<1x16xf32>,
        %get3A_1260 = vector.shape_cast %get3A_1259 : vector<1x16xf32> to vector<16xf32>
        %add3A_1261 = arith.addf %scan3A_1210, %get3A_1260 : vector<16xf32>
        %get3A_1262 = arith.index_cast %add3A_1256 : i32 to index
        %get3A_1263 = arith.constant 16 : index
        %get3A_1264 = tpu.vector_load %arg10[%get3A_1262, %get3A_1263] {strides = array<i32>} : memref<800x32xf32, #tpu.memory_space<vmem>>, vector<1x16xf32>,
        %get3A_1265 = vector.shape_cast %get3A_1264 : vector<1x16xf32> to vector<16xf32>
        %add3A_1266 = arith.addf %scan3A_1211, %get3A_1265 : vector<16xf32>
        %add3A_1267 = arith.constant 200 : i32
        %add3A_1268 = arith.addi %add3A_1267, %scan3A_1203 : i32
        %get3A_1269 = arith.index_cast %add3A_1268 : i32 to index
        %get3A_1270 = arith.constant 0 : index
        %get3A_1271 = tpu.vector_load %arg10[%get3A_1269, %get3A_1270] {strides = array<i32>} : memref<800x32xf32, #tpu.memory_space<vmem>>, vector<1x16xf32>,
        %get3A_1272 = vector.shape_cast %get3A_1271 : vector<1x16xf32> to vector<16xf32>
        %add3A_1273 = arith.addf %scan3A_1212, %get3A_1272 : vector<16xf32>
        %get3A_1274 = arith.index_cast %add3A_1268 : i32 to index
        %get3A_1275 = arith.constant 16 : index
        %get3A_1276 = tpu.vector_load %arg10[%get3A_1274, %get3A_1275] {strides = array<i32>} : memref<800x32xf32, #tpu.memory_space<vmem>>, vector<1x16xf32>,
        %get3A_1277 = vector.shape_cast %get3A_1276 : vector<1x16xf32> to vector<16xf32>
        %add3A_1278 = arith.addf %scan3A_1213, %get3A_1277 : vector<16xf32>
        %add3A_1279 = arith.constant 250 : i32
        %add3A_1280 = arith.addi %add3A_1279, %scan3A_1203 : i32
        %get3A_1281 = arith.index_cast %add3A_1280 : i32 to index
        %get3A_1282 = arith.constant 0 : index
        %get3A_1283 = tpu.vector_load %arg10[%get3A_1281, %get3A_1282] {strides = array<i32>} : memref<800x32xf32, #tpu.memory_space<vmem>>, vector<1x16xf32>,
        %get3A_1284 = vector.shape_cast %get3A_1283 : vector<1x16xf32> to vector<16xf32>
        %add3A_1285 = arith.addf %scan3A_1214, %get3A_1284 : vector<16xf32>
        %get3A_1286 = arith.index_cast %add3A_1280 : i32 to index
        %get3A_1287 = arith.constant 16 : index
        %get3A_1288 = tpu.vector_load %arg10[%get3A_1286, %get3A_1287] {strides = array<i32>} : memref<800x32xf32, #tpu.memory_space<vmem>>, vector<1x16xf32>,
        %get3A_1289 = vector.shape_cast %get3A_1288 : vector<1x16xf32> to vector<16xf32>
        %add3A_1290 = arith.addf %scan3A_1215, %get3A_1289 : vector<16xf32>
        %add3A_1291 = arith.constant 300 : i32
        %add3A_1292 = arith.addi %add3A_1291, %scan3A_1203 : i32
        %get3A_1293 = arith.index_cast %add3A_1292 : i32 to index
        %get3A_1294 = arith.constant 0 : index
        %get3A_1295 = tpu.vector_load %arg10[%get3A_1293, %get3A_1294] {strides = array<i32>} : memref<800x32xf32, #tpu.memory_space<vmem>>, vector<1x16xf32>,
        %get3A_1296 = vector.shape_cast %get3A_1295 : vector<1x16xf32> to vector<16xf32>
        %add3A_1297 = arith.addf %scan3A_1216, %get3A_1296 : vector<16xf32>
        %get3A_1298 = arith.index_cast %add3A_1292 : i32 to index
        %get3A_1299 = arith.constant 16 : index
        %get3A_1300 = tpu.vector_load %arg10[%get3A_1298, %get3A_1299] {strides = array<i32>} : memref<800x32xf32, #tpu.memory_space<vmem>>, vector<1x16xf32>,
        %get3A_1301 = vector.shape_cast %get3A_1300 : vector<1x16xf32> to vector<16xf32>
        %add3A_1302 = arith.addf %scan3A_1217, %get3A_1301 : vector<16xf32>
        %add3A_1303 = arith.constant 350 : i32
        %add3A_1304 = arith.addi %add3A_1303, %scan3A_1203 : i32
        %get3A_1305 = arith.index_cast %add3A_1304 : i32 to index
        %get3A_1306 = arith.constant 0 : index
        %get3A_1307 = tpu.vector_load %arg10[%get3A_1305, %get3A_1306] {strides = array<i32>} : memref<800x32xf32, #tpu.memory_space<vmem>>, vector<1x16xf32>,
        %get3A_1308 = vector.shape_cast %get3A_1307 : vector<1x16xf32> to vector<16xf32>
        %add3A_1309 = arith.addf %scan3A_1218, %get3A_1308 : vector<16xf32>
        %get3A_1310 = arith.index_cast %add3A_1304 : i32 to index
        %get3A_1311 = arith.constant 16 : index
        %get3A_1312 = tpu.vector_load %arg10[%get3A_1310, %get3A_1311] {strides = array<i32>} : memref<800x32xf32, #tpu.memory_space<vmem>>, vector<1x16xf32>,
        %get3A_1313 = vector.shape_cast %get3A_1312 : vector<1x16xf32> to vector<16xf32>
        %add3A_1314 = arith.addf %scan3A_1219, %get3A_1313 : vector<16xf32>
        scf.yield %add3A_1225, %add3A_1230, %add3A_1237, %add3A_1242, %add3A_1249, %add3A_1254, %add3A_1261, %add3A_1266, %add3A_1273, %add3A_1278, %add3A_1285, %add3A_1290, %add3A_1297, %add3A_1302, %add3A_1309, %add3A_1314 : vector<16xf32>, vector<16xf32>, vector<16xf32>, vector<16xf32>, vector<16xf32>, vector<16xf32>, vector<16xf32>, vector<16xf32>, vector<16xf32>, vector<16xf32>, vector<16xf32>, vector<16xf32>, vector<16xf32>, vector<16xf32>, vector<16xf32>, vector<16xf32>
      }
      %scan3A_999 = arith.constant 50 : i32
      %swap3A_1000 = arith.constant 0 : i32
      %swap3A_1001 = arith.index_cast %swap3A_1000 : i32 to index
      %swap3A_1002 = arith.constant 32 : index
      %swap3A_1003 = tpu.vector_load %arg11[%swap3A_1001, %swap3A_1002] {strides = array<i32>} : memref<16x64xf32, #tpu.memory_space<vmem>>, vector<1x16xf32>,
      %swap3A_1004 = vector.shape_cast %swap3A_1003 : vector<1x16xf32> to vector<16xf32>
      %swap3A_1005 = vector.shape_cast %scan3A_998#0 : vector<16xf32> to vector<1x16xf32>
      tpu.vector_store %arg11[%swap3A_1001, %swap3A_1002], %swap3A_1005 {strides = array<i32>} : memref<16x64xf32, #tpu.memory_space<vmem>>, vector<1x16xf32>,
      %swap3A_1006 = arith.constant 0 : i32
      %swap3A_1007 = arith.index_cast %swap3A_1006 : i32 to index
      %swap3A_1008 = arith.constant 48 : index
      %swap3A_1009 = tpu.vector_load %arg11[%swap3A_1007, %swap3A_1008] {strides = array<i32>} : memref<16x64xf32, #tpu.memory_space<vmem>>, vector<1x16xf32>,
      %swap3A_1010 = vector.shape_cast %swap3A_1009 : vector<1x16xf32> to vector<16xf32>
      %swap3A_1011 = vector.shape_cast %scan3A_998#1 : vector<16xf32> to vector<1x16xf32>
      tpu.vector_store %arg11[%swap3A_1007, %swap3A_1008], %swap3A_1011 {strides = array<i32>} : memref<16x64xf32, #tpu.memory_space<vmem>>, vector<1x16xf32>,
      %swap3A_1012 = arith.constant 1 : i32
      %swap3A_1013 = arith.index_cast %swap3A_1012 : i32 to index
      %swap3A_1014 = arith.constant 32 : index
      %swap3A_1015 = tpu.vector_load %arg11[%swap3A_1013, %swap3A_1014] {strides = array<i32>} : memref<16x64xf32, #tpu.memory_space<vmem>>, vector<1x16xf32>,
      %swap3A_1016 = vector.shape_cast %swap3A_1015 : vector<1x16xf32> to vector<16xf32>
      %swap3A_1017 = vector.shape_cast %scan3A_998#2 : vector<16xf32> to vector<1x16xf32>
      tpu.vector_store %arg11[%swap3A_1013, %swap3A_1014], %swap3A_1017 {strides = array<i32>} : memref<16x64xf32, #tpu.memory_space<vmem>>, vector<1x16xf32>,
      %swap3A_1018 = arith.constant 1 : i32
      %swap3A_1019 = arith.index_cast %swap3A_1018 : i32 to index
      %swap3A_1020 = arith.constant 48 : index
      %swap3A_1021 = tpu.vector_load %arg11[%swap3A_1019, %swap3A_1020] {strides = array<i32>} : memref<16x64xf32, #tpu.memory_space<vmem>>, vector<1x16xf32>,
      %swap3A_1022 = vector.shape_cast %swap3A_1021 : vector<1x16xf32> to vector<16xf32>
      %swap3A_1023 = vector.shape_cast %scan3A_998#3 : vector<16xf32> to vector<1x16xf32>
      tpu.vector_store %arg11[%swap3A_1019, %swap3A_1020], %swap3A_1023 {strides = array<i32>} : memref<16x64xf32, #tpu.memory_space<vmem>>, vector<1x16xf32>,
      %swap3A_1024 = arith.constant 2 : i32
      %swap3A_1025 = arith.index_cast %swap3A_1024 : i32 to index
      %swap3A_1026 = arith.constant 32 : index
      %swap3A_1027 = tpu.vector_load %arg11[%swap3A_1025, %swap3A_1026] {strides = array<i32>} : memref<16x64xf32, #tpu.memory_space<vmem>>, vector<1x16xf32>,
      %swap3A_1028 = vector.shape_cast %swap3A_1027 : vector<1x16xf32> to vector<16xf32>
      %swap3A_1029 = vector.shape_cast %scan3A_998#4 : vector<16xf32> to vector<1x16xf32>
      tpu.vector_store %arg11[%swap3A_1025, %swap3A_1026], %swap3A_1029 {strides = array<i32>} : memref<16x64xf32, #tpu.memory_space<vmem>>, vector<1x16xf32>,
      %swap3A_1030 = arith.constant 2 : i32
      %swap3A_1031 = arith.index_cast %swap3A_1030 : i32 to index
      %swap3A_1032 = arith.constant 48 : index
      %swap3A_1033 = tpu.vector_load %arg11[%swap3A_1031, %swap3A_1032] {strides = array<i32>} : memref<16x64xf32, #tpu.memory_space<vmem>>, vector<1x16xf32>,
      %swap3A_1034 = vector.shape_cast %swap3A_1033 : vector<1x16xf32> to vector<16xf32>
      %swap3A_1035 = vector.shape_cast %scan3A_998#5 : vector<16xf32> to vector<1x16xf32>
      tpu.vector_store %arg11[%swap3A_1031, %swap3A_1032], %swap3A_1035 {strides = array<i32>} : memref<16x64xf32, #tpu.memory_space<vmem>>, vector<1x16xf32>,
      %swap3A_1036 = arith.constant 3 : i32
      %swap3A_1037 = arith.index_cast %swap3A_1036 : i32 to index
      %swap3A_1038 = arith.constant 32 : index
      %swap3A_1039 = tpu.vector_load %arg11[%swap3A_1037, %swap3A_1038] {strides = array<i32>} : memref<16x64xf32, #tpu.memory_space<vmem>>, vector<1x16xf32>,
      %swap3A_1040 = vector.shape_cast %swap3A_1039 : vector<1x16xf32> to vector<16xf32>
      %swap3A_1041 = vector.shape_cast %scan3A_998#6 : vector<16xf32> to vector<1x16xf32>
      tpu.vector_store %arg11[%swap3A_1037, %swap3A_1038], %swap3A_1041 {strides = array<i32>} : memref<16x64xf32, #tpu.memory_space<vmem>>, vector<1x16xf32>,
      %swap3A_1042 = arith.constant 3 : i32
      %swap3A_1043 = arith.index_cast %swap3A_1042 : i32 to index
      %swap3A_1044 = arith.constant 48 : index
      %swap3A_1045 = tpu.vector_load %arg11[%swap3A_1043, %swap3A_1044] {strides = array<i32>} : memref<16x64xf32, #tpu.memory_space<vmem>>, vector<1x16xf32>,
      %swap3A_1046 = vector.shape_cast %swap3A_1045 : vector<1x16xf32> to vector<16xf32>
      %swap3A_1047 = vector.shape_cast %scan3A_998#7 : vector<16xf32> to vector<1x16xf32>
      tpu.vector_store %arg11[%swap3A_1043, %swap3A_1044], %swap3A_1047 {strides = array<i32>} : memref<16x64xf32, #tpu.memory_space<vmem>>, vector<1x16xf32>,
      %swap3A_1048 = arith.constant 4 : i32
      %swap3A_1049 = arith.index_cast %swap3A_1048 : i32 to index
      %swap3A_1050 = arith.constant 32 : index
      %swap3A_1051 = tpu.vector_load %arg11[%swap3A_1049, %swap3A_1050] {strides = array<i32>} : memref<16x64xf32, #tpu.memory_space<vmem>>, vector<1x16xf32>,
      %swap3A_1052 = vector.shape_cast %swap3A_1051 : vector<1x16xf32> to vector<16xf32>
      %swap3A_1053 = vector.shape_cast %scan3A_998#8 : vector<16xf32> to vector<1x16xf32>
      tpu.vector_store %arg11[%swap3A_1049, %swap3A_1050], %swap3A_1053 {strides = array<i32>} : memref<16x64xf32, #tpu.memory_space<vmem>>, vector<1x16xf32>,
      %swap3A_1054 = arith.constant 4 : i32
      %swap3A_1055 = arith.index_cast %swap3A_1054 : i32 to index
      %swap3A_1056 = arith.constant 48 : index
      %swap3A_1057 = tpu.vector_load %arg11[%swap3A_1055, %swap3A_1056] {strides = array<i32>} : memref<16x64xf32, #tpu.memory_space<vmem>>, vector<1x16xf32>,
      %swap3A_1058 = vector.shape_cast %swap3A_1057 : vector<1x16xf32> to vector<16xf32>
      %swap3A_1059 = vector.shape_cast %scan3A_998#9 : vector<16xf32> to vector<1x16xf32>
      tpu.vector_store %arg11[%swap3A_1055, %swap3A_1056], %swap3A_1059 {strides = array<i32>} : memref<16x64xf32, #tpu.memory_space<vmem>>, vector<1x16xf32>,
      %swap3A_1060 = arith.constant 5 : i32
      %swap3A_1061 = arith.index_cast %swap3A_1060 : i32 to index
      %swap3A_1062 = arith.constant 32 : index
      %swap3A_1063 = tpu.vector_load %arg11[%swap3A_1061, %swap3A_1062] {strides = array<i32>} : memref<16x64xf32, #tpu.memory_space<vmem>>, vector<1x16xf32>,
      %swap3A_1064 = vector.shape_cast %swap3A_1063 : vector<1x16xf32> to vector<16xf32>
      %swap3A_1065 = vector.shape_cast %scan3A_998#10 : vector<16xf32> to vector<1x16xf32>
      tpu.vector_store %arg11[%swap3A_1061, %swap3A_1062], %swap3A_1065 {strides = array<i32>} : memref<16x64xf32, #tpu.memory_space<vmem>>, vector<1x16xf32>,
      %swap3A_1066 = arith.constant 5 : i32
      %swap3A_1067 = arith.index_cast %swap3A_1066 : i32 to index
      %swap3A_1068 = arith.constant 48 : index
      %swap3A_1069 = tpu.vector_load %arg11[%swap3A_1067, %swap3A_1068] {strides = array<i32>} : memref<16x64xf32, #tpu.memory_space<vmem>>, vector<1x16xf32>,
      %swap3A_1070 = vector.shape_cast %swap3A_1069 : vector<1x16xf32> to vector<16xf32>
      %swap3A_1071 = vector.shape_cast %scan3A_998#11 : vector<16xf32> to vector<1x16xf32>
      tpu.vector_store %arg11[%swap3A_1067, %swap3A_1068], %swap3A_1071 {strides = array<i32>} : memref<16x64xf32, #tpu.memory_space<vmem>>, vector<1x16xf32>,
      %swap3A_1072 = arith.constant 6 : i32
      %swap3A_1073 = arith.index_cast %swap3A_1072 : i32 to index
      %swap3A_1074 = arith.constant 32 : index
      %swap3A_1075 = tpu.vector_load %arg11[%swap3A_1073, %swap3A_1074] {strides = array<i32>} : memref<16x64xf32, #tpu.memory_space<vmem>>, vector<1x16xf32>,
      %swap3A_1076 = vector.shape_cast %swap3A_1075 : vector<1x16xf32> to vector<16xf32>
      %swap3A_1077 = vector.shape_cast %scan3A_998#12 : vector<16xf32> to vector<1x16xf32>
      tpu.vector_store %arg11[%swap3A_1073, %swap3A_1074], %swap3A_1077 {strides = array<i32>} : memref<16x64xf32, #tpu.memory_space<vmem>>, vector<1x16xf32>,
      %swap3A_1078 = arith.constant 6 : i32
      %swap3A_1079 = arith.index_cast %swap3A_1078 : i32 to index
      %swap3A_1080 = arith.constant 48 : index
      %swap3A_1081 = tpu.vector_load %arg11[%swap3A_1079, %swap3A_1080] {strides = array<i32>} : memref<16x64xf32, #tpu.memory_space<vmem>>, vector<1x16xf32>,
      %swap3A_1082 = vector.shape_cast %swap3A_1081 : vector<1x16xf32> to vector<16xf32>
      %swap3A_1083 = vector.shape_cast %scan3A_998#13 : vector<16xf32> to vector<1x16xf32>
      tpu.vector_store %arg11[%swap3A_1079, %swap3A_1080], %swap3A_1083 {strides = array<i32>} : memref<16x64xf32, #tpu.memory_space<vmem>>, vector<1x16xf32>,
      %swap3A_1084 = arith.constant 7 : i32
      %swap3A_1085 = arith.index_cast %swap3A_1084 : i32 to index
      %swap3A_1086 = arith.constant 32 : index
      %swap3A_1087 = tpu.vector_load %arg11[%swap3A_1085, %swap3A_1086] {strides = array<i32>} : memref<16x64xf32, #tpu.memory_space<vmem>>, vector<1x16xf32>,
      %swap3A_1088 = vector.shape_cast %swap3A_1087 : vector<1x16xf32> to vector<16xf32>
      %swap3A_1089 = vector.shape_cast %scan3A_998#14 : vector<16xf32> to vector<1x16xf32>
      tpu.vector_store %arg11[%swap3A_1085, %swap3A_1086], %swap3A_1089 {strides = array<i32>} : memref<16x64xf32, #tpu.memory_space<vmem>>, vector<1x16xf32>,
      %swap3A_1090 = arith.constant 7 : i32
      %swap3A_1091 = arith.index_cast %swap3A_1090 : i32 to index
      %swap3A_1092 = arith.constant 48 : index
      %swap3A_1093 = tpu.vector_load %arg11[%swap3A_1091, %swap3A_1092] {strides = array<i32>} : memref<16x64xf32, #tpu.memory_space<vmem>>, vector<1x16xf32>,
      %swap3A_1094 = vector.shape_cast %swap3A_1093 : vector<1x16xf32> to vector<16xf32>
      %swap3A_1095 = vector.shape_cast %scan3A_998#15 : vector<16xf32> to vector<1x16xf32>
      tpu.vector_store %arg11[%swap3A_1091, %swap3A_1092], %swap3A_1095 {strides = array<i32>} : memref<16x64xf32, #tpu.memory_space<vmem>>, vector<1x16xf32>,
      %broadcast_in_dim3A_1096 = arith.constant 0.000000e+00 : f32
      %broadcast_in_dim3A_1097 = vector.broadcast %broadcast_in_dim3A_1096 : f32 to vector<16xf32>
      %scan3A_1098 = arith.constant 0 : i32
      %scan3A_1099 = arith.constant 50 : i32
      %scan3A_1100 = arith.addi %scan3A_1098, %scan3A_1099 : i32
      %scan3A_1101 = arith.constant 1 : i32
      %scan3A_1102:16 = scf.for %scan3A_1203 = %scan3A_1098 to %scan3A_1100 step %scan3A_1101 iter_args(%scan3A_1204 = %broadcast_in_dim3A_1097, %scan3A_1205 = %broadcast_in_dim3A_1097, %scan3A_1206 = %broadcast_in_dim3A_1097, %scan3A_1207 = %broadcast_in_dim3A_1097, %scan3A_1208 = %broadcast_in_dim3A_1097, %scan3A_1209 = %broadcast_in_dim3A_1097, %scan3A_1210 = %broadcast_in_dim3A_1097, %scan3A_1211 = %broadcast_in_dim3A_1097, %scan3A_1212 = %broadcast_in_dim3A_1097, %scan3A_1213 = %broadcast_in_dim3A_1097, %scan3A_1214 = %broadcast_in_dim3A_1097, %scan3A_1215 = %broadcast_in_dim3A_1097, %scan3A_1216 = %broadcast_in_dim3A_1097, %scan3A_1217 = %broadcast_in_dim3A_1097, %scan3A_1218 = %broadcast_in_dim3A_1097, %scan3A_1219 = %broadcast_in_dim3A_1097) -> (vector<16xf32>, vector<16xf32>, vector<16xf32>, vector<16xf32>, vector<16xf32>, vector<16xf32>, vector<16xf32>, vector<16xf32>, vector<16xf32>, vector<16xf32>, vector<16xf32>, vector<16xf32>, vector<16xf32>, vector<16xf32>, vector<16xf32>, vector<16xf32>)  : i32 {
        %add3A_1220 = arith.constant 400 : i32
        %add3A_1221 = arith.addi %add3A_1220, %scan3A_1203 : i32
        %get3A = arith.index_cast %add3A_1221 : i32 to index
        %get3A_1222 = arith.constant 0 : index
        %get3A_1223 = tpu.vector_load %arg10[%get3A, %get3A_1222] {strides = array<i32>} : memref<800x32xf32, #tpu.memory_space<vmem>>, vector<1x16xf32>,
        %get3A_1224 = vector.shape_cast %get3A_1223 : vector<1x16xf32> to vector<16xf32>
        %add3A_1225 = arith.addf %scan3A_1204, %get3A_1224 : vector<16xf32>
        %get3A_1226 = arith.index_cast %add3A_1221 : i32 to index
        %get3A_1227 = arith.constant 16 : index
        %get3A_1228 = tpu.vector_load %arg10[%get3A_1226, %get3A_1227] {strides = array<i32>} : memref<800x32xf32, #tpu.memory_space<vmem>>, vector<1x16xf32>,
        %get3A_1229 = vector.shape_cast %get3A_1228 : vector<1x16xf32> to vector<16xf32>
        %add3A_1230 = arith.addf %scan3A_1205, %get3A_1229 : vector<16xf32>
        %add3A_1231 = arith.constant 450 : i32
        %add3A_1232 = arith.addi %add3A_1231, %scan3A_1203 : i32
        %get3A_1233 = arith.index_cast %add3A_1232 : i32 to index
        %get3A_1234 = arith.constant 0 : index
        %get3A_1235 = tpu.vector_load %arg10[%get3A_1233, %get3A_1234] {strides = array<i32>} : memref<800x32xf32, #tpu.memory_space<vmem>>, vector<1x16xf32>,
        %get3A_1236 = vector.shape_cast %get3A_1235 : vector<1x16xf32> to vector<16xf32>
        %add3A_1237 = arith.addf %scan3A_1206, %get3A_1236 : vector<16xf32>
        %get3A_1238 = arith.index_cast %add3A_1232 : i32 to index
        %get3A_1239 = arith.constant 16 : index
        %get3A_1240 = tpu.vector_load %arg10[%get3A_1238, %get3A_1239] {strides = array<i32>} : memref<800x32xf32, #tpu.memory_space<vmem>>, vector<1x16xf32>,
        %get3A_1241 = vector.shape_cast %get3A_1240 : vector<1x16xf32> to vector<16xf32>
        %add3A_1242 = arith.addf %scan3A_1207, %get3A_1241 : vector<16xf32>
        %add3A_1243 = arith.constant 500 : i32
        %add3A_1244 = arith.addi %add3A_1243, %scan3A_1203 : i32
        %get3A_1245 = arith.index_cast %add3A_1244 : i32 to index
        %get3A_1246 = arith.constant 0 : index
        %get3A_1247 = tpu.vector_load %arg10[%get3A_1245, %get3A_1246] {strides = array<i32>} : memref<800x32xf32, #tpu.memory_space<vmem>>, vector<1x16xf32>,
        %get3A_1248 = vector.shape_cast %get3A_1247 : vector<1x16xf32> to vector<16xf32>
        %add3A_1249 = arith.addf %scan3A_1208, %get3A_1248 : vector<16xf32>
        %get3A_1250 = arith.index_cast %add3A_1244 : i32 to index
        %get3A_1251 = arith.constant 16 : index
        %get3A_1252 = tpu.vector_load %arg10[%get3A_1250, %get3A_1251] {strides = array<i32>} : memref<800x32xf32, #tpu.memory_space<vmem>>, vector<1x16xf32>,
        %get3A_1253 = vector.shape_cast %get3A_1252 : vector<1x16xf32> to vector<16xf32>
        %add3A_1254 = arith.addf %scan3A_1209, %get3A_1253 : vector<16xf32>
        %add3A_1255 = arith.constant 550 : i32
        %add3A_1256 = arith.addi %add3A_1255, %scan3A_1203 : i32
        %get3A_1257 = arith.index_cast %add3A_1256 : i32 to index
        %get3A_1258 = arith.constant 0 : index
        %get3A_1259 = tpu.vector_load %arg10[%get3A_1257, %get3A_1258] {strides = array<i32>} : memref<800x32xf32, #tpu.memory_space<vmem>>, vector<1x16xf32>,
        %get3A_1260 = vector.shape_cast %get3A_1259 : vector<1x16xf32> to vector<16xf32>
        %add3A_1261 = arith.addf %scan3A_1210, %get3A_1260 : vector<16xf32>
        %get3A_1262 = arith.index_cast %add3A_1256 : i32 to index
        %get3A_1263 = arith.constant 16 : index
        %get3A_1264 = tpu.vector_load %arg10[%get3A_1262, %get3A_1263] {strides = array<i32>} : memref<800x32xf32, #tpu.memory_space<vmem>>, vector<1x16xf32>,
        %get3A_1265 = vector.shape_cast %get3A_1264 : vector<1x16xf32> to vector<16xf32>
        %add3A_1266 = arith.addf %scan3A_1211, %get3A_1265 : vector<16xf32>
        %add3A_1267 = arith.constant 600 : i32
        %add3A_1268 = arith.addi %add3A_1267, %scan3A_1203 : i32
        %get3A_1269 = arith.index_cast %add3A_1268 : i32 to index
        %get3A_1270 = arith.constant 0 : index
        %get3A_1271 = tpu.vector_load %arg10[%get3A_1269, %get3A_1270] {strides = array<i32>} : memref<800x32xf32, #tpu.memory_space<vmem>>, vector<1x16xf32>,
        %get3A_1272 = vector.shape_cast %get3A_1271 : vector<1x16xf32> to vector<16xf32>
        %add3A_1273 = arith.addf %scan3A_1212, %get3A_1272 : vector<16xf32>
        %get3A_1274 = arith.index_cast %add3A_1268 : i32 to index
        %get3A_1275 = arith.constant 16 : index
        %get3A_1276 = tpu.vector_load %arg10[%get3A_1274, %get3A_1275] {strides = array<i32>} : memref<800x32xf32, #tpu.memory_space<vmem>>, vector<1x16xf32>,
        %get3A_1277 = vector.shape_cast %get3A_1276 : vector<1x16xf32> to vector<16xf32>
        %add3A_1278 = arith.addf %scan3A_1213, %get3A_1277 : vector<16xf32>
        %add3A_1279 = arith.constant 650 : i32
        %add3A_1280 = arith.addi %add3A_1279, %scan3A_1203 : i32
        %get3A_1281 = arith.index_cast %add3A_1280 : i32 to index
        %get3A_1282 = arith.constant 0 : index
        %get3A_1283 = tpu.vector_load %arg10[%get3A_1281, %get3A_1282] {strides = array<i32>} : memref<800x32xf32, #tpu.memory_space<vmem>>, vector<1x16xf32>,
        %get3A_1284 = vector.shape_cast %get3A_1283 : vector<1x16xf32> to vector<16xf32>
        %add3A_1285 = arith.addf %scan3A_1214, %get3A_1284 : vector<16xf32>
        %get3A_1286 = arith.index_cast %add3A_1280 : i32 to index
        %get3A_1287 = arith.constant 16 : index
        %get3A_1288 = tpu.vector_load %arg10[%get3A_1286, %get3A_1287] {strides = array<i32>} : memref<800x32xf32, #tpu.memory_space<vmem>>, vector<1x16xf32>,
        %get3A_1289 = vector.shape_cast %get3A_1288 : vector<1x16xf32> to vector<16xf32>
        %add3A_1290 = arith.addf %scan3A_1215, %get3A_1289 : vector<16xf32>
        %add3A_1291 = arith.constant 700 : i32
        %add3A_1292 = arith.addi %add3A_1291, %scan3A_1203 : i32
        %get3A_1293 = arith.index_cast %add3A_1292 : i32 to index
        %get3A_1294 = arith.constant 0 : index
        %get3A_1295 = tpu.vector_load %arg10[%get3A_1293, %get3A_1294] {strides = array<i32>} : memref<800x32xf32, #tpu.memory_space<vmem>>, vector<1x16xf32>,
        %get3A_1296 = vector.shape_cast %get3A_1295 : vector<1x16xf32> to vector<16xf32>
        %add3A_1297 = arith.addf %scan3A_1216, %get3A_1296 : vector<16xf32>
        %get3A_1298 = arith.index_cast %add3A_1292 : i32 to index
        %get3A_1299 = arith.constant 16 : index
        %get3A_1300 = tpu.vector_load %arg10[%get3A_1298, %get3A_1299] {strides = array<i32>} : memref<800x32xf32, #tpu.memory_space<vmem>>, vector<1x16xf32>,
        %get3A_1301 = vector.shape_cast %get3A_1300 : vector<1x16xf32> to vector<16xf32>
        %add3A_1302 = arith.addf %scan3A_1217, %get3A_1301 : vector<16xf32>
        %add3A_1303 = arith.constant 750 : i32
        %add3A_1304 = arith.addi %add3A_1303, %scan3A_1203 : i32
        %get3A_1305 = arith.index_cast %add3A_1304 : i32 to index
        %get3A_1306 = arith.constant 0 : index
        %get3A_1307 = tpu.vector_load %arg10[%get3A_1305, %get3A_1306] {strides = array<i32>} : memref<800x32xf32, #tpu.memory_space<vmem>>, vector<1x16xf32>,
        %get3A_1308 = vector.shape_cast %get3A_1307 : vector<1x16xf32> to vector<16xf32>
        %add3A_1309 = arith.addf %scan3A_1218, %get3A_1308 : vector<16xf32>
        %get3A_1310 = arith.index_cast %add3A_1304 : i32 to index
        %get3A_1311 = arith.constant 16 : index
        %get3A_1312 = tpu.vector_load %arg10[%get3A_1310, %get3A_1311] {strides = array<i32>} : memref<800x32xf32, #tpu.memory_space<vmem>>, vector<1x16xf32>,
        %get3A_1313 = vector.shape_cast %get3A_1312 : vector<1x16xf32> to vector<16xf32>
        %add3A_1314 = arith.addf %scan3A_1219, %get3A_1313 : vector<16xf32>
        scf.yield %add3A_1225, %add3A_1230, %add3A_1237, %add3A_1242, %add3A_1249, %add3A_1254, %add3A_1261, %add3A_1266, %add3A_1273, %add3A_1278, %add3A_1285, %add3A_1290, %add3A_1297, %add3A_1302, %add3A_1309, %add3A_1314 : vector<16xf32>, vector<16xf32>, vector<16xf32>, vector<16xf32>, vector<16xf32>, vector<16xf32>, vector<16xf32>, vector<16xf32>, vector<16xf32>, vector<16xf32>, vector<16xf32>, vector<16xf32>, vector<16xf32>, vector<16xf32>, vector<16xf32>, vector<16xf32>
      }
      %scan3A_1103 = arith.constant 50 : i32
      %swap3A_1104 = arith.constant 8 : i32
      %swap3A_1105 = arith.index_cast %swap3A_1104 : i32 to index
      %swap3A_1106 = arith.constant 32 : index
      %swap3A_1107 = tpu.vector_load %arg11[%swap3A_1105, %swap3A_1106] {strides = array<i32>} : memref<16x64xf32, #tpu.memory_space<vmem>>, vector<1x16xf32>,
      %swap3A_1108 = vector.shape_cast %swap3A_1107 : vector<1x16xf32> to vector<16xf32>
      %swap3A_1109 = vector.shape_cast %scan3A_1102#0 : vector<16xf32> to vector<1x16xf32>
      tpu.vector_store %arg11[%swap3A_1105, %swap3A_1106], %swap3A_1109 {strides = array<i32>} : memref<16x64xf32, #tpu.memory_space<vmem>>, vector<1x16xf32>,
      %swap3A_1110 = arith.constant 8 : i32
      %swap3A_1111 = arith.index_cast %swap3A_1110 : i32 to index
      %swap3A_1112 = arith.constant 48 : index
      %swap3A_1113 = tpu.vector_load %arg11[%swap3A_1111, %swap3A_1112] {strides = array<i32>} : memref<16x64xf32, #tpu.memory_space<vmem>>, vector<1x16xf32>,
      %swap3A_1114 = vector.shape_cast %swap3A_1113 : vector<1x16xf32> to vector<16xf32>
      %swap3A_1115 = vector.shape_cast %scan3A_1102#1 : vector<16xf32> to vector<1x16xf32>
      tpu.vector_store %arg11[%swap3A_1111, %swap3A_1112], %swap3A_1115 {strides = array<i32>} : memref<16x64xf32, #tpu.memory_space<vmem>>, vector<1x16xf32>,
      %swap3A_1116 = arith.constant 9 : i32
      %swap3A_1117 = arith.index_cast %swap3A_1116 : i32 to index
      %swap3A_1118 = arith.constant 32 : index
      %swap3A_1119 = tpu.vector_load %arg11[%swap3A_1117, %swap3A_1118] {strides = array<i32>} : memref<16x64xf32, #tpu.memory_space<vmem>>, vector<1x16xf32>,
      %swap3A_1120 = vector.shape_cast %swap3A_1119 : vector<1x16xf32> to vector<16xf32>
      %swap3A_1121 = vector.shape_cast %scan3A_1102#2 : vector<16xf32> to vector<1x16xf32>
      tpu.vector_store %arg11[%swap3A_1117, %swap3A_1118], %swap3A_1121 {strides = array<i32>} : memref<16x64xf32, #tpu.memory_space<vmem>>, vector<1x16xf32>,
      %swap3A_1122 = arith.constant 9 : i32
      %swap3A_1123 = arith.index_cast %swap3A_1122 : i32 to index
      %swap3A_1124 = arith.constant 48 : index
      %swap3A_1125 = tpu.vector_load %arg11[%swap3A_1123, %swap3A_1124] {strides = array<i32>} : memref<16x64xf32, #tpu.memory_space<vmem>>, vector<1x16xf32>,
      %swap3A_1126 = vector.shape_cast %swap3A_1125 : vector<1x16xf32> to vector<16xf32>
      %swap3A_1127 = vector.shape_cast %scan3A_1102#3 : vector<16xf32> to vector<1x16xf32>
      tpu.vector_store %arg11[%swap3A_1123, %swap3A_1124], %swap3A_1127 {strides = array<i32>} : memref<16x64xf32, #tpu.memory_space<vmem>>, vector<1x16xf32>,
      %swap3A_1128 = arith.constant 10 : i32
      %swap3A_1129 = arith.index_cast %swap3A_1128 : i32 to index
      %swap3A_1130 = arith.constant 32 : index
      %swap3A_1131 = tpu.vector_load %arg11[%swap3A_1129, %swap3A_1130] {strides = array<i32>} : memref<16x64xf32, #tpu.memory_space<vmem>>, vector<1x16xf32>,
      %swap3A_1132 = vector.shape_cast %swap3A_1131 : vector<1x16xf32> to vector<16xf32>
      %swap3A_1133 = vector.shape_cast %scan3A_1102#4 : vector<16xf32> to vector<1x16xf32>
      tpu.vector_store %arg11[%swap3A_1129, %swap3A_1130], %swap3A_1133 {strides = array<i32>} : memref<16x64xf32, #tpu.memory_space<vmem>>, vector<1x16xf32>,
      %swap3A_1134 = arith.constant 10 : i32
      %swap3A_1135 = arith.index_cast %swap3A_1134 : i32 to index
      %swap3A_1136 = arith.constant 48 : index
      %swap3A_1137 = tpu.vector_load %arg11[%swap3A_1135, %swap3A_1136] {strides = array<i32>} : memref<16x64xf32, #tpu.memory_space<vmem>>, vector<1x16xf32>,
      %swap3A_1138 = vector.shape_cast %swap3A_1137 : vector<1x16xf32> to vector<16xf32>
      %swap3A_1139 = vector.shape_cast %scan3A_1102#5 : vector<16xf32> to vector<1x16xf32>
      tpu.vector_store %arg11[%swap3A_1135, %swap3A_1136], %swap3A_1139 {strides = array<i32>} : memref<16x64xf32, #tpu.memory_space<vmem>>, vector<1x16xf32>,
      %swap3A_1140 = arith.constant 11 : i32
      %swap3A_1141 = arith.index_cast %swap3A_1140 : i32 to index
      %swap3A_1142 = arith.constant 32 : index
      %swap3A_1143 = tpu.vector_load %arg11[%swap3A_1141, %swap3A_1142] {strides = array<i32>} : memref<16x64xf32, #tpu.memory_space<vmem>>, vector<1x16xf32>,
      %swap3A_1144 = vector.shape_cast %swap3A_1143 : vector<1x16xf32> to vector<16xf32>
      %swap3A_1145 = vector.shape_cast %scan3A_1102#6 : vector<16xf32> to vector<1x16xf32>
      tpu.vector_store %arg11[%swap3A_1141, %swap3A_1142], %swap3A_1145 {strides = array<i32>} : memref<16x64xf32, #tpu.memory_space<vmem>>, vector<1x16xf32>,
      %swap3A_1146 = arith.constant 11 : i32
      %swap3A_1147 = arith.index_cast %swap3A_1146 : i32 to index
      %swap3A_1148 = arith.constant 48 : index
      %swap3A_1149 = tpu.vector_load %arg11[%swap3A_1147, %swap3A_1148] {strides = array<i32>} : memref<16x64xf32, #tpu.memory_space<vmem>>, vector<1x16xf32>,
      %swap3A_1150 = vector.shape_cast %swap3A_1149 : vector<1x16xf32> to vector<16xf32>
      %swap3A_1151 = vector.shape_cast %scan3A_1102#7 : vector<16xf32> to vector<1x16xf32>
      tpu.vector_store %arg11[%swap3A_1147, %swap3A_1148], %swap3A_1151 {strides = array<i32>} : memref<16x64xf32, #tpu.memory_space<vmem>>, vector<1x16xf32>,
      %swap3A_1152 = arith.constant 12 : i32
      %swap3A_1153 = arith.index_cast %swap3A_1152 : i32 to index
      %swap3A_1154 = arith.constant 32 : index
      %swap3A_1155 = tpu.vector_load %arg11[%swap3A_1153, %swap3A_1154] {strides = array<i32>} : memref<16x64xf32, #tpu.memory_space<vmem>>, vector<1x16xf32>,
      %swap3A_1156 = vector.shape_cast %swap3A_1155 : vector<1x16xf32> to vector<16xf32>
      %swap3A_1157 = vector.shape_cast %scan3A_1102#8 : vector<16xf32> to vector<1x16xf32>
      tpu.vector_store %arg11[%swap3A_1153, %swap3A_1154], %swap3A_1157 {strides = array<i32>} : memref<16x64xf32, #tpu.memory_space<vmem>>, vector<1x16xf32>,
      %swap3A_1158 = arith.constant 12 : i32
      %swap3A_1159 = arith.index_cast %swap3A_1158 : i32 to index
      %swap3A_1160 = arith.constant 48 : index
      %swap3A_1161 = tpu.vector_load %arg11[%swap3A_1159, %swap3A_1160] {strides = array<i32>} : memref<16x64xf32, #tpu.memory_space<vmem>>, vector<1x16xf32>,
      %swap3A_1162 = vector.shape_cast %swap3A_1161 : vector<1x16xf32> to vector<16xf32>
      %swap3A_1163 = vector.shape_cast %scan3A_1102#9 : vector<16xf32> to vector<1x16xf32>
      tpu.vector_store %arg11[%swap3A_1159, %swap3A_1160], %swap3A_1163 {strides = array<i32>} : memref<16x64xf32, #tpu.memory_space<vmem>>, vector<1x16xf32>,
      %swap3A_1164 = arith.constant 13 : i32
      %swap3A_1165 = arith.index_cast %swap3A_1164 : i32 to index
      %swap3A_1166 = arith.constant 32 : index
      %swap3A_1167 = tpu.vector_load %arg11[%swap3A_1165, %swap3A_1166] {strides = array<i32>} : memref<16x64xf32, #tpu.memory_space<vmem>>, vector<1x16xf32>,
      %swap3A_1168 = vector.shape_cast %swap3A_1167 : vector<1x16xf32> to vector<16xf32>
      %swap3A_1169 = vector.shape_cast %scan3A_1102#10 : vector<16xf32> to vector<1x16xf32>
      tpu.vector_store %arg11[%swap3A_1165, %swap3A_1166], %swap3A_1169 {strides = array<i32>} : memref<16x64xf32, #tpu.memory_space<vmem>>, vector<1x16xf32>,
      %swap3A_1170 = arith.constant 13 : i32
      %swap3A_1171 = arith.index_cast %swap3A_1170 : i32 to index
      %swap3A_1172 = arith.constant 48 : index
      %swap3A_1173 = tpu.vector_load %arg11[%swap3A_1171, %swap3A_1172] {strides = array<i32>} : memref<16x64xf32, #tpu.memory_space<vmem>>, vector<1x16xf32>,
      %swap3A_1174 = vector.shape_cast %swap3A_1173 : vector<1x16xf32> to vector<16xf32>
      %swap3A_1175 = vector.shape_cast %scan3A_1102#11 : vector<16xf32> to vector<1x16xf32>
      tpu.vector_store %arg11[%swap3A_1171, %swap3A_1172], %swap3A_1175 {strides = array<i32>} : memref<16x64xf32, #tpu.memory_space<vmem>>, vector<1x16xf32>,
      %swap3A_1176 = arith.constant 14 : i32
      %swap3A_1177 = arith.index_cast %swap3A_1176 : i32 to index
      %swap3A_1178 = arith.constant 32 : index
      %swap3A_1179 = tpu.vector_load %arg11[%swap3A_1177, %swap3A_1178] {strides = array<i32>} : memref<16x64xf32, #tpu.memory_space<vmem>>, vector<1x16xf32>,
      %swap3A_1180 = vector.shape_cast %swap3A_1179 : vector<1x16xf32> to vector<16xf32>
      %swap3A_1181 = vector.shape_cast %scan3A_1102#12 : vector<16xf32> to vector<1x16xf32>
      tpu.vector_store %arg11[%swap3A_1177, %swap3A_1178], %swap3A_1181 {strides = array<i32>} : memref<16x64xf32, #tpu.memory_space<vmem>>, vector<1x16xf32>,
      %swap3A_1182 = arith.constant 14 : i32
      %swap3A_1183 = arith.index_cast %swap3A_1182 : i32 to index
      %swap3A_1184 = arith.constant 48 : index
      %swap3A_1185 = tpu.vector_load %arg11[%swap3A_1183, %swap3A_1184] {strides = array<i32>} : memref<16x64xf32, #tpu.memory_space<vmem>>, vector<1x16xf32>,
      %swap3A_1186 = vector.shape_cast %swap3A_1185 : vector<1x16xf32> to vector<16xf32>
      %swap3A_1187 = vector.shape_cast %scan3A_1102#13 : vector<16xf32> to vector<1x16xf32>
      tpu.vector_store %arg11[%swap3A_1183, %swap3A_1184], %swap3A_1187 {strides = array<i32>} : memref<16x64xf32, #tpu.memory_space<vmem>>, vector<1x16xf32>,
      %swap3A_1188 = arith.constant 15 : i32
      %swap3A_1189 = arith.index_cast %swap3A_1188 : i32 to index
      %swap3A_1190 = arith.constant 32 : index
      %swap3A_1191 = tpu.vector_load %arg11[%swap3A_1189, %swap3A_1190] {strides = array<i32>} : memref<16x64xf32, #tpu.memory_space<vmem>>, vector<1x16xf32>,
      %swap3A_1192 = vector.shape_cast %swap3A_1191 : vector<1x16xf32> to vector<16xf32>
      %swap3A_1193 = vector.shape_cast %scan3A_1102#14 : vector<16xf32> to vector<1x16xf32>
      tpu.vector_store %arg11[%swap3A_1189, %swap3A_1190], %swap3A_1193 {strides = array<i32>} : memref<16x64xf32, #tpu.memory_space<vmem>>, vector<1x16xf32>,
      %swap3A_1194 = arith.constant 15 : i32
      %swap3A_1195 = arith.index_cast %swap3A_1194 : i32 to index
      %swap3A_1196 = arith.constant 48 : index
      %swap3A_1197 = tpu.vector_load %arg11[%swap3A_1195, %swap3A_1196] {strides = array<i32>} : memref<16x64xf32, #tpu.memory_space<vmem>>, vector<1x16xf32>,
      %swap3A_1198 = vector.shape_cast %swap3A_1197 : vector<1x16xf32> to vector<16xf32>
      %swap3A_1199 = vector.shape_cast %scan3A_1102#15 : vector<16xf32> to vector<1x16xf32>
      tpu.vector_store %arg11[%swap3A_1195, %swap3A_1196], %swap3A_1199 {strides = array<i32>} : memref<16x64xf32, #tpu.memory_space<vmem>>, vector<1x16xf32>,
      %mul3A_1200 = arith.constant 16 : i32
      %mul3A_1201 = arith.muli %scan3A_264, %mul3A_1200 : i32
      %add3A_1202 = arith.addi %mul3A_2, %mul3A_1201 : i32
      "tpu.region"() ({
        %run_scoped3A = tpu.sem_alloc : memref<!tpu.dma_semaphore, #tpu.memory_space<semaphore_mem>>
        %dma_start3A_1203 = arith.constant 0 : i32
        %dma_start3A_1204 = tpu.memref_slice %arg6[%add3A_1202, %dma_start3A_1203] : memref<16384x64xf32, #tpu.memory_space<hbm>> -> memref<16x64xf32, #tpu.memory_space<hbm>>
        %dma_start3A_1205 = arith.constant 0 : i32
        %dma_start3A_1206 = tpu.memref_slice %arg6[%add3A_1202, %dma_start3A_1205] : memref<16384x64xf32, #tpu.memory_space<hbm>> -> memref<16x64xf32, #tpu.memory_space<hbm>>
        tpu.enqueue_dma source(%arg11 : memref<16x64xf32, #tpu.memory_space<vmem>>) target(%dma_start3A_1206 : memref<16x64xf32, #tpu.memory_space<hbm>>) target_semaphore(%run_scoped3A : memref<!tpu.dma_semaphore, #tpu.memory_space<semaphore_mem>>)
        %dma_wait3A_1207 = arith.constant 0 : i32
        %dma_wait3A_1208 = tpu.memref_slice %arg6[%add3A_1202, %dma_wait3A_1207] : memref<16384x64xf32, #tpu.memory_space<hbm>> -> memref<16x64xf32, #tpu.memory_space<hbm>>
        %dma_wait3A_1209 = arith.constant 0 : i32
        %dma_wait3A_1210 = tpu.memref_slice %arg6[%add3A_1202, %dma_wait3A_1209] : memref<16384x64xf32, #tpu.memory_space<hbm>> -> memref<16x64xf32, #tpu.memory_space<hbm>>
        tpu.wait_dma2 semaphore(%run_scoped3A : memref<!tpu.dma_semaphore, #tpu.memory_space<semaphore_mem>>) src(%arg11 : memref<16x64xf32, #tpu.memory_space<vmem>>) dst(%dma_wait3A_1210 : memref<16x64xf32, #tpu.memory_space<hbm>>)
        tpu.yield
      }) : () -> ()
    }
    %scan3A_258 = arith.constant 32 : i32
    %dma_wait3A = arith.constant 0 : i32
    %dma_wait3A_259 = arith.constant 0 : i32
    %dma_wait3A_260 = tpu.memref_slice %arg4[%dma_wait3A, %dma_wait3A_259] : memref<1000000x32xf32, #tpu.memory_space<hbm>> -> memref<800x32xf32, #tpu.memory_space<hbm>>
    %dma_wait3A_261 = arith.constant 0 : i32
    %dma_wait3A_262 = arith.constant 0 : i32
    %dma_wait3A_263 = tpu.memref_slice %arg4[%dma_wait3A_261, %dma_wait3A_262] : memref<1000000x32xf32, #tpu.memory_space<hbm>> -> memref<800x32xf32, #tpu.memory_space<hbm>>
    tpu.wait_dma2 semaphore(%arg12 : memref<!tpu.dma_semaphore, #tpu.memory_space<semaphore_mem>>) src(%dma_wait3A_263 : memref<800x32xf32, #tpu.memory_space<hbm>>) dst(%arg9 : memref<800x32xf32, #tpu.memory_space<vmem>>)
    return
  }
}

module attributes {stable_mosaic.version = 14 : i64} {
  func.func @_mlp_body(%arg0: i32, %arg1: memref<2048x64xf32, #tpu.memory_space<vmem>>, %arg2: memref<64x256xf32, #tpu.memory_space<vmem>>, %arg3: memref<1x256xf32, #tpu.memory_space<vmem>>, %arg4: memref<256x64xf32, #tpu.memory_space<vmem>>, %arg5: memref<1x64xf32, #tpu.memory_space<vmem>>, %arg6: memref<64x1xf32, #tpu.memory_space<vmem>>, %arg7: memref<1x1xf32, #tpu.memory_space<vmem>>, %arg8: memref<2048x1xf32, #tpu.memory_space<vmem>>) attributes {dimension_semantics = [#tpu.dimension_semantics<arbitrary>], iteration_bounds = array<i64: 8>, scalar_prefetch = 0 : i64, scratch_operands = 0 : i64, tpu.core_type = #tpu.core_type<tc>, window_params = [{transform_indices = @transform_0, window_bounds = array<i64: 2048, 64>}, {pipeline_mode = #tpu.pipeline_mode<synchronous>, transform_indices = @transform_1, window_bounds = array<i64: 64, 256>}, {pipeline_mode = #tpu.pipeline_mode<synchronous>, transform_indices = @transform_2, window_bounds = array<i64: 1, 256>}, {pipeline_mode = #tpu.pipeline_mode<synchronous>, transform_indices = @transform_3, window_bounds = array<i64: 256, 64>}, {pipeline_mode = #tpu.pipeline_mode<synchronous>, transform_indices = @transform_4, window_bounds = array<i64: 1, 64>}, {pipeline_mode = #tpu.pipeline_mode<synchronous>, transform_indices = @transform_5, window_bounds = array<i64: 64, 1>}, {pipeline_mode = #tpu.pipeline_mode<synchronous>, transform_indices = @transform_6, window_bounds = array<i64: 1, 1>}, {transform_indices = @transform_7, window_bounds = array<i64: 2048, 1>}]} {
    %get3A = arith.constant 0 : index
    %get3A_0 = arith.constant 0 : index
    %get3A_1 = vector.load %arg1[%get3A, %get3A_0] : memref<2048x64xf32, #tpu.memory_space<vmem>>, vector<2048x64xf32>
    %mul3A = arith.constant 2.000000e-02 : f32
    %mul3A_2 = vector.broadcast %mul3A : f32 to vector<2048x64xf32>
    %mul3A_3 = arith.mulf %get3A_1, %mul3A_2 : vector<2048x64xf32>
    %get3A_4 = arith.constant 0 : index
    %get3A_5 = arith.constant 0 : index
    %get3A_6 = vector.load %arg2[%get3A_4, %get3A_5] : memref<64x256xf32, #tpu.memory_space<vmem>>, vector<64x256xf32>
    %dot_general3A = arith.constant dense<0.000000e+00> : vector<2048x256xf32>
    %dot_general3A_7 = tpu.matmul %mul3A_3, %get3A_6, %dot_general3A {dimension_numbers = #tpu.dot_dimension_numbers<[1], [0], [0], [1], [0, 0, 1, 1], [], []>, precision = #tpu.contract_precision<fp32>, transpose_lhs_hint = false} : vector<2048x64xf32>, vector<64x256xf32>, vector<2048x256xf32> -> vector<2048x256xf32>
    %get3A_8 = arith.constant 0 : index
    %get3A_9 = arith.constant 0 : index
    %get3A_10 = vector.load %arg3[%get3A_8, %get3A_9] : memref<1x256xf32, #tpu.memory_space<vmem>>, vector<1x256xf32>
    %add3A = vector.broadcast %get3A_10 : vector<1x256xf32> to vector<2048x256xf32>
    %add3A_11 = arith.addf %dot_general3A_7, %add3A : vector<2048x256xf32>
    %max3A = arith.constant 0.000000e+00 : f32
    %max3A_12 = vector.broadcast %max3A : f32 to vector<2048x256xf32>
    %max3A_13 = arith.maximumf %add3A_11, %max3A_12 : vector<2048x256xf32>
    %get3A_14 = arith.constant 0 : index
    %get3A_15 = arith.constant 0 : index
    %get3A_16 = vector.load %arg4[%get3A_14, %get3A_15] : memref<256x64xf32, #tpu.memory_space<vmem>>, vector<256x64xf32>
    %dot_general3A_17 = arith.constant dense<0.000000e+00> : vector<2048x64xf32>
    %dot_general3A_18 = tpu.matmul %max3A_13, %get3A_16, %dot_general3A_17 {dimension_numbers = #tpu.dot_dimension_numbers<[1], [0], [0], [1], [0, 0, 1, 1], [], []>, precision = #tpu.contract_precision<fp32>, transpose_lhs_hint = false} : vector<2048x256xf32>, vector<256x64xf32>, vector<2048x64xf32> -> vector<2048x64xf32>
    %get3A_19 = arith.constant 0 : index
    %get3A_20 = arith.constant 0 : index
    %get3A_21 = vector.load %arg5[%get3A_19, %get3A_20] : memref<1x64xf32, #tpu.memory_space<vmem>>, vector<1x64xf32>
    %add3A_22 = vector.broadcast %get3A_21 : vector<1x64xf32> to vector<2048x64xf32>
    %add3A_23 = arith.addf %dot_general3A_18, %add3A_22 : vector<2048x64xf32>
    %max3A_24 = arith.constant 0.000000e+00 : f32
    %max3A_25 = vector.broadcast %max3A_24 : f32 to vector<2048x64xf32>
    %max3A_26 = arith.maximumf %add3A_23, %max3A_25 : vector<2048x64xf32>
    %get3A_27 = arith.constant 0 : index
    %get3A_28 = arith.constant 0 : index
    %get3A_29 = vector.load %arg6[%get3A_27, %get3A_28] : memref<64x1xf32, #tpu.memory_space<vmem>>, vector<64x1xf32>
    %dot_general3A_30 = arith.constant dense<0.000000e+00> : vector<2048x1xf32>
    %dot_general3A_31 = tpu.matmul %max3A_26, %get3A_29, %dot_general3A_30 {dimension_numbers = #tpu.dot_dimension_numbers<[1], [0], [0], [1], [0, 0, 1, 1], [], []>, precision = #tpu.contract_precision<fp32>, transpose_lhs_hint = false} : vector<2048x64xf32>, vector<64x1xf32>, vector<2048x1xf32> -> vector<2048x1xf32>
    %get3A_32 = arith.constant 0 : index
    %get3A_33 = arith.constant 0 : index
    %get3A_34 = vector.load %arg7[%get3A_32, %get3A_33] : memref<1x1xf32, #tpu.memory_space<vmem>>, vector<1x1xf32>
    %add3A_35 = vector.broadcast %get3A_34 : vector<1x1xf32> to vector<2048x1xf32>
    %add3A_36 = arith.addf %dot_general3A_31, %add3A_35 : vector<2048x1xf32>
    %swap3A = arith.constant 0 : index
    %swap3A_37 = arith.constant 0 : index
    %swap3A_38 = vector.load %arg8[%swap3A, %swap3A_37] : memref<2048x1xf32, #tpu.memory_space<vmem>>, vector<2048x1xf32>
    tpu.vector_store %arg8[%swap3A, %swap3A_37], %add3A_36 {strides = array<i32>} : memref<2048x1xf32, #tpu.memory_space<vmem>>, vector<2048x1xf32>,
    return
  }
  func.func @transform_0(%arg0: i32) -> (i32, i32) {
    %c0_i32 = arith.constant 0 : i32
    %c0_i32_0 = arith.constant 0 : i32
    return %arg0, %c0_i32 : i32, i32
  }
  func.func @transform_1(%arg0: i32) -> (i32, i32) {
    %c0_i32 = arith.constant 0 : i32
    %c0_i32_0 = arith.constant 0 : i32
    %c0_i32_1 = arith.constant 0 : i32
    return %c0_i32, %c0_i32_0 : i32, i32
  }
  func.func @transform_2(%arg0: i32) -> (i32, i32) {
    %c0_i32 = arith.constant 0 : i32
    %c0_i32_0 = arith.constant 0 : i32
    %c0_i32_1 = arith.constant 0 : i32
    return %c0_i32, %c0_i32_0 : i32, i32
  }
  func.func @transform_3(%arg0: i32) -> (i32, i32) {
    %c0_i32 = arith.constant 0 : i32
    %c0_i32_0 = arith.constant 0 : i32
    %c0_i32_1 = arith.constant 0 : i32
    return %c0_i32, %c0_i32_0 : i32, i32
  }
  func.func @transform_4(%arg0: i32) -> (i32, i32) {
    %c0_i32 = arith.constant 0 : i32
    %c0_i32_0 = arith.constant 0 : i32
    %c0_i32_1 = arith.constant 0 : i32
    return %c0_i32, %c0_i32_0 : i32, i32
  }
  func.func @transform_5(%arg0: i32) -> (i32, i32) {
    %c0_i32 = arith.constant 0 : i32
    %c0_i32_0 = arith.constant 0 : i32
    %c0_i32_1 = arith.constant 0 : i32
    return %c0_i32, %c0_i32_0 : i32, i32
  }
  func.func @transform_6(%arg0: i32) -> (i32, i32) {
    %c0_i32 = arith.constant 0 : i32
    %c0_i32_0 = arith.constant 0 : i32
    %c0_i32_1 = arith.constant 0 : i32
    return %c0_i32, %c0_i32_0 : i32, i32
  }
  func.func @transform_7(%arg0: i32) -> (i32, i32) {
    %c0_i32 = arith.constant 0 : i32
    %c0_i32_0 = arith.constant 0 : i32
    return %arg0, %c0_i32 : i32, i32
  }
}

</mosaic_0001>

<sc_bundles>
// kernel: kernel.4.cloned.1.call-start
scs
__scs_entry_jumppad:
0x0: {  	(pc) =	sbr.rel $0x88, $3  }
0x1: {  	(tag) =	ssettag $0x0;
	lr =	simm.s32 $0x1  }
0x2: {  	[smem:$0x3F97] =	sst lr;
	_ =	strace $0xD0000000  }
0x3: {  	_ = 	snop  }
0x4: {  	_ = 	snop  }
0x5: {  	_ = 	snop  }
0x6: {  	_ = 	snop  }
0x7: {  	_ = 	snop  }
__scs_overlays_trampoline_lowered:
0x8: {  	[smem:$0x3FA6] =	sst s0  }
0x9: {  	[smem:$0x3FA7] =	sst s1  }
0xa: {  	[smem:$0x3FA8] =	sst s2  }
0xb: {  	[smem:$0x3FA9] =	sst s3  }
0xc: {  	[smem:$0x3FAA] =	sst s4  }
0xd: {  	[smem:$0x3FAB] =	sst s5  }
0xe: {  	[smem:$0x3FAC] =	sst s6  }
0xf: {  	[smem:$0x3FAD] =	sst s7  }
0x10: {  	[smem:$0x3FAE] =	sst s8  }
0x11: {  	[smem:$0x3FAF] =	sst s9;
	s0 =	simm.s32 @!p0 $0x0  }
0x12: {  	s1 =	sld [smem:$0x3F95];
	s0 =	simm.s32 @p0 $0x1  }
0x13: {  	[smem:$0x3FB0] =	sst s0;
	s0 =	simm.s32 @!p1 $0x0  }
0x14: {  	s2 =	sld [smem:$0x3F94];
	s0 =	simm.s32 @p1 $0x1  }
0x15: {  	[smem:$0x3FB1] =	sst s0;
	s0 =	simm.s32 @!p2 $0x0  }
0x16: {  	s3 =	sld [smem:$0x3FDB];
	s0 =	simm.s32 @p2 $0x1  }
0x17: {  	s4 =	simm.s32 $0x1BF5;
	[smem:$0x3FB3] =	sst s0  }
0x18: {  	s0 =	sld [smem:$0x3F96];
	_ =	swait.ge [sflag:s4], $0x0  }
0x19: {  	s7 =	sld [smem:$0x3F97]  }
0x1a: {  	s8 =	sadd.s32 $0xFFFFE003, lr  }
0x1b: {  	s9 =	sadd.s32 $0xFFFFFEF7, lr;
	s5 =	simm.s32 $0xFFFFFFFF;
	p2 =	slt.u32 s8, $0xFFFFF086  }
0x1c: {  	p1 =	slt.u32 s9, $0xF7A;
	s5 =	simm.s32 @!p2 $0x0  }
0x1d: {  	s5 =	simm.s32 @p1 $0x1;
	p0 =	seq.s32 s7, s2  }
0x1e: {  	s7 =	smul.u32 @!p0 $0xF7A, s2;
	p2 =	seq.s32 @!p0 s5, $0x0  }
0x1f: {  	s9 =	smul.u32 $0xF7A, s1;
	s8 =	simm.s32 @!p0 $0x1BF5;
	p2 =	por !p2, p0  }
0x20: {  	[sflag:s8] =	ssyncset.s32 @!p0 $0xFFFFF086;
	s6 =	sadd.s32 @!p0 s3, s7;
	s7 =	simm.s32 @!p0 $0x108  }
0x21: {  	s3 =	sadd.s32 s3, s9;
	s6 =	sadd.s32 @!p0 $0x88, s6;
	s7 =	simm.s32 @p2 $0x1082  }
0x22: {  	[simem:s7], [sflag:s8] =	dma.local @!p0 [hbm:s6], $0xF7A  }
0x23: {  	s9 =	sor.u32 $0xD0000000, s2;
	s6 =	simm.s32 $0x108;
	_ =	swait.ge @!p0 [sflag:s8], $0x0  }
0x24: {  	s3 =	sadd.s32 $0x88, s3;
	s6 =	simm.s32 @!p1 $0x1082;
	[sflag:s4] =	ssyncset.s32 $0xFFFFF086  }
0x25: {  	[simem:s6], [sflag:s4] =	dma.local [hbm:s3], $0xF7A  }
0x26: {  	[smem:$0x3F97] =	sst s1;
	(tag) =	ssettag s2;
	_ =	strace s9  }
0x27: {  	s1 =	sld [smem:$0x3FA7]  }
0x28: {  	s2 =	sld [smem:$0x3FA8]  }
0x29: {  	s4 =	sld [smem:$0x3FAA]  }
0x2a: {  	p0 =	seq.s32 s5, $0x0;
	s5 =	sld [smem:$0x3FAB]  }
0x2b: {  	s6 =	sld [smem:$0x3FAC]  }
0x2c: {  	s7 =	sld [smem:$0x3FAD]  }
0x2d: {  	s3 =	simm.s32 $0x108;
	s8 =	sld [smem:$0x3FAE]  }
0x2e: {  	s3 =	simm.s32 @!p0 $0x1082;
	s9 =	sld [smem:$0x3FAF]  }
0x2f: {  	lr =	sadd.s32 s0, s3;
	s0 =	sld [smem:$0x3FA6]  }
0x30: {  	s3 =	sld [smem:$0x3FA9]  }
0x31: {  	[smem:$0x3FB2] =	sst s10  }
0x32: {  	s10 =	sld [smem:$0x3FB0];
	_ =	sdelay $0x3  }
0x33: {  	p0 =	seq.s32 s10, $0x1;
	s10 =	sld [smem:$0x3FB2];
	_ =	sdelay $0x3  }
0x34: {  	[smem:$0x3FB2] =	sst s10  }
0x35: {  	s10 =	sld [smem:$0x3FB1];
	_ =	sdelay $0x3  }
0x36: {  	p1 =	seq.s32 s10, $0x1;
	s10 =	sld [smem:$0x3FB2];
	_ =	sdelay $0x3  }
0x37: {  	[smem:$0x3FB2] =	sst s10  }
0x38: {  	s10 =	sld [smem:$0x3FB3]  }
0x39: {  	_ = 	snop;
	(pc) =	sbr.ind lr, $3  }
0x3a: {  	_ = 	snop  }
0x3b: {  	_ = 	snop  }
0x3c: {  	p2 =	seq.s32 s10, $0x1;
	s10 =	sld [smem:$0x3FB2]  }
0x3d: {  	_ =	shalt  }
0x3e: {  	_ =	shalt  }
0x3f: {  	_ =	shalt  }
0x40: {  	_ =	shalt  }
0x41: {  	_ =	shalt  }
0x42: {  	_ =	shalt  }
0x43: {  	_ =	shalt  }
0x44: {  	_ =	shalt  }
0x45: {  	_ =	shalt  }
0x46: {  	_ =	shalt  }
0x47: {  	_ =	shalt  }
0x48: {  	_ =	shalt  }
0x49: {  	_ =	shalt  }
0x4a: {  	_ =	shalt  }
0x4b: {  	_ =	shalt  }
0x4c: {  	_ =	shalt  }
0x4d: {  	_ =	shalt  }
0x4e: {  	_ =	shalt  }
0x4f: {  	_ =	shalt  }
0x50: {  	_ =	shalt  }
0x51: {  	_ =	shalt  }
0x52: {  	_ =	shalt  }
0x53: {  	_ =	shalt  }
0x54: {  	_ =	shalt  }
0x55: {  	_ =	shalt  }
0x56: {  	_ =	shalt  }
0x57: {  	_ =	shalt  }
0x58: {  	_ =	shalt  }
0x59: {  	_ =	shalt  }
0x5a: {  	_ =	shalt  }
0x5b: {  	_ =	shalt  }
0x5c: {  	_ =	shalt  }
0x5d: {  	_ =	shalt  }
0x5e: {  	_ =	shalt  }
0x5f: {  	_ =	shalt  }
0x60: {  	_ =	shalt  }
0x61: {  	_ =	shalt  }
0x62: {  	_ =	shalt  }
0x63: {  	_ =	shalt  }
0x64: {  	_ =	shalt  }
0x65: {  	_ =	shalt  }
0x66: {  	_ =	shalt  }
0x67: {  	_ =	shalt  }
0x68: {  	_ =	shalt  }
0x69: {  	_ =	shalt  }
0x6a: {  	_ =	shalt  }
0x6b: {  	_ =	shalt  }
0x6c: {  	_ =	shalt  }
0x6d: {  	_ =	shalt  }
0x6e: {  	_ =	shalt  }
0x6f: {  	_ =	shalt  }
0x70: {  	_ =	shalt  }
0x71: {  	_ =	shalt  }
0x72: {  	_ =	shalt  }
0x73: {  	_ =	shalt  }
0x74: {  	_ =	shalt  }
0x75: {  	_ =	shalt  }
0x76: {  	_ =	shalt  }
0x77: {  	_ =	shalt  }
0x78: {  	_ =	shalt  }
0x79: {  	_ =	shalt  }
0x7a: {  	_ =	shalt  }
0x7b: {  	_ =	shalt  }
0x7c: {  	_ =	shalt  }
0x7d: {  	_ =	shalt  }
0x7e: {  	_ =	shalt  }
0x7f: {  	_ =	shalt  }
0x80: {  	_ =	shalt  }
0x81: {  	_ =	shalt  }
0x82: {  	_ =	shalt  }
0x83: {  	_ =	shalt  }
0x84: {  	_ =	shalt  }
0x85: {  	_ =	shalt  }
0x86: {  	_ =	shalt  }
0x87: {  	_ =	shalt  }
.Lfunc_end0:
.L_simem_size_0:
called_computation_lowered:
.L_overlay_start_0:
0x88: {  	s2 =	sld [smem:$0x3FD9]  }
0x89: {  	s3 =	sld [smem:$0x3FFE];
	_ =	sdelay $0x1  }
0x8a: {  	s1 =	srdreg.scid  }
0x8b: {  	s0 =	sand.u32 $0x1, s1  }
0x8c: {  	s16 =	sshll.u32 s0, $0xA;
	s2 =	sadd.s32 s3, s2  }
0x8d: {  	s2 =	sadd.s32 s2, s16  }
0x8e: {  	[smem:$0x3FBE] =	sst s2  }
0x8f: {  	_ = 	snop  }
0x90: {  	(tm) =	ssettm $0x1  }
0x91: {  	s17 =	sld [smem:$0x3FFB];
	_ =	sdelay $0x3  }
0x92: {  	_ =	strace s17  }
0x93: {  	s2 =	sld [smem:$0x3FFC];
	_ =	sdelay $0x3  }
0x94: {  	_ =	strace s2  }
0x95: {  	s2 =	sld [smem:$0x3FFD];
	_ =	sdelay $0x3  }
0x96: {  	_ =	strace s2  }
0x97: {  	_ =	strace $0x8FFFFFFF  }
0x98: {  	s18 =	sld [smem:$0x3FDB];
	_ =	sdelay $0x1  }
0x99: {  	s19 =	simm.s32 $_scs_section_size  }
0x9a: {  	s4 =	simm.s32 $_size__tile_overlayer_lowered;
	s5 =	simm.s32 $_tile_overlayer_lowered  }
0x9b: {  	s22 =	simm.s32 $0x1BFF;
	s21 =	sshll.u32 s5, $0x1;
	s2 =	sadd.s32 s19, s18  }
0x9c: {  	s6 =	simm.s32 $0x0;
	s20 =	sshll.u32 s4, $0x1;
	s4 =	sadd.s32 s21, s2  }
0x9d: {  	[timem:s6], [sflag:s22] =	dma.local [hbm:s4], s20  }
0x9e: {  	_ =	swait.ge [sflag:s22], s20  }
0x9f: {  	s3 =	ssub.s32 $0x0, s20;
	[sflag:s22] =	ssyncset.done $0x0  }
0xa0: {  	[sflag:s22] =	ssyncadd.s32 s3;
	_ =	sdelay $0x1  }
0xa1: {  	s23 =	simm.s32 $0x1B8B  }
0xa2: {  	_ =	swait.ge [sflag:s23], $0x1  }
0xa3: {  	[sflag:s23] =	ssyncset.done $0x0  }
0xa4: {  	s25 =	simm.s32 $0x1B8E;
	s24 =	sld [smem:$0x3FFE];
	[sflag:s23] =	ssyncadd.s32 $0xFFFFFFFF  }
0xa5: {  	s26 =	simm.s32 $execute0_lowered;
	[smem:$0x3FD2] =	sst s25  }
0xa6: {  	s4 =	sshll.u32 s26, $0x1;
	_ =	strace $0x80000046;
	[dreg:$0x1] =	wrdreg $0xFFFFFFFF  }
0xa7: {  	s28 =	simm.s32 $_size_execute0_lowered;
	s2 =	sadd.s32 s2, s4;
	[dreg:$0x0] =	wrdreg $0x0  }
0xa8: {  	s4 =	sshll.u32 s28, $0x1;
	[dreg:$0x2] =	wrdreg s2  }
0xa9: {  	[dreg:$0x3] =	wrdreg s4  }
0xaa: {  	[dreg:$0x4] =	wrdreg $0xC0  }
0xab: {  	_ =	task [dreg:s6], $0x5FFFF  }
0xac: {  	[dreg:$0x1] =	wrdreg $0xFFFFFFFF  }
0xad: {  	[dreg:$0x0] =	wrdreg $0x60  }
0xae: {  	[dreg:$0x2] =	wrdreg s24  }
0xaf: {  	[dreg:$0x3] =	wrdreg $0x9  }
0xb0: {  	_ =	task.clear_ibuf [dreg:s6], $0x4FFFF;
	_ =	strace $0x90000046  }
0xb1: {  	s29 =	simm.s32 $0x9;
	_ =	strace $0x80000048  }
0xb2: {  	_ =	swait.ge [sflag:s29], $0x1  }
0xb3: {  	[sflag:s29] =	ssyncadd.s32 $0xFFFFFFFF  }
0xb4: {  	_ =	strace $0x90000048  }
0xb5: {  	_ =	sfence  }
0xb6: {  	s30 =	sld [smem:$0x0];
	_ =	sdelay $0x2  }
0xb7: {  	s31 =	sshll.u32 s1, $0xD;
	s1 =	sshrl.u32 s1, $0x2  }
0xb8: {  	s3 =	sand.u32 $0x4000, s31;
	s1 =	sadd.s32 s1, s30  }
0xb9: {  	s0 =	sor.u32 s3, s0;
	s1 =	sshll.u32 s1, $0x11  }
0xba: {  	s0 =	sor.u32 s1, s0  }
0xbb: {  	s0 =	sadd.s32 $0x8F2B, s0  }
0xbc: {  	[sflag:s0] =	ssyncadd.remote.s32 $0x1  }
0xbd: {  	_ =	sfence.sel $0xFFFF  }
0xbe: {  	[dreg:$0x0] =	wrdreg $0xFFFFFFFF;
	(pc) =	sbr.abs _section_cstart, $3  }
0xbf: {  	[dreg:$0x1] =	wrdreg $0xFFFFFFFF  }
0xc0: {  	_ =	task.clear_ibuf [dreg:s6], $0x2FFFF;
	_ =	strace $0x9FFFFFFF  }
0xc1: {  	(tm) =	ssettm $0x7FFFFFFF  }
tec
execute0_lowered:
.L_overlay_start_1:
0x0: {  	(tag) =	ssettag $0x1  }
0x1: {  	s0 =	rddreg [dreg:$0x0]  }
0x2: {  	s1 =	simm.s32 $0x0;
	s24 =	srdreg.scid;
	s2 =	stileid.u32  }
0x3: {  	s11 =	simm.s32 $0x3;
	s12 =	simm.s32 $0x20;
	s15 =	simm.s32 $0x320  }
0x4: {  	s10 =	simm.s32 $0x580;
	s20 =	simm.s32 $0xB640;
	s13 =	simm.s32 $0x5A0  }
0x5: {  	s14 =	simm.s32 $0x5C0;
	s18 =	simm.s32 $0xC240;
	s28 =	simm.s32 $0x600  }
0x6: {  	s21 =	simm.s32 $0xC640;
	s29 =	simm.s32 $0x620;
	s17 =	simm.s32 $0xCA40  }
0x7: {  	s30 =	simm.s32 $0x1;
	s22 =	simm.s32 $0x2;
	s31 =	simm.s32 $0xCE40  }
0x8: {  	[smem:$0x7FF] =	sst s1;
	s3 =	sadd.s32 $0x1A200, s0;
	s4 =	sadd.s32 $0x1200, s0  }
0x9: {  	s1 =	sand.u32 $0x1, s24;
	s2 =	sshll.u32 s2, $0x1;
	s5 =	sadd.s32 $0x1314000, s0  }
0xa: {  	s6 =	sadd.s32 $0xF43600, s0;
	s24 =	simm.s32 $0xB240;
	s2 =	sor.u32 s1, s2  }
0xb: {  	_ =	strace $0x80000047;
	s1 =	ssub.s32 $0x2, s1;
	s7 =	sshll.u32 s2, $0xC  }
0xc: {  	s8 =	sshrl.u32 s1, $0x1;
	s9 =	smul.u32 $0xC80, s2;
	s0 =	sadd.s32 s7, s0  }
0xd: {  	s1 =	ssub.s32 s1, s8;
	s7 =	smul.u32 $0x320, s2;
	s2 =	simm.s32 $0x0  }
0xe: {  	s8 =	simm.s32 $0x0;
	s25 =	sadd.s32 s3, s9;
	s9 =	sadd.s32 $0x33200, s0  }
0xf: {  	s26 =	smax.u32 s1, $0x1;
	s1 =	simm.s32 $0x5E0;
	[dreg:$0x2] =	wrdreg s25  }
0x10: {  	[dreg:$0x3] =	wrdreg s26;
	s25 =	simm.s32 $0xBA40;
	s26 =	simm.s32 $0xBE40  }
.LBB2_1:
0x11: {  	[dreg:$0x4] =	wrdreg s2  }
0x12: {  	s0 =	simm.s32 $0x0;
	s19 =	rddreg [dreg:$0x2]  }
0x13: {  	[tilespmem:s0], [sflag:$0x3] =	stream.linear.gather [hbm4b:s19+s0], $0x320, $0x38;
	[tilespmem:$0xD240] =	vst v63  }
0x14: {  	_ =	swait.ge [sflag:s11], $0x320  }
0x15: {  	[sflag:s11] =	ssyncset.done $0x0  }
0x16: {  	s23 =	simm.s32 $0x640;
	[sflag:s11] =	ssyncadd.s32 $0xFFFFFCE0  }
0x17: {  	[tilespmem:s23], [sflag:$0x1] =	stream.indirect.gather [hbm4b:s5+s12], $0x20, s0, s12, $0xb8;
	[tilespmem:$0xD240] =	vst v63  }
0x18: {  	s16 =	simm.s32 $0xA40  }
0x19: {  	[tilespmem:s16], [sflag:$0x1] =	stream.indirect.gather [hbm4b:s5+s12], $0x20, s12, s12, $0xb8;
	[tilespmem:$0xD240] =	vst v63  }
0x1a: {  	s19 =	simm.s32 $0x40;
	s23 =	simm.s32 $0xE40  }
0x1b: {  	[tilespmem:s23], [sflag:$0x1] =	stream.indirect.gather [hbm4b:s5+s12], $0x20, s19, s12, $0xb8;
	[tilespmem:$0xD240] =	vst v63  }
0x1c: {  	s2 =	simm.s32 $0x60;
	s16 =	simm.s32 $0x1240  }
0x1d: {  	[tilespmem:s16], [sflag:$0x1] =	stream.indirect.gather [hbm4b:s5+s12], $0x20, s2, s12, $0xb8;
	[tilespmem:$0xD240] =	vst v63  }
0x1e: {  	s19 =	simm.s32 $0x80;
	s23 =	simm.s32 $0x1640  }
0x1f: {  	[tilespmem:s23], [sflag:$0x1] =	stream.indirect.gather [hbm4b:s5+s12], $0x20, s19, s12, $0xb8;
	[tilespmem:$0xD240] =	vst v63  }
0x20: {  	s2 =	simm.s32 $0xA0;
	s16 =	simm.s32 $0x1A40  }
0x21: {  	[tilespmem:s16], [sflag:$0x1] =	stream.indirect.gather [hbm4b:s5+s12], $0x20, s2, s12, $0xb8;
	[tilespmem:$0xD240] =	vst v63  }
0x22: {  	s19 =	simm.s32 $0xC0;
	s23 =	simm.s32 $0x1E40  }
0x23: {  	[tilespmem:s23], [sflag:$0x1] =	stream.indirect.gather [hbm4b:s5+s12], $0x20, s19, s12, $0xb8;
	[tilespmem:$0xD240] =	vst v63  }
0x24: {  	s2 =	simm.s32 $0xE0;
	s16 =	simm.s32 $0x2240  }
0x25: {  	[tilespmem:s16], [sflag:$0x1] =	stream.indirect.gather [hbm4b:s5+s12], $0x20, s2, s12, $0xb8;
	[tilespmem:$0xD240] =	vst v63  }
0x26: {  	s19 =	simm.s32 $0x100;
	s23 =	simm.s32 $0x2640  }
0x27: {  	[tilespmem:s23], [sflag:$0x1] =	stream.indirect.gather [hbm4b:s5+s12], $0x20, s19, s12, $0xb8;
	[tilespmem:$0xD240] =	vst v63  }
0x28: {  	s2 =	simm.s32 $0x120;
	s16 =	simm.s32 $0x2A40  }
0x29: {  	[tilespmem:s16], [sflag:$0x1] =	stream.indirect.gather [hbm4b:s5+s12], $0x20, s2, s12, $0xb8;
	[tilespmem:$0xD240] =	vst v63  }
0x2a: {  	s19 =	simm.s32 $0x140;
	s23 =	simm.s32 $0x2E40  }
0x2b: {  	[tilespmem:s23], [sflag:$0x1] =	stream.indirect.gather [hbm4b:s5+s12], $0x20, s19, s12, $0xb8;
	[tilespmem:$0xD240] =	vst v63  }
0x2c: {  	s2 =	simm.s32 $0x160;
	s16 =	simm.s32 $0x3240  }
0x2d: {  	[tilespmem:s16], [sflag:$0x1] =	stream.indirect.gather [hbm4b:s5+s12], $0x20, s2, s12, $0xb8;
	[tilespmem:$0xD240] =	vst v63  }
0x2e: {  	s19 =	simm.s32 $0x180;
	s23 =	simm.s32 $0x3640  }
0x2f: {  	[tilespmem:s23], [sflag:$0x1] =	stream.indirect.gather [hbm4b:s5+s12], $0x20, s19, s12, $0xb8;
	[tilespmem:$0xD240] =	vst v63  }
0x30: {  	s2 =	simm.s32 $0x1A0;
	s16 =	simm.s32 $0x3A40  }
0x31: {  	[tilespmem:s16], [sflag:$0x1] =	stream.indirect.gather [hbm4b:s5+s12], $0x20, s2, s12, $0xb8;
	[tilespmem:$0xD240] =	vst v63  }
0x32: {  	s19 =	simm.s32 $0x1C0;
	s23 =	simm.s32 $0x3E40  }
0x33: {  	[tilespmem:s23], [sflag:$0x1] =	stream.indirect.gather [hbm4b:s5+s12], $0x20, s19, s12, $0xb8;
	[tilespmem:$0xD240] =	vst v63  }
0x34: {  	s2 =	simm.s32 $0x1E0;
	s16 =	simm.s32 $0x4240  }
0x35: {  	[tilespmem:s16], [sflag:$0x1] =	stream.indirect.gather [hbm4b:s5+s12], $0x20, s2, s12, $0xb8;
	[tilespmem:$0xD240] =	vst v63  }
0x36: {  	s19 =	simm.s32 $0x200;
	s23 =	simm.s32 $0x4640  }
0x37: {  	[tilespmem:s23], [sflag:$0x1] =	stream.indirect.gather [hbm4b:s5+s12], $0x20, s19, s12, $0xb8;
	[tilespmem:$0xD240] =	vst v63  }
0x38: {  	s2 =	simm.s32 $0x220;
	s16 =	simm.s32 $0x4A40  }
0x39: {  	[tilespmem:s16], [sflag:$0x1] =	stream.indirect.gather [hbm4b:s5+s12], $0x20, s2, s12, $0xb8;
	[tilespmem:$0xD240] =	vst v63  }
0x3a: {  	s19 =	simm.s32 $0x240;
	s23 =	simm.s32 $0x4E40  }
0x3b: {  	[tilespmem:s23], [sflag:$0x1] =	stream.indirect.gather [hbm4b:s5+s12], $0x20, s19, s12, $0xb8;
	[tilespmem:$0xD240] =	vst v63  }
0x3c: {  	s2 =	simm.s32 $0x260;
	s16 =	simm.s32 $0x5240  }
0x3d: {  	[tilespmem:s16], [sflag:$0x1] =	stream.indirect.gather [hbm4b:s5+s12], $0x20, s2, s12, $0xb8;
	[tilespmem:$0xD240] =	vst v63  }
0x3e: {  	s19 =	simm.s32 $0x280;
	s23 =	simm.s32 $0x5640  }
0x3f: {  	[tilespmem:s23], [sflag:$0x1] =	stream.indirect.gather [hbm4b:s5+s12], $0x20, s19, s12, $0xb8;
	[tilespmem:$0xD240] =	vst v63  }
0x40: {  	s2 =	simm.s32 $0x2A0;
	s16 =	simm.s32 $0x5A40  }
0x41: {  	[tilespmem:s16], [sflag:$0x1] =	stream.indirect.gather [hbm4b:s5+s12], $0x20, s2, s12, $0xb8;
	[tilespmem:$0xD240] =	vst v63  }
0x42: {  	s19 =	simm.s32 $0x2C0;
	s23 =	simm.s32 $0x5E40  }
0x43: {  	[tilespmem:s23], [sflag:$0x1] =	stream.indirect.gather [hbm4b:s5+s12], $0x20, s19, s12, $0xb8;
	[tilespmem:$0xD240] =	vst v63  }
0x44: {  	s2 =	simm.s32 $0x2E0;
	s16 =	simm.s32 $0x6240  }
0x45: {  	[tilespmem:s16], [sflag:$0x1] =	stream.indirect.gather [hbm4b:s5+s12], $0x20, s2, s12, $0xb8;
	[tilespmem:$0xD240] =	vst v63  }
0x46: {  	s0 =	simm.s32 $0x0;
	s19 =	simm.s32 $0x300;
	s23 =	simm.s32 $0x6640  }
0x47: {  	[tilespmem:s23], [sflag:$0x1] =	stream.indirect.gather [hbm4b:s5+s12], $0x20, s19, s12, $0xb8;
	[tilespmem:$0xD240] =	vst v63  }
.LBB2_2:
0x48: {  	s2 =	smul.u32 $0x19, s0;
	_ =	sdelay $0x1  }
0x49: {  	s2 =	sadd.s32 s7, s2  }
0x4a: {  	s2 =	sshll.u32 s2, $0x2  }
0x4b: {  	s19 =	simm.s32 $0x0;
	s2 =	sadd.s32 s4, s2  }
0x4c: {  	[tilespmem:s15], [sflag:$0x3] =	stream.linear.gather [hbm4b:s2+s19], $0x320, $0x38;
	[tilespmem:$0xD240] =	vst v63  }
0x4d: {  	_ =	swait.ge [sflag:s11], $0x320  }
0x4e: {  	[sflag:s11] =	ssyncset.done $0x0  }
0x4f: {  	s19 =	simm.s32 $0x6A40;
	[sflag:s11] =	ssyncadd.s32 $0xFFFFFCE0  }
0x50: {  	[tilespmem:s19], [sflag:$0x2] =	stream.indirect.gather [hbm4b:s6+s12], $0x20, s15, s12, $0xb8;
	[tilespmem:$0xD240] =	vst v63  }
0x51: {  	s23 =	simm.s32 $0x340;
	s16 =	simm.s32 $0x6E40  }
0x52: {  	[tilespmem:s16], [sflag:$0x2] =	stream.indirect.gather [hbm4b:s6+s12], $0x20, s23, s12, $0xb8;
	[tilespmem:$0xD240] =	vst v63  }
0x53: {  	s19 =	simm.s32 $0x360;
	s23 =	simm.s32 $0x7240  }
0x54: {  	[tilespmem:s23], [sflag:$0x2] =	stream.indirect.gather [hbm4b:s6+s12], $0x20, s19, s12, $0xb8;
	[tilespmem:$0xD240] =	vst v63  }
0x55: {  	s19 =	simm.s32 $0x380;
	s23 =	simm.s32 $0x7640  }
0x56: {  	[tilespmem:s23], [sflag:$0x2] =	stream.indirect.gather [hbm4b:s6+s12], $0x20, s19, s12, $0xb8;
	[tilespmem:$0xD240] =	vst v63  }
0x57: {  	s19 =	simm.s32 $0x3A0;
	s23 =	simm.s32 $0x7A40  }
0x58: {  	[tilespmem:s23], [sflag:$0x2] =	stream.indirect.gather [hbm4b:s6+s12], $0x20, s19, s12, $0xb8;
	[tilespmem:$0xD240] =	vst v63  }
0x59: {  	s19 =	simm.s32 $0x3C0;
	s23 =	simm.s32 $0x7E40  }
0x5a: {  	[tilespmem:s23], [sflag:$0x2] =	stream.indirect.gather [hbm4b:s6+s12], $0x20, s19, s12, $0xb8;
	[tilespmem:$0xD240] =	vst v63  }
0x5b: {  	s19 =	simm.s32 $0x3E0;
	s23 =	simm.s32 $0x8240  }
0x5c: {  	[tilespmem:s23], [sflag:$0x2] =	stream.indirect.gather [hbm4b:s6+s12], $0x20, s19, s12, $0xb8;
	[tilespmem:$0xD240] =	vst v63  }
0x5d: {  	s19 =	simm.s32 $0x400;
	s23 =	simm.s32 $0x8640  }
0x5e: {  	[tilespmem:s23], [sflag:$0x2] =	stream.indirect.gather [hbm4b:s6+s12], $0x20, s19, s12, $0xb8;
	[tilespmem:$0xD240] =	vst v63  }
0x5f: {  	s19 =	simm.s32 $0x420;
	s23 =	simm.s32 $0x8A40  }
0x60: {  	[tilespmem:s23], [sflag:$0x2] =	stream.indirect.gather [hbm4b:s6+s12], $0x20, s19, s12, $0xb8;
	[tilespmem:$0xD240] =	vst v63  }
0x61: {  	s19 =	simm.s32 $0x440;
	s23 =	simm.s32 $0x8E40  }
0x62: {  	[tilespmem:s23], [sflag:$0x2] =	stream.indirect.gather [hbm4b:s6+s12], $0x20, s19, s12, $0xb8;
	[tilespmem:$0xD240] =	vst v63  }
0x63: {  	s19 =	simm.s32 $0x460;
	s23 =	simm.s32 $0x9240  }
0x64: {  	[tilespmem:s23], [sflag:$0x2] =	stream.indirect.gather [hbm4b:s6+s12], $0x20, s19, s12, $0xb8;
	[tilespmem:$0xD240] =	vst v63  }
0x65: {  	s19 =	simm.s32 $0x480;
	s23 =	simm.s32 $0x9640  }
0x66: {  	[tilespmem:s23], [sflag:$0x2] =	stream.indirect.gather [hbm4b:s6+s12], $0x20, s19, s12, $0xb8;
	[tilespmem:$0xD240] =	vst v63  }
0x67: {  	s19 =	simm.s32 $0x4A0;
	s23 =	simm.s32 $0x9A40  }
0x68: {  	[tilespmem:s23], [sflag:$0x2] =	stream.indirect.gather [hbm4b:s6+s12], $0x20, s19, s12, $0xb8;
	[tilespmem:$0xD240] =	vst v63  }
0x69: {  	s19 =	simm.s32 $0x4C0;
	s23 =	simm.s32 $0x9E40  }
0x6a: {  	[tilespmem:s23], [sflag:$0x2] =	stream.indirect.gather [hbm4b:s6+s12], $0x20, s19, s12, $0xb8;
	[tilespmem:$0xD240] =	vst v63  }
0x6b: {  	s19 =	simm.s32 $0x4E0;
	s23 =	simm.s32 $0xA240  }
0x6c: {  	[tilespmem:s23], [sflag:$0x2] =	stream.indirect.gather [hbm4b:s6+s12], $0x20, s19, s12, $0xb8;
	[tilespmem:$0xD240] =	vst v63  }
0x6d: {  	s19 =	simm.s32 $0x500;
	s23 =	simm.s32 $0xA640  }
0x6e: {  	[tilespmem:s23], [sflag:$0x2] =	stream.indirect.gather [hbm4b:s6+s12], $0x20, s19, s12, $0xb8;
	[tilespmem:$0xD240] =	vst v63  }
0x6f: {  	s19 =	simm.s32 $0x520;
	s23 =	simm.s32 $0xAA40  }
0x70: {  	[tilespmem:s23], [sflag:$0x2] =	stream.indirect.gather [hbm4b:s6+s12], $0x20, s19, s12, $0xb8;
	[tilespmem:$0xD240] =	vst v63  }
0x71: {  	s19 =	simm.s32 $0x540;
	s23 =	simm.s32 $0xAE40  }
0x72: {  	[tilespmem:s23], [sflag:$0x2] =	stream.indirect.gather [hbm4b:s6+s12], $0x20, s19, s12, $0xb8;
	[tilespmem:$0xD240] =	vst v63  }
0x73: {  	s19 =	simm.s32 $0x560  }
0x74: {  	[tilespmem:s24], [sflag:$0x2] =	stream.indirect.gather [hbm4b:s6+s12], $0x20, s19, s12, $0xb8;
	[tilespmem:$0xD240] =	vst v63  }
0x75: {  	_ = 	snop  }
0x76: {  	[tilespmem:s20], [sflag:$0x2] =	stream.indirect.gather [hbm4b:s6+s12], $0x20, s10, s12, $0xb8;
	[tilespmem:$0xD240] =	vst v63  }
0x77: {  	_ = 	snop  }
0x78: {  	[tilespmem:s25], [sflag:$0x2] =	stream.indirect.gather [hbm4b:s6+s12], $0x20, s13, s12, $0xb8;
	[tilespmem:$0xD240] =	vst v63  }
0x79: {  	_ = 	snop  }
0x7a: {  	[tilespmem:s26], [sflag:$0x2] =	stream.indirect.gather [hbm4b:s6+s12], $0x20, s14, s12, $0xb8;
	[tilespmem:$0xD240] =	vst v63  }
0x7b: {  	_ = 	snop  }
0x7c: {  	[tilespmem:s18], [sflag:$0x2] =	stream.indirect.gather [hbm4b:s6+s12], $0x20, s1, s12, $0xb8;
	[tilespmem:$0xD240] =	vst v63  }
0x7d: {  	_ = 	snop  }
0x7e: {  	[tilespmem:s21], [sflag:$0x2] =	stream.indirect.gather [hbm4b:s6+s12], $0x20, s28, s12, $0xb8;
	[tilespmem:$0xD240] =	vst v63  }
0x7f: {  	_ = 	snop  }
0x80: {  	[tilespmem:s17], [sflag:$0x2] =	stream.indirect.gather [hbm4b:s6+s12], $0x20, s29, s12, $0xb8;
	[tilespmem:$0xD240] =	vst v63  }
0x81: {  	_ =	swait.ge [sflag:s30], $0x6400  }
0x82: {  	[sflag:s30] =	ssyncset.done $0x0  }
0x83: {  	s23 =	simm.s32 $0x0;
	[sflag:s30] =	ssyncadd.s32 $0xFFFF9C00  }
0x84: {  	v0 =	vld [tilespmem:s23+$0x3210]  }
0x85: {  	v2 =	vld [tilespmem:s23+$0x640]  }
0x86: {  	v3 =	vld [tilespmem:s23+$0x650]  }
0x87: {  	v4 =	vld [tilespmem:s23+$0xC80]  }
0x88: {  	v5 =	vld [tilespmem:s23+$0xC90]  }
0x89: {  	v6 =	vld [tilespmem:s23+$0x12C0]  }
0x8a: {  	v7 =	vld [tilespmem:s23+$0x12D0]  }
0x8b: {  	v8 =	vld [tilespmem:s23+$0x1900]  }
0x8c: {  	v16 =	vld [tilespmem:s23+$0x1910]  }
0x8d: {  	v1 =	vimm.f32 $0.0e+00;
	v20 =	vld [tilespmem:s23+$0x1F40]  }
0x8e: {  	v21 =	vld [tilespmem:s23+$0x1F50];
	v0 =	vadd.f32 v0, v1  }
0x8f: {  	v15 =	vadd.f32 v2, v1;
	v14 =	vadd.f32 v3, v1  }
0x90: {  	v17 =	vld [tilespmem:s23+$0x2580];
	v13 =	vadd.f32 v4, v1;
	v11 =	vadd.f32 v5, v1  }
0x91: {  	v18 =	vld [tilespmem:s23+$0x2590];
	v12 =	vadd.f32 v6, v1;
	v9 =	vadd.f32 v7, v1  }
0x92: {  	v19 =	vld [tilespmem:s23+$0x2BC0];
	v10 =	vadd.f32 v8, v1;
	v7 =	vadd.f32 v16, v1  }
0x93: {  	v5 =	vadd.f32 v20, v1;
	v16 =	vld [tilespmem:s23+$0x2BD0];
	v3 =	vadd.f32 v21, v1;
	v6 =	vimm.f32 $0.0e+00  }
0x94: {  	s2 =	simm.s32 $0x100;
	s19 =	simm.s32 $0x20;
	v20 =	vld [tilespmem:s23+$0x3200];
	v8 =	vimm.f32 $0.0e+00;
	v4 =	vimm.f32 $0.0e+00;
	v2 =	vimm.f32 $0.0e+00  }
.LBB2_3:
0x95: {  	p0 =	sne.s32 s2, $0x1880;
	v21 =	vld [tilespmem:s19+$0x3210];
	v1 =	vadd.f32 v17, v1  }
0x96: {  	v17 =	vld [tilespmem:s19+$0x640];
	v6 =	vadd.f32 v18, v6  }
0x97: {  	v18 =	vld [tilespmem:s19+$0x650];
	v8 =	vadd.f32 v19, v8  }
0x98: {  	v19 =	vld [tilespmem:s19+$0xC80];
	v4 =	vadd.f32 v16, v4  }
0x99: {  	v16 =	vld [tilespmem:s19+$0xC90];
	v2 =	vadd.f32 v20, v2  }
0x9a: {  	v20 =	vld [tilespmem:s19+$0x12C0];
	v0 =	vadd.f32 v21, v0  }
0x9b: {  	v15 =	vadd.f32 v17, v15;
	v17 =	vld [tilespmem:s19+$0x12D0]  }
0x9c: {  	v14 =	vadd.f32 v18, v14;
	v18 =	vld [tilespmem:s19+$0x1900]  }
0x9d: {  	v13 =	vadd.f32 v19, v13;
	v19 =	vld [tilespmem:s19+$0x1910]  }
0x9e: {  	v11 =	vadd.f32 v16, v11;
	v16 =	vld [tilespmem:s19+$0x1F40]  }
0x9f: {  	v12 =	vadd.f32 v20, v12;
	v20 =	vld [tilespmem:s19+$0x1F50]  }
.Ltmp0:
0xa0: {  	v9 =	vadd.f32 v17, v9;
	v17 =	vld [tilespmem:s19+$0x2580];
	(pc) =	sbr.rel @p0 .LBB2_3-.Ltmp0, $4  }
0xa1: {  	v10 =	vadd.f32 v18, v10;
	v18 =	vld [tilespmem:s19+$0x2590]  }
0xa2: {  	v7 =	vadd.f32 v19, v7;
	v19 =	vld [tilespmem:s19+$0x2BC0]  }
0xa3: {  	v5 =	vadd.f32 v16, v5;
	v16 =	vld [tilespmem:s19+$0x2BD0]  }
0xa4: {  	v3 =	vadd.f32 v20, v3;
	v20 =	vld [tilespmem:s19+$0x3200];
	s19 =	sshra.s32 s2, $0x2;
	s2 =	sadd.s32 $0x80, s2  }
0xa5: {  	v21 =	vld [tilespmem:s19+$0x3210]  }
0xa6: {  	v22 =	vld [tilespmem:s19+$0x640]  }
0xa7: {  	v23 =	vld [tilespmem:s19+$0x650]  }
0xa8: {  	v24 =	vld [tilespmem:s19+$0xC80]  }
0xa9: {  	v25 =	vld [tilespmem:s19+$0xC90]  }
0xaa: {  	v26 =	vld [tilespmem:s19+$0x12C0]  }
0xab: {  	v27 =	vld [tilespmem:s19+$0x12D0]  }
0xac: {  	v28 =	vld [tilespmem:s19+$0x1900]  }
0xad: {  	v29 =	vld [tilespmem:s19+$0x1910]  }
0xae: {  	v30 =	vld [tilespmem:s19+$0x1F40]  }
0xaf: {  	v31 =	vld [tilespmem:s19+$0x1F50]  }
0xb0: {  	v32 =	vld [tilespmem:s19+$0x2580]  }
0xb1: {  	v33 =	vld [tilespmem:s19+$0x2590]  }
0xb2: {  	v34 =	vld [tilespmem:s19+$0x2BC0];
	v15 =	vadd.f32 v22, v15  }
0xb3: {  	v22 =	vld [tilespmem:s19+$0x2BD0];
	v14 =	vadd.f32 v23, v14  }
0xb4: {  	v23 =	vld [tilespmem:s19+$0x3200];
	v13 =	vadd.f32 v24, v13;
	[tilespmem:$0xCE40] =	vst v15  }
0xb5: {  	v11 =	vadd.f32 v25, v11;
	[tilespmem:$0xCE50] =	vst v14  }
0xb6: {  	v12 =	vadd.f32 v26, v12;
	[tilespmem:$0xCE80] =	vst v13  }
0xb7: {  	v9 =	vadd.f32 v27, v9;
	[tilespmem:$0xCE90] =	vst v11  }
0xb8: {  	v10 =	vadd.f32 v28, v10;
	[tilespmem:$0xCEC0] =	vst v12  }
0xb9: {  	v7 =	vadd.f32 v29, v7;
	[tilespmem:$0xCED0] =	vst v9  }
0xba: {  	v1 =	vadd.f32 v17, v1;
	v5 =	vadd.f32 v30, v5;
	[tilespmem:$0xCF00] =	vst v10  }
0xbb: {  	v3 =	vadd.f32 v31, v3;
	[tilespmem:$0xCF10] =	vst v7  }
0xbc: {  	v6 =	vadd.f32 v18, v6;
	v1 =	vadd.f32 v32, v1;
	[tilespmem:$0xCF40] =	vst v5  }
0xbd: {  	v0 =	vadd.f32 v21, v0;
	v7 =	vadd.f32 v19, v8;
	[tilespmem:$0xCF50] =	vst v3  }
0xbe: {  	v4 =	vadd.f32 v16, v4;
	v5 =	vadd.f32 v33, v6;
	[tilespmem:$0xCF80] =	vst v1  }
0xbf: {  	v2 =	vadd.f32 v20, v2;
	[tilespmem:$0xD010] =	vst v0;
	v3 =	vadd.f32 v34, v7  }
0xc0: {  	[tilespmem:$0xCF90] =	vst v5;
	v1 =	vadd.f32 v22, v4  }
0xc1: {  	v2 =	vadd.f32 v23, v2;
	[tilespmem:$0xCFC0] =	vst v3  }
0xc2: {  	[tilespmem:$0xCFD0] =	vst v1  }
0xc3: {  	s2 =	simm.s32 $0x0;
	[tilespmem:$0xD000] =	vst v2  }
0xc4: {  	v0 =	vld [tilespmem:s2+$0x6410]  }
0xc5: {  	v2 =	vld [tilespmem:s2+$0x3840]  }
0xc6: {  	v3 =	vld [tilespmem:s2+$0x3850]  }
0xc7: {  	v4 =	vld [tilespmem:s2+$0x3E80]  }
0xc8: {  	v5 =	vld [tilespmem:s2+$0x3E90]  }
0xc9: {  	v6 =	vld [tilespmem:s2+$0x44C0]  }
0xca: {  	v7 =	vld [tilespmem:s2+$0x44D0]  }
0xcb: {  	v8 =	vld [tilespmem:s2+$0x4B00]  }
0xcc: {  	v16 =	vld [tilespmem:s2+$0x4B10]  }
0xcd: {  	v1 =	vimm.f32 $0.0e+00;
	v17 =	vld [tilespmem:s2+$0x5140]  }
0xce: {  	v21 =	vld [tilespmem:s2+$0x5150];
	v0 =	vadd.f32 v0, v1  }
0xcf: {  	v15 =	vadd.f32 v2, v1;
	v14 =	vadd.f32 v3, v1  }
0xd0: {  	v19 =	vld [tilespmem:s2+$0x5780];
	v13 =	vadd.f32 v4, v1;
	v11 =	vadd.f32 v5, v1  }
0xd1: {  	v20 =	vld [tilespmem:s2+$0x5790];
	v12 =	vadd.f32 v6, v1;
	v9 =	vadd.f32 v7, v1  }
0xd2: {  	v18 =	vld [tilespmem:s2+$0x5DC0];
	v10 =	vadd.f32 v8, v1;
	v8 =	vadd.f32 v16, v1  }
0xd3: {  	v5 =	vadd.f32 v17, v1;
	v16 =	vld [tilespmem:s2+$0x5DD0];
	v4 =	vadd.f32 v21, v1;
	v6 =	vimm.f32 $0.0e+00  }
0xd4: {  	s23 =	simm.s32 $0x100;
	s19 =	simm.s32 $0x20;
	v17 =	vld [tilespmem:s2+$0x6400];
	v7 =	vimm.f32 $0.0e+00;
	v3 =	vimm.f32 $0.0e+00;
	v2 =	vimm.f32 $0.0e+00  }
.LBB2_5:
0xd5: {  	p0 =	sne.s32 s23, $0x1880;
	v21 =	vld [tilespmem:s19+$0x6410];
	v1 =	vadd.f32 v19, v1  }
0xd6: {  	v19 =	vld [tilespmem:s19+$0x3840];
	v6 =	vadd.f32 v20, v6  }
0xd7: {  	v20 =	vld [tilespmem:s19+$0x3850];
	v7 =	vadd.f32 v18, v7  }
0xd8: {  	v18 =	vld [tilespmem:s19+$0x3E80];
	v3 =	vadd.f32 v16, v3  }
0xd9: {  	v16 =	vld [tilespmem:s19+$0x3E90];
	v2 =	vadd.f32 v17, v2  }
0xda: {  	v17 =	vld [tilespmem:s19+$0x44C0];
	v0 =	vadd.f32 v21, v0  }
0xdb: {  	v15 =	vadd.f32 v19, v15;
	v19 =	vld [tilespmem:s19+$0x44D0]  }
0xdc: {  	v14 =	vadd.f32 v20, v14;
	v20 =	vld [tilespmem:s19+$0x4B00]  }
0xdd: {  	v13 =	vadd.f32 v18, v13;
	v18 =	vld [tilespmem:s19+$0x4B10]  }
0xde: {  	v11 =	vadd.f32 v16, v11;
	v16 =	vld [tilespmem:s19+$0x5140]  }
0xdf: {  	v12 =	vadd.f32 v17, v12;
	v17 =	vld [tilespmem:s19+$0x5150]  }
.Ltmp1:
0xe0: {  	v9 =	vadd.f32 v19, v9;
	v19 =	vld [tilespmem:s19+$0x5780];
	(pc) =	sbr.rel @p0 .LBB2_5-.Ltmp1, $4  }
0xe1: {  	v10 =	vadd.f32 v20, v10;
	v20 =	vld [tilespmem:s19+$0x5790]  }
0xe2: {  	v8 =	vadd.f32 v18, v8;
	v18 =	vld [tilespmem:s19+$0x5DC0]  }
0xe3: {  	v5 =	vadd.f32 v16, v5;
	v16 =	vld [tilespmem:s19+$0x5DD0]  }
0xe4: {  	v4 =	vadd.f32 v17, v4;
	v17 =	vld [tilespmem:s19+$0x6400];
	s19 =	sshra.s32 s23, $0x2;
	s23 =	sadd.s32 $0x80, s23  }
0xe5: {  	v21 =	vld [tilespmem:s19+$0x6410]  }
0xe6: {  	v22 =	vld [tilespmem:s19+$0x3840]  }
0xe7: {  	v23 =	vld [tilespmem:s19+$0x3850]  }
0xe8: {  	v24 =	vld [tilespmem:s19+$0x3E80]  }
0xe9: {  	v25 =	vld [tilespmem:s19+$0x3E90]  }
0xea: {  	v26 =	vld [tilespmem:s19+$0x44C0]  }
0xeb: {  	v27 =	vld [tilespmem:s19+$0x44D0]  }
0xec: {  	v28 =	vld [tilespmem:s19+$0x4B00]  }
0xed: {  	v29 =	vld [tilespmem:s19+$0x4B10]  }
0xee: {  	v30 =	vld [tilespmem:s19+$0x5140]  }
0xef: {  	v31 =	vld [tilespmem:s19+$0x5150]  }
0xf0: {  	v32 =	vld [tilespmem:s19+$0x5780]  }
0xf1: {  	v33 =	vld [tilespmem:s19+$0x5790]  }
0xf2: {  	v34 =	vld [tilespmem:s19+$0x5DC0];
	v15 =	vadd.f32 v22, v15  }
0xf3: {  	v22 =	vld [tilespmem:s19+$0x5DD0];
	v14 =	vadd.f32 v23, v14  }
0xf4: {  	v23 =	vld [tilespmem:s19+$0x6400];
	v13 =	vadd.f32 v24, v13;
	[tilespmem:$0xD040] =	vst v15  }
0xf5: {  	v11 =	vadd.f32 v25, v11;
	[tilespmem:$0xD050] =	vst v14  }
0xf6: {  	v12 =	vadd.f32 v26, v12;
	[tilespmem:$0xD080] =	vst v13  }
0xf7: {  	v9 =	vadd.f32 v27, v9;
	[tilespmem:$0xD090] =	vst v11  }
0xf8: {  	v10 =	vadd.f32 v28, v10;
	[tilespmem:$0xD0C0] =	vst v12  }
0xf9: {  	v8 =	vadd.f32 v29, v8;
	[tilespmem:$0xD0D0] =	vst v9  }
0xfa: {  	v1 =	vadd.f32 v19, v1;
	v5 =	vadd.f32 v30, v5;
	[tilespmem:$0xD100] =	vst v10  }
0xfb: {  	v4 =	vadd.f32 v31, v4;
	s19 =	sadd.s32 $0x1, s0;
	[tilespmem:$0xD110] =	vst v8  }
0xfc: {  	v6 =	vadd.f32 v20, v6;
	v1 =	vadd.f32 v32, v1;
	p0 =	slt.s32 s19, $0x1F;
	s2 =	smov.u32 s19;
	[tilespmem:$0xD140] =	vst v5  }
0xfd: {  	v7 =	vadd.f32 v18, v7;
	v0 =	vadd.f32 v21, v0;
	[tilespmem:$0xD150] =	vst v4;
	s2 =	simm.s32 @!p0 $0x1F  }
0xfe: {  	v3 =	vadd.f32 v16, v3;
	v5 =	vadd.f32 v33, v6;
	[tilespmem:$0xD180] =	vst v1;
	s2 =	smul.u32 $0x19, s2  }
0xff: {  	v2 =	vadd.f32 v17, v2;
	v4 =	vadd.f32 v34, v7;
	[tilespmem:$0xD210] =	vst v0  }
0x100: {  	[tilespmem:$0xD190] =	vst v5;
	v1 =	vadd.f32 v22, v3;
	s2 =	sadd.s32 s7, s2  }
0x101: {  	[tilespmem:$0xD1C0] =	vst v4;
	v2 =	vadd.f32 v23, v2;
	s2 =	sshll.u32 s2, $0x2  }
0x102: {  	[tilespmem:$0xD1D0] =	vst v1;
	s2 =	sand.u32 $0x1FFFFFFC, s2  }
0x103: {  	s23 =	simm.s32 $0x0;
	[tilespmem:$0xD200] =	vst v2;
	s2 =	sadd.s32 s3, s2  }
0x104: {  	[tilespmem:s23], [sflag:$0x3] =	stream.linear.gather [hbm4b:s2+s23], $0x320, $0x38;
	[tilespmem:$0xD240] =	vst v63  }
0x105: {  	_ =	swait.ge [sflag:s11], $0x320  }
0x106: {  	[sflag:s11] =	ssyncset.done $0x0  }
0x107: {  	s16 =	simm.s32 $0x640;
	[sflag:s11] =	ssyncadd.s32 $0xFFFFFCE0  }
0x108: {  	[tilespmem:s16], [sflag:$0x1] =	stream.indirect.gather [hbm4b:s5+s12], $0x20, s23, s12, $0xb8;
	[tilespmem:$0xD240] =	vst v63  }
0x109: {  	s16 =	simm.s32 $0xA40  }
0x10a: {  	[tilespmem:s16], [sflag:$0x1] =	stream.indirect.gather [hbm4b:s5+s12], $0x20, s12, s12, $0xb8;
	[tilespmem:$0xD240] =	vst v63  }
0x10b: {  	s23 =	simm.s32 $0x40;
	s16 =	simm.s32 $0xE40  }
0x10c: {  	[tilespmem:s16], [sflag:$0x1] =	stream.indirect.gather [hbm4b:s5+s12], $0x20, s23, s12, $0xb8;
	[tilespmem:$0xD240] =	vst v63  }
0x10d: {  	s16 =	simm.s32 $0x60;
	s23 =	simm.s32 $0x1240  }
0x10e: {  	[tilespmem:s23], [sflag:$0x1] =	stream.indirect.gather [hbm4b:s5+s12], $0x20, s16, s12, $0xb8;
	[tilespmem:$0xD240] =	vst v63  }
0x10f: {  	s16 =	simm.s32 $0x80;
	s23 =	simm.s32 $0x1640  }
0x110: {  	[tilespmem:s23], [sflag:$0x1] =	stream.indirect.gather [hbm4b:s5+s12], $0x20, s16, s12, $0xb8;
	[tilespmem:$0xD240] =	vst v63  }
0x111: {  	s16 =	simm.s32 $0xA0;
	s23 =	simm.s32 $0x1A40  }
0x112: {  	[tilespmem:s23], [sflag:$0x1] =	stream.indirect.gather [hbm4b:s5+s12], $0x20, s16, s12, $0xb8;
	[tilespmem:$0xD240] =	vst v63  }
0x113: {  	s16 =	simm.s32 $0xC0;
	s23 =	simm.s32 $0x1E40  }
0x114: {  	[tilespmem:s23], [sflag:$0x1] =	stream.indirect.gather [hbm4b:s5+s12], $0x20, s16, s12, $0xb8;
	[tilespmem:$0xD240] =	vst v63  }
0x115: {  	s16 =	simm.s32 $0xE0;
	s23 =	simm.s32 $0x2240  }
0x116: {  	[tilespmem:s23], [sflag:$0x1] =	stream.indirect.gather [hbm4b:s5+s12], $0x20, s16, s12, $0xb8;
	[tilespmem:$0xD240] =	vst v63  }
0x117: {  	s16 =	simm.s32 $0x100;
	s23 =	simm.s32 $0x2640  }
0x118: {  	[tilespmem:s23], [sflag:$0x1] =	stream.indirect.gather [hbm4b:s5+s12], $0x20, s16, s12, $0xb8;
	[tilespmem:$0xD240] =	vst v63  }
0x119: {  	s16 =	simm.s32 $0x120;
	s23 =	simm.s32 $0x2A40  }
0x11a: {  	[tilespmem:s23], [sflag:$0x1] =	stream.indirect.gather [hbm4b:s5+s12], $0x20, s16, s12, $0xb8;
	[tilespmem:$0xD240] =	vst v63  }
0x11b: {  	s16 =	simm.s32 $0x140;
	s23 =	simm.s32 $0x2E40  }
0x11c: {  	[tilespmem:s23], [sflag:$0x1] =	stream.indirect.gather [hbm4b:s5+s12], $0x20, s16, s12, $0xb8;
	[tilespmem:$0xD240] =	vst v63  }
0x11d: {  	s16 =	simm.s32 $0x160;
	s23 =	simm.s32 $0x3240  }
0x11e: {  	[tilespmem:s23], [sflag:$0x1] =	stream.indirect.gather [hbm4b:s5+s12], $0x20, s16, s12, $0xb8;
	[tilespmem:$0xD240] =	vst v63  }
0x11f: {  	s16 =	simm.s32 $0x180;
	s23 =	simm.s32 $0x3640  }
0x120: {  	[tilespmem:s23], [sflag:$0x1] =	stream.indirect.gather [hbm4b:s5+s12], $0x20, s16, s12, $0xb8;
	[tilespmem:$0xD240] =	vst v63  }
0x121: {  	s16 =	simm.s32 $0x1A0;
	s23 =	simm.s32 $0x3A40  }
0x122: {  	[tilespmem:s23], [sflag:$0x1] =	stream.indirect.gather [hbm4b:s5+s12], $0x20, s16, s12, $0xb8;
	[tilespmem:$0xD240] =	vst v63  }
0x123: {  	s16 =	simm.s32 $0x1C0;
	s23 =	simm.s32 $0x3E40  }
0x124: {  	[tilespmem:s23], [sflag:$0x1] =	stream.indirect.gather [hbm4b:s5+s12], $0x20, s16, s12, $0xb8;
	[tilespmem:$0xD240] =	vst v63  }
0x125: {  	s16 =	simm.s32 $0x1E0;
	s23 =	simm.s32 $0x4240  }
0x126: {  	[tilespmem:s23], [sflag:$0x1] =	stream.indirect.gather [hbm4b:s5+s12], $0x20, s16, s12, $0xb8;
	[tilespmem:$0xD240] =	vst v63  }
0x127: {  	s16 =	simm.s32 $0x200;
	s23 =	simm.s32 $0x4640  }
0x128: {  	[tilespmem:s23], [sflag:$0x1] =	stream.indirect.gather [hbm4b:s5+s12], $0x20, s16, s12, $0xb8;
	[tilespmem:$0xD240] =	vst v63  }
0x129: {  	s16 =	simm.s32 $0x220;
	s23 =	simm.s32 $0x4A40  }
0x12a: {  	[tilespmem:s23], [sflag:$0x1] =	stream.indirect.gather [hbm4b:s5+s12], $0x20, s16, s12, $0xb8;
	[tilespmem:$0xD240] =	vst v63  }
0x12b: {  	s16 =	simm.s32 $0x240;
	s23 =	simm.s32 $0x4E40  }
0x12c: {  	[tilespmem:s23], [sflag:$0x1] =	stream.indirect.gather [hbm4b:s5+s12], $0x20, s16, s12, $0xb8;
	[tilespmem:$0xD240] =	vst v63  }
0x12d: {  	s16 =	simm.s32 $0x260;
	s23 =	simm.s32 $0x5240  }
0x12e: {  	[tilespmem:s23], [sflag:$0x1] =	stream.indirect.gather [hbm4b:s5+s12], $0x20, s16, s12, $0xb8;
	[tilespmem:$0xD240] =	vst v63  }
0x12f: {  	s16 =	simm.s32 $0x280;
	s23 =	simm.s32 $0x5640  }
0x130: {  	[tilespmem:s23], [sflag:$0x1] =	stream.indirect.gather [hbm4b:s5+s12], $0x20, s16, s12, $0xb8;
	[tilespmem:$0xD240] =	vst v63  }
0x131: {  	s16 =	simm.s32 $0x2A0;
	s23 =	simm.s32 $0x5A40  }
0x132: {  	[tilespmem:s23], [sflag:$0x1] =	stream.indirect.gather [hbm4b:s5+s12], $0x20, s16, s12, $0xb8;
	[tilespmem:$0xD240] =	vst v63  }
0x133: {  	s16 =	simm.s32 $0x2C0;
	s23 =	simm.s32 $0x5E40  }
0x134: {  	[tilespmem:s23], [sflag:$0x1] =	stream.indirect.gather [hbm4b:s5+s12], $0x20, s16, s12, $0xb8;
	[tilespmem:$0xD240] =	vst v63  }
0x135: {  	s16 =	simm.s32 $0x2E0;
	s23 =	simm.s32 $0x6240  }
0x136: {  	[tilespmem:s23], [sflag:$0x1] =	stream.indirect.gather [hbm4b:s5+s12], $0x20, s16, s12, $0xb8;
	[tilespmem:$0xD240] =	vst v63  }
0x137: {  	s16 =	simm.s32 $0x300;
	s23 =	simm.s32 $0x6640  }
0x138: {  	[tilespmem:s23], [sflag:$0x1] =	stream.indirect.gather [hbm4b:s5+s12], $0x20, s16, s12, $0xb8;
	[tilespmem:$0xD240] =	vst v63  }
0x139: {  	_ =	swait.ge [sflag:s22], $0x6400  }
0x13a: {  	[sflag:s22] =	ssyncset.done $0x0  }
0x13b: {  	s16 =	simm.s32 $0x0;
	[sflag:s22] =	ssyncadd.s32 $0xFFFF9C00  }
0x13c: {  	v0 =	vld [tilespmem:s16+$0x9610]  }
0x13d: {  	v2 =	vld [tilespmem:s16+$0x6A40]  }
0x13e: {  	v3 =	vld [tilespmem:s16+$0x6A50]  }
0x13f: {  	v4 =	vld [tilespmem:s16+$0x7080]  }
0x140: {  	v5 =	vld [tilespmem:s16+$0x7090]  }
0x141: {  	v6 =	vld [tilespmem:s16+$0x76C0]  }
0x142: {  	v7 =	vld [tilespmem:s16+$0x76D0]  }
0x143: {  	v8 =	vld [tilespmem:s16+$0x7D00]  }
0x144: {  	v16 =	vld [tilespmem:s16+$0x7D10]  }
0x145: {  	v1 =	vimm.f32 $0.0e+00;
	v20 =	vld [tilespmem:s16+$0x8340]  }
0x146: {  	v21 =	vld [tilespmem:s16+$0x8350];
	v0 =	vadd.f32 v0, v1  }
0x147: {  	v15 =	vadd.f32 v2, v1;
	v14 =	vadd.f32 v3, v1  }
0x148: {  	v17 =	vld [tilespmem:s16+$0x8980];
	v13 =	vadd.f32 v4, v1;
	v11 =	vadd.f32 v5, v1  }
0x149: {  	v18 =	vld [tilespmem:s16+$0x8990];
	v12 =	vadd.f32 v6, v1;
	v9 =	vadd.f32 v7, v1  }
0x14a: {  	v19 =	vld [tilespmem:s16+$0x8FC0];
	v10 =	vadd.f32 v8, v1;
	v7 =	vadd.f32 v16, v1  }
0x14b: {  	v5 =	vadd.f32 v20, v1;
	v16 =	vld [tilespmem:s16+$0x8FD0];
	v3 =	vadd.f32 v21, v1;
	v6 =	vimm.f32 $0.0e+00  }
0x14c: {  	s2 =	simm.s32 $0x100;
	s23 =	simm.s32 $0x20;
	v20 =	vld [tilespmem:s16+$0x9600];
	v8 =	vimm.f32 $0.0e+00;
	v4 =	vimm.f32 $0.0e+00;
	v2 =	vimm.f32 $0.0e+00  }
.LBB2_7:
0x14d: {  	p0 =	sne.s32 s2, $0x1880;
	v21 =	vld [tilespmem:s23+$0x9610];
	v1 =	vadd.f32 v17, v1  }
0x14e: {  	v17 =	vld [tilespmem:s23+$0x6A40];
	v6 =	vadd.f32 v18, v6  }
0x14f: {  	v18 =	vld [tilespmem:s23+$0x6A50];
	v8 =	vadd.f32 v19, v8  }
0x150: {  	v19 =	vld [tilespmem:s23+$0x7080];
	v4 =	vadd.f32 v16, v4  }
0x151: {  	v16 =	vld [tilespmem:s23+$0x7090];
	v2 =	vadd.f32 v20, v2  }
0x152: {  	v20 =	vld [tilespmem:s23+$0x76C0];
	v0 =	vadd.f32 v21, v0  }
0x153: {  	v15 =	vadd.f32 v17, v15;
	v17 =	vld [tilespmem:s23+$0x76D0]  }
0x154: {  	v14 =	vadd.f32 v18, v14;
	v18 =	vld [tilespmem:s23+$0x7D00]  }
0x155: {  	v13 =	vadd.f32 v19, v13;
	v19 =	vld [tilespmem:s23+$0x7D10]  }
0x156: {  	v11 =	vadd.f32 v16, v11;
	v16 =	vld [tilespmem:s23+$0x8340]  }
0x157: {  	v12 =	vadd.f32 v20, v12;
	v20 =	vld [tilespmem:s23+$0x8350]  }
.Ltmp2:
0x158: {  	v9 =	vadd.f32 v17, v9;
	v17 =	vld [tilespmem:s23+$0x8980];
	(pc) =	sbr.rel @p0 .LBB2_7-.Ltmp2, $4  }
0x159: {  	v10 =	vadd.f32 v18, v10;
	v18 =	vld [tilespmem:s23+$0x8990]  }
0x15a: {  	v7 =	vadd.f32 v19, v7;
	v19 =	vld [tilespmem:s23+$0x8FC0]  }
0x15b: {  	v5 =	vadd.f32 v16, v5;
	v16 =	vld [tilespmem:s23+$0x8FD0]  }
0x15c: {  	v3 =	vadd.f32 v20, v3;
	v20 =	vld [tilespmem:s23+$0x9600];
	s23 =	sshra.s32 s2, $0x2;
	s2 =	sadd.s32 $0x80, s2  }
0x15d: {  	v21 =	vld [tilespmem:s23+$0x9610]  }
0x15e: {  	v22 =	vld [tilespmem:s23+$0x6A40]  }
0x15f: {  	v23 =	vld [tilespmem:s23+$0x6A50]  }
0x160: {  	v24 =	vld [tilespmem:s23+$0x7080]  }
0x161: {  	v25 =	vld [tilespmem:s23+$0x7090]  }
0x162: {  	v26 =	vld [tilespmem:s23+$0x76C0]  }
0x163: {  	v27 =	vld [tilespmem:s23+$0x76D0]  }
0x164: {  	v28 =	vld [tilespmem:s23+$0x7D00]  }
0x165: {  	v29 =	vld [tilespmem:s23+$0x7D10]  }
0x166: {  	v30 =	vld [tilespmem:s23+$0x8340]  }
0x167: {  	v31 =	vld [tilespmem:s23+$0x8350]  }
0x168: {  	v32 =	vld [tilespmem:s23+$0x8980]  }
0x169: {  	v33 =	vld [tilespmem:s23+$0x8990]  }
0x16a: {  	v34 =	vld [tilespmem:s23+$0x8FC0];
	v15 =	vadd.f32 v22, v15  }
0x16b: {  	v22 =	vld [tilespmem:s23+$0x8FD0];
	v14 =	vadd.f32 v23, v14  }
0x16c: {  	v23 =	vld [tilespmem:s23+$0x9600];
	v13 =	vadd.f32 v24, v13;
	[tilespmem:$0xCE60] =	vst v15  }
0x16d: {  	v11 =	vadd.f32 v25, v11;
	[tilespmem:$0xCE70] =	vst v14  }
0x16e: {  	v12 =	vadd.f32 v26, v12;
	[tilespmem:$0xCEA0] =	vst v13  }
0x16f: {  	v9 =	vadd.f32 v27, v9;
	[tilespmem:$0xCEB0] =	vst v11  }
0x170: {  	v10 =	vadd.f32 v28, v10;
	[tilespmem:$0xCEE0] =	vst v12  }
0x171: {  	v7 =	vadd.f32 v29, v7;
	[tilespmem:$0xCEF0] =	vst v9  }
0x172: {  	v1 =	vadd.f32 v17, v1;
	v5 =	vadd.f32 v30, v5;
	[tilespmem:$0xCF20] =	vst v10  }
0x173: {  	v3 =	vadd.f32 v31, v3;
	[tilespmem:$0xCF30] =	vst v7  }
0x174: {  	v6 =	vadd.f32 v18, v6;
	v1 =	vadd.f32 v32, v1;
	[tilespmem:$0xCF60] =	vst v5  }
0x175: {  	v0 =	vadd.f32 v21, v0;
	v7 =	vadd.f32 v19, v8;
	[tilespmem:$0xCF70] =	vst v3  }
0x176: {  	v4 =	vadd.f32 v16, v4;
	v5 =	vadd.f32 v33, v6;
	[tilespmem:$0xCFA0] =	vst v1  }
0x177: {  	v2 =	vadd.f32 v20, v2;
	[tilespmem:$0xD030] =	vst v0;
	v3 =	vadd.f32 v34, v7  }
0x178: {  	[tilespmem:$0xCFB0] =	vst v5;
	v1 =	vadd.f32 v22, v4  }
0x179: {  	v2 =	vadd.f32 v23, v2;
	[tilespmem:$0xCFE0] =	vst v3  }
0x17a: {  	[tilespmem:$0xCFF0] =	vst v1  }
0x17b: {  	s16 =	simm.s32 $0x0;
	[tilespmem:$0xD020] =	vst v2  }
0x17c: {  	v0 =	vld [tilespmem:s16+$0xC810]  }
0x17d: {  	v2 =	vld [tilespmem:s16+$0x9C40]  }
0x17e: {  	v3 =	vld [tilespmem:s16+$0x9C50]  }
0x17f: {  	v4 =	vld [tilespmem:s16+$0xA280]  }
0x180: {  	v5 =	vld [tilespmem:s16+$0xA290]  }
0x181: {  	v6 =	vld [tilespmem:s16+$0xA8C0]  }
0x182: {  	v7 =	vld [tilespmem:s16+$0xA8D0]  }
0x183: {  	v8 =	vld [tilespmem:s16+$0xAF00]  }
0x184: {  	v16 =	vld [tilespmem:s16+$0xAF10]  }
0x185: {  	v1 =	vimm.f32 $0.0e+00;
	v20 =	vld [tilespmem:s16+$0xB540]  }
0x186: {  	v21 =	vld [tilespmem:s16+$0xB550];
	v0 =	vadd.f32 v0, v1  }
0x187: {  	v15 =	vadd.f32 v2, v1;
	v14 =	vadd.f32 v3, v1  }
0x188: {  	v17 =	vld [tilespmem:s16+$0xBB80];
	v13 =	vadd.f32 v4, v1;
	v11 =	vadd.f32 v5, v1  }
0x189: {  	v18 =	vld [tilespmem:s16+$0xBB90];
	v12 =	vadd.f32 v6, v1;
	v9 =	vadd.f32 v7, v1  }
0x18a: {  	v19 =	vld [tilespmem:s16+$0xC1C0];
	v10 =	vadd.f32 v8, v1;
	v7 =	vadd.f32 v16, v1  }
0x18b: {  	v5 =	vadd.f32 v20, v1;
	v16 =	vld [tilespmem:s16+$0xC1D0];
	v3 =	vadd.f32 v21, v1;
	v6 =	vimm.f32 $0.0e+00  }
0x18c: {  	s2 =	simm.s32 $0x100;
	s23 =	simm.s32 $0x20;
	v20 =	vld [tilespmem:s16+$0xC800];
	v8 =	vimm.f32 $0.0e+00;
	v4 =	vimm.f32 $0.0e+00;
	v2 =	vimm.f32 $0.0e+00  }
.LBB2_9:
0x18d: {  	p0 =	sne.s32 s2, $0x1880;
	v21 =	vld [tilespmem:s23+$0xC810];
	v1 =	vadd.f32 v17, v1  }
0x18e: {  	v17 =	vld [tilespmem:s23+$0x9C40];
	v6 =	vadd.f32 v18, v6  }
0x18f: {  	v18 =	vld [tilespmem:s23+$0x9C50];
	v8 =	vadd.f32 v19, v8  }
0x190: {  	v19 =	vld [tilespmem:s23+$0xA280];
	v4 =	vadd.f32 v16, v4  }
0x191: {  	v16 =	vld [tilespmem:s23+$0xA290];
	v2 =	vadd.f32 v20, v2  }
0x192: {  	v20 =	vld [tilespmem:s23+$0xA8C0];
	v0 =	vadd.f32 v21, v0  }
0x193: {  	v15 =	vadd.f32 v17, v15;
	v17 =	vld [tilespmem:s23+$0xA8D0]  }
0x194: {  	v14 =	vadd.f32 v18, v14;
	v18 =	vld [tilespmem:s23+$0xAF00]  }
0x195: {  	v13 =	vadd.f32 v19, v13;
	v19 =	vld [tilespmem:s23+$0xAF10]  }
0x196: {  	v11 =	vadd.f32 v16, v11;
	v16 =	vld [tilespmem:s23+$0xB540]  }
0x197: {  	v12 =	vadd.f32 v20, v12;
	v20 =	vld [tilespmem:s23+$0xB550]  }
.Ltmp3:
0x198: {  	v9 =	vadd.f32 v17, v9;
	v17 =	vld [tilespmem:s23+$0xBB80];
	(pc) =	sbr.rel @p0 .LBB2_9-.Ltmp3, $4  }
0x199: {  	v10 =	vadd.f32 v18, v10;
	v18 =	vld [tilespmem:s23+$0xBB90]  }
0x19a: {  	v7 =	vadd.f32 v19, v7;
	v19 =	vld [tilespmem:s23+$0xC1C0]  }
0x19b: {  	v5 =	vadd.f32 v16, v5;
	v16 =	vld [tilespmem:s23+$0xC1D0]  }
0x19c: {  	v3 =	vadd.f32 v20, v3;
	v20 =	vld [tilespmem:s23+$0xC800];
	s23 =	sshra.s32 s2, $0x2;
	s2 =	sadd.s32 $0x80, s2  }
0x19d: {  	v21 =	vld [tilespmem:s23+$0xC810]  }
0x19e: {  	v22 =	vld [tilespmem:s23+$0x9C40]  }
0x19f: {  	v23 =	vld [tilespmem:s23+$0x9C50]  }
0x1a0: {  	v24 =	vld [tilespmem:s23+$0xA280]  }
0x1a1: {  	v25 =	vld [tilespmem:s23+$0xA290]  }
0x1a2: {  	v26 =	vld [tilespmem:s23+$0xA8C0]  }
0x1a3: {  	v27 =	vld [tilespmem:s23+$0xA8D0]  }
0x1a4: {  	v28 =	vld [tilespmem:s23+$0xAF00]  }
0x1a5: {  	v29 =	vld [tilespmem:s23+$0xAF10]  }
0x1a6: {  	v30 =	vld [tilespmem:s23+$0xB540]  }
0x1a7: {  	v31 =	vld [tilespmem:s23+$0xB550]  }
0x1a8: {  	v32 =	vld [tilespmem:s23+$0xBB80]  }
0x1a9: {  	v33 =	vld [tilespmem:s23+$0xBB90]  }
0x1aa: {  	v34 =	vld [tilespmem:s23+$0xC1C0];
	v15 =	vadd.f32 v22, v15  }
0x1ab: {  	v58 =	vld [tilespmem:s23+$0xC1D0];
	v14 =	vadd.f32 v23, v14  }
0x1ac: {  	v59 =	vld [tilespmem:s23+$0xC800];
	v13 =	vadd.f32 v24, v13;
	[tilespmem:$0xD060] =	vst v15  }
0x1ad: {  	v11 =	vadd.f32 v25, v11;
	[tilespmem:$0xD070] =	vst v14  }
0x1ae: {  	v12 =	vadd.f32 v26, v12;
	[tilespmem:$0xD0A0] =	vst v13  }
0x1af: {  	v9 =	vadd.f32 v27, v9;
	[tilespmem:$0xD0B0] =	vst v11  }
0x1b0: {  	v10 =	vadd.f32 v28, v10;
	[tilespmem:$0xD0E0] =	vst v12  }
0x1b1: {  	v7 =	vadd.f32 v29, v7;
	[tilespmem:$0xD0F0] =	vst v9  }
0x1b2: {  	v1 =	vadd.f32 v17, v1;
	v5 =	vadd.f32 v30, v5;
	[tilespmem:$0xD120] =	vst v10  }
0x1b3: {  	v6 =	vadd.f32 v18, v6;
	v3 =	vadd.f32 v31, v3;
	[tilespmem:$0xD130] =	vst v7  }
0x1b4: {  	v60 =	vadd.f32 v19, v8;
	v1 =	vadd.f32 v32, v1;
	[tilespmem:$0xD160] =	vst v5  }
0x1b5: {  	v4 =	vadd.f32 v16, v4;
	v61 =	vadd.f32 v33, v6;
	[tilespmem:$0xD170] =	vst v3  }
0x1b6: {  	v62 =	vadd.f32 v34, v60;
	[tilespmem:$0xD1A0] =	vst v1  }
0x1b7: {  	v2 =	vadd.f32 v20, v2;
	v63 =	vadd.f32 v58, v4;
	[tilespmem:$0xD1B0] =	vst v61  }
0x1b8: {  	v0 =	vadd.f32 v21, v0;
	[tilespmem:$0xD1E0] =	vst v62  }
0x1b9: {  	v2 =	vadd.f32 v59, v2;
	[tilespmem:$0xD1F0] =	vst v63  }
0x1ba: {  	s0 =	sshll.u32 s0, $0x7;
	p0 =	sne.s32 s19, $0x20;
	[tilespmem:$0xD230] =	vst v0  }
.Ltmp4:
0x1bb: {  	s0 =	sadd.s32 s0, s9;
	[tilespmem:$0xD220] =	vst v2;
	(pc) =	sbr.rel @p0 .LBB2_2-.Ltmp4, $4  }
0x1bc: {  	[hbm4b:s0+s8] =	stream.linear.scatter [tilespmem:s31], [sflag:$0x3], $0x400, $0x38;
	[tilespmem:$0xD240] =	vst v63  }
0x1bd: {  	_ =	swait.ge [sflag:s11], $0x400  }
0x1be: {  	[sflag:s11] =	ssyncset.done $0x0  }
0x1bf: {  	s0 =	smov.u32 s19;
	[sflag:s11] =	ssyncadd.s32 $0xFFFFFC00  }
0x1c0: {  	_ =	swait.ge [sflag:s30], $0x6400  }
0x1c1: {  	s2 =	rddreg [dreg:$0x4]  }
0x1c2: {  	s0 =	rddreg [dreg:$0x3];
	s2 =	sadd.s32 $0x1, s2  }
0x1c3: {  	p0 =	sne.s32 s2, s0  }
.Ltmp5:
0x1c4: {  	_ = 	snop;
	(pc) =	sbr.rel @p0 .LBB2_1-.Ltmp5, $3  }
0x1c5: {  	_ =	sdelay $0x1  }
0x1c6: {  	[sflag:s30] =	ssyncset.done $0x0  }
0x1c7: {  	[sflag:s30] =	ssyncadd.s32 $0xFFFF9C00  }
0x1c8: {  	_ =	sfence.sel $0x180000  }
0x1c9: {  	[bflag:$0x0] =	sbarrier.arrive $0xFFFF  }
0x1ca: {  	_ =	strace $0x90000047  }
0x1cb: {  	s0 =	stileid.u32;
	[bflag:$0x2] =	sbarrier.arrive $0xFFFF  }
0x1cc: {  	p0 =	sne.s32 s0, $0x0;
	s0 =	rddreg [dreg:$0x1]  }
0x1cd: {  	s0 =	sadd.s32 @!p0 $0x100000, s0  }
0x1ce: {  	[sflag:s0] =	ssyncadd.tile.s32 @!p0 $0x1;
	_ =	shalt  }
.Lfunc_end2:
_tile_overlayer_lowered:
.L_overlay_start_2:
0x1cf: {  	(tag) =	ssettag $0x2  }
0x1d0: {  	s0 =	rddreg [dreg:$0x0];
	s2 =	stileid.u32  }
0x1d1: {  	s1 =	rddreg [dreg:$0x1];
	p0 =	sne.s32 s2, $0x0  }
0x1d2: {  	s3 =	rddreg [dreg:$0x2];
	[bflag:$0x3] =	sbarrier.arrive $0xFFFF;
	s2 =	simm.s32 @!p0 $0x1C03  }
0x1d3: {  	[timem:s3], [sflag:s2] =	dma.local @!p0 [hbm:s0], s1  }
0x1d4: {  	s0 =	simm.s32 @!p0 $0x3  }
0x1d5: {  	_ =	swait.ge @!p0 [sflag:s0], s1  }
0x1d6: {  	s1 =	ssub.s32 @!p0 $0x0, s1;
	[sflag:s0] =	ssyncset.done @!p0 $0x0  }
0x1d7: {  	[sflag:s0] =	ssyncadd.s32 @!p0 s1  }
0x1d8: {  	[bflag:$0x3] =	sbarrier.arrive $0xFFFF  }
0x1d9: {  	_ =	shalt  }

</sc_bundles>
